<compile_context>
chip_gen: v7x
topology: tpu7x:2x2x1
jax: 0.10.2.dev20260603
libtpu: 0.0.44.dev20260713+nightly
codegen_flags: <defaults>
</compile_context>

<pallas_src>
import functools

import jax
import jax.numpy as jnp
from jax import lax
from jax.experimental import pallas as pl
from jax.experimental.pallas import tpu as pltpu
from jax.experimental.pallas import tpu_sc as plsc

EMBED = 32
PAD = 0
BATCH = 4096
SEQ = 50
VOCAB = 100000

NUM_CORES = 2
NUM_SUBCORES = 16
UNROLL = 8
NBUF = 4
MAIN = (SEQ // NBUF) * NBUF


def _emb_body(src_idx, tgt_idx, src_tab, tgt_tab, src_out, tgt_out,
              row_v, ib0, ib1, ib2, ib3, ob0, ob1,
              sem_i0, sem_i1, sem_i2, sem_i3, sem_o0, sem_o1, sem_row):
    cid = lax.axis_index("c")
    sid = lax.axis_index("s")
    ibs = (ib0, ib1, ib2, ib3)
    sem_is = (sem_i0, sem_i1, sem_i2, sem_i3)
    obs = (ob0, ob1)
    sem_os = (sem_o0, sem_o1)

    def gather_row(ib, ob):
        @plsc.parallel_loop(0, BATCH, 16, unroll=UNROLL)
        def _(off):
            idx16 = ib[pl.ds(off, 16)]
            ob[pl.ds(off, 16)] = plsc.load_gather(row_v, [idx16])

    for tab, idxh, outh in ((src_tab, src_idx, src_out),
                            (tgt_tab, tgt_idx, tgt_out)):
        @pl.when(cid == (0 if tab is src_tab else 1))
        def _table():
            for phase in range(2):
                e = sid + phase * NUM_SUBCORES
                row_dma = pltpu.async_copy(tab.at[e], row_v, sem_row)
                for k in range(NBUF):
                    pltpu.async_copy(idxh.at[k], ibs[k], sem_is[k])
                row_dma.wait()
                head = row_v[pl.ds(0, 16)]
                row_v[pl.ds(0, 16)] = jnp.where(
                    lax.iota(jnp.int32, 16) == PAD, 0.0, head)

                def step(s, k):
                    ib, sem_i = ibs[k], sem_is[k]
                    ob, sem_o = obs[k % 2], sem_os[k % 2]
                    pltpu.make_async_copy(idxh.at[0], ib, sem_i).wait()

                    @pl.when(s >= 2)
                    def _():
                        pltpu.make_async_copy(ob, outh.at[0, e], sem_o).wait()

                    gather_row(ib, ob)

                    @pl.when(s + NBUF < SEQ)
                    def _():
                        pltpu.async_copy(idxh.at[s + NBUF], ib, sem_i)

                    pltpu.async_copy(ob, outh.at[s, e], sem_o)

                def quad(i, _):
                    for k in range(NBUF):
                        step(NBUF * i + k, k)
                    return 0

                lax.fori_loop(0, MAIN // NBUF, quad, 0)
                for s in range(MAIN, SEQ):
                    step(s, s % NBUF)
                pltpu.make_async_copy(ob0, outh.at[0, e], sem_o0).wait()
                pltpu.make_async_copy(ob1, outh.at[0, e], sem_o1).wait()


_emb_kernel = functools.partial(
    pl.kernel,
    mesh=plsc.VectorSubcoreMesh(core_axis_name="c", subcore_axis_name="s"),
    out_type=(
        jax.ShapeDtypeStruct((SEQ, EMBED, BATCH), jnp.float32),
        jax.ShapeDtypeStruct((SEQ, EMBED, BATCH), jnp.float32),
    ),
    scratch_types=[
        pltpu.VMEM((VOCAB,), jnp.float32),
        pltpu.VMEM((BATCH,), jnp.int32),
        pltpu.VMEM((BATCH,), jnp.int32),
        pltpu.VMEM((BATCH,), jnp.int32),
        pltpu.VMEM((BATCH,), jnp.int32),
        pltpu.VMEM((BATCH,), jnp.float32),
        pltpu.VMEM((BATCH,), jnp.float32),
        pltpu.SemaphoreType.DMA,
        pltpu.SemaphoreType.DMA,
        pltpu.SemaphoreType.DMA,
        pltpu.SemaphoreType.DMA,
        pltpu.SemaphoreType.DMA,
        pltpu.SemaphoreType.DMA,
        pltpu.SemaphoreType.DMA,
    ],
    compiler_params=pltpu.CompilerParams(
        use_tc_tiling_on_sc=True, needs_layout_passes=False),
)(_emb_body)


@jax.jit
def kernel(src_indices, tgt_indices, src_table, tgt_table):
    si = src_indices.T.astype(jnp.int32)
    ti = tgt_indices.T.astype(jnp.int32)
    st = src_table.T
    tt = tgt_table.T
    src_out, tgt_out = _emb_kernel(si, ti, st, tt)
    return (jnp.transpose(src_out, (2, 0, 1)),
            jnp.transpose(tgt_out, (2, 0, 1)))

# --- scband reference (transcript-rebuilt; emitter-appended) ---
"""Pipeline reference for scband-model-embeddings-70600672412162 (READ-ONLY COPY).

The authoritative reference and input builder live on the scoring server;
editing this copy changes nothing except your own understanding.
"""

import jax, jax.numpy as jnp
import numpy as np

VOCAB_SRC = 100000
VOCAB_TGT = 100000
EMBED = 32
PAD = 0
BATCH = 4096
SEQ = 50


def setup_inputs(seed: int = 0) -> dict:
    key = jax.random.key(seed)
    k1, k2, k3, k4 = jax.random.split(key, 4)
    src_indices = jax.random.randint(k1, (BATCH, SEQ), 0, VOCAB_SRC)
    tgt_indices = jax.random.randint(k2, (BATCH, SEQ), 0, VOCAB_TGT)
    src_table = jax.random.normal(k3, (VOCAB_SRC, EMBED), dtype=jnp.float32)
    tgt_table = jax.random.normal(k4, (VOCAB_TGT, EMBED), dtype=jnp.float32)
    return {
        "src_indices": src_indices,
        "tgt_indices": tgt_indices,
        "src_table": src_table,
        "tgt_table": tgt_table,
    }


def reference(src_indices, tgt_indices, src_table, tgt_table):
    # nn.Embedding with padding_idx: the pad row is held at zero.
    src_table = src_table.at[PAD].set(0.0)
    tgt_table = tgt_table.at[PAD].set(0.0)
    src_emb = jnp.take(src_table, src_indices, axis=0)
    tgt_emb = jnp.take(tgt_table, tgt_indices, axis=0)
    return (src_emb, tgt_emb)

if __name__ == "__main__":
    import jax
    _d = setup_inputs()
    print(jax.jit(kernel)(*tuple(_d.values())))

</pallas_src>

<mosaic_0001>
#map = affine_map<(d0, d1) -> (0, 0)>
#map1 = affine_map<(d0, d1) -> (0, 0, 0)>
module attributes {stable_mosaic.version = 14 : i64} {
  func.func @_emb_body(%arg0: i32, %arg1: i32, %arg2: memref<50x4096xi32, #tpu.memory_space<hbm>>, %arg3: memref<50x4096xi32, #tpu.memory_space<hbm>>, %arg4: memref<32x100000xf32, #tpu.memory_space<hbm>>, %arg5: memref<32x100000xf32, #tpu.memory_space<hbm>>, %arg6: memref<50x32x4096xf32, #tpu.memory_space<hbm>>, %arg7: memref<50x32x4096xf32, #tpu.memory_space<hbm>>, %arg8: memref<100000xf32, #tpu.memory_space<vmem>>, %arg9: memref<4096xi32, #tpu.memory_space<vmem>>, %arg10: memref<4096xi32, #tpu.memory_space<vmem>>, %arg11: memref<4096xi32, #tpu.memory_space<vmem>>, %arg12: memref<4096xi32, #tpu.memory_space<vmem>>, %arg13: memref<4096xf32, #tpu.memory_space<vmem>>, %arg14: memref<4096xf32, #tpu.memory_space<vmem>>, %arg15: memref<!tpu.dma_semaphore, #tpu.memory_space<semaphore_mem>>, %arg16: memref<!tpu.dma_semaphore, #tpu.memory_space<semaphore_mem>>, %arg17: memref<!tpu.dma_semaphore, #tpu.memory_space<semaphore_mem>>, %arg18: memref<!tpu.dma_semaphore, #tpu.memory_space<semaphore_mem>>, %arg19: memref<!tpu.dma_semaphore, #tpu.memory_space<semaphore_mem>>, %arg20: memref<!tpu.dma_semaphore, #tpu.memory_space<semaphore_mem>>, %arg21: memref<!tpu.dma_semaphore, #tpu.memory_space<semaphore_mem>>) attributes {dimension_semantics = [#tpu.dimension_semantics<core_parallel>, #tpu.dimension_semantics<subcore_parallel>], iteration_bounds = array<i64: 2, 16>, scalar_prefetch = 0 : i64, scratch_operands = 14 : i64, tpu.core_type = #tpu.core_type<sc_vector_subcore>, window_params = [{transform_indices = #map}, {transform_indices = #map}, {transform_indices = #map}, {transform_indices = #map}, {transform_indices = #map1}, {transform_indices = #map1}]} {
    %eq3A = arith.constant 0 : i32
    %eq3A_0 = arith.cmpi eq, %arg0, %eq3A : i32
    %convert_element_type3A = arith.extui %eq3A_0 : i1 to i32
    %cond3A = arith.constant 0 : i32
    %cond3A_1 = arith.cmpi ne, %convert_element_type3A, %cond3A : i32
    scf.if %cond3A_1 {
      %add3A = arith.constant 0 : i32
      %add3A_7 = arith.addi %arg1, %add3A : i32
      %dma_start3A = arith.constant 0 : i32
      %dma_start3A_8 = tpu.memref_slice %arg4[%add3A_7, %dma_start3A] : memref<32x100000xf32, #tpu.memory_space<hbm>> -> memref<1x100000xf32, #tpu.memory_space<hbm>>
      %dma_start3A_9 = tpu.memref_squeeze %dma_start3A_8 : memref<1x100000xf32, #tpu.memory_space<hbm>> -> memref<100000xf32, #tpu.memory_space<hbm>>
      %dma_start3A_10 = arith.constant 0 : i32
      %dma_start3A_11 = tpu.memref_slice %arg4[%add3A_7, %dma_start3A_10] : memref<32x100000xf32, #tpu.memory_space<hbm>> -> memref<1x100000xf32, #tpu.memory_space<hbm>>
      %dma_start3A_12 = tpu.memref_squeeze %dma_start3A_11 : memref<1x100000xf32, #tpu.memory_space<hbm>> -> memref<100000xf32, #tpu.memory_space<hbm>>
      tpu.enqueue_dma source(%dma_start3A_12 : memref<100000xf32, #tpu.memory_space<hbm>>) target(%arg8 : memref<100000xf32, #tpu.memory_space<vmem>>) target_semaphore(%arg21 : memref<!tpu.dma_semaphore, #tpu.memory_space<semaphore_mem>>)
      %dma_start3A_13 = arith.constant 0 : i32
      %dma_start3A_14 = arith.constant 0 : i32
      %dma_start3A_15 = tpu.memref_slice %arg2[%dma_start3A_13, %dma_start3A_14] : memref<50x4096xi32, #tpu.memory_space<hbm>> -> memref<1x4096xi32, #tpu.memory_space<hbm>>
      %dma_start3A_16 = tpu.memref_squeeze %dma_start3A_15 : memref<1x4096xi32, #tpu.memory_space<hbm>> -> memref<4096xi32, #tpu.memory_space<hbm>>
      %dma_start3A_17 = arith.constant 0 : i32
      %dma_start3A_18 = tpu.memref_slice %arg2[%dma_start3A_13, %dma_start3A_17] : memref<50x4096xi32, #tpu.memory_space<hbm>> -> memref<1x4096xi32, #tpu.memory_space<hbm>>
      %dma_start3A_19 = tpu.memref_squeeze %dma_start3A_18 : memref<1x4096xi32, #tpu.memory_space<hbm>> -> memref<4096xi32, #tpu.memory_space<hbm>>
      tpu.enqueue_dma source(%dma_start3A_19 : memref<4096xi32, #tpu.memory_space<hbm>>) target(%arg9 : memref<4096xi32, #tpu.memory_space<vmem>>) target_semaphore(%arg15 : memref<!tpu.dma_semaphore, #tpu.memory_space<semaphore_mem>>)
      %dma_start3A_20 = arith.constant 1 : i32
      %dma_start3A_21 = arith.constant 0 : i32
      %dma_start3A_22 = tpu.memref_slice %arg2[%dma_start3A_20, %dma_start3A_21] : memref<50x4096xi32, #tpu.memory_space<hbm>> -> memref<1x4096xi32, #tpu.memory_space<hbm>>
      %dma_start3A_23 = tpu.memref_squeeze %dma_start3A_22 : memref<1x4096xi32, #tpu.memory_space<hbm>> -> memref<4096xi32, #tpu.memory_space<hbm>>
      %dma_start3A_24 = arith.constant 0 : i32
      %dma_start3A_25 = tpu.memref_slice %arg2[%dma_start3A_20, %dma_start3A_24] : memref<50x4096xi32, #tpu.memory_space<hbm>> -> memref<1x4096xi32, #tpu.memory_space<hbm>>
      %dma_start3A_26 = tpu.memref_squeeze %dma_start3A_25 : memref<1x4096xi32, #tpu.memory_space<hbm>> -> memref<4096xi32, #tpu.memory_space<hbm>>
      tpu.enqueue_dma source(%dma_start3A_26 : memref<4096xi32, #tpu.memory_space<hbm>>) target(%arg10 : memref<4096xi32, #tpu.memory_space<vmem>>) target_semaphore(%arg16 : memref<!tpu.dma_semaphore, #tpu.memory_space<semaphore_mem>>)
      %dma_start3A_27 = arith.constant 2 : i32
      %dma_start3A_28 = arith.constant 0 : i32
      %dma_start3A_29 = tpu.memref_slice %arg2[%dma_start3A_27, %dma_start3A_28] : memref<50x4096xi32, #tpu.memory_space<hbm>> -> memref<1x4096xi32, #tpu.memory_space<hbm>>
      %dma_start3A_30 = tpu.memref_squeeze %dma_start3A_29 : memref<1x4096xi32, #tpu.memory_space<hbm>> -> memref<4096xi32, #tpu.memory_space<hbm>>
      %dma_start3A_31 = arith.constant 0 : i32
      %dma_start3A_32 = tpu.memref_slice %arg2[%dma_start3A_27, %dma_start3A_31] : memref<50x4096xi32, #tpu.memory_space<hbm>> -> memref<1x4096xi32, #tpu.memory_space<hbm>>
      %dma_start3A_33 = tpu.memref_squeeze %dma_start3A_32 : memref<1x4096xi32, #tpu.memory_space<hbm>> -> memref<4096xi32, #tpu.memory_space<hbm>>
      tpu.enqueue_dma source(%dma_start3A_33 : memref<4096xi32, #tpu.memory_space<hbm>>) target(%arg11 : memref<4096xi32, #tpu.memory_space<vmem>>) target_semaphore(%arg17 : memref<!tpu.dma_semaphore, #tpu.memory_space<semaphore_mem>>)
      %dma_start3A_34 = arith.constant 3 : i32
      %dma_start3A_35 = arith.constant 0 : i32
      %dma_start3A_36 = tpu.memref_slice %arg2[%dma_start3A_34, %dma_start3A_35] : memref<50x4096xi32, #tpu.memory_space<hbm>> -> memref<1x4096xi32, #tpu.memory_space<hbm>>
      %dma_start3A_37 = tpu.memref_squeeze %dma_start3A_36 : memref<1x4096xi32, #tpu.memory_space<hbm>> -> memref<4096xi32, #tpu.memory_space<hbm>>
      %dma_start3A_38 = arith.constant 0 : i32
      %dma_start3A_39 = tpu.memref_slice %arg2[%dma_start3A_34, %dma_start3A_38] : memref<50x4096xi32, #tpu.memory_space<hbm>> -> memref<1x4096xi32, #tpu.memory_space<hbm>>
      %dma_start3A_40 = tpu.memref_squeeze %dma_start3A_39 : memref<1x4096xi32, #tpu.memory_space<hbm>> -> memref<4096xi32, #tpu.memory_space<hbm>>
      tpu.enqueue_dma source(%dma_start3A_40 : memref<4096xi32, #tpu.memory_space<hbm>>) target(%arg12 : memref<4096xi32, #tpu.memory_space<vmem>>) target_semaphore(%arg18 : memref<!tpu.dma_semaphore, #tpu.memory_space<semaphore_mem>>)
      %dma_wait3A = arith.constant 0 : i32
      %dma_wait3A_41 = tpu.memref_slice %arg4[%add3A_7, %dma_wait3A] : memref<32x100000xf32, #tpu.memory_space<hbm>> -> memref<1x100000xf32, #tpu.memory_space<hbm>>
      %dma_wait3A_42 = tpu.memref_squeeze %dma_wait3A_41 : memref<1x100000xf32, #tpu.memory_space<hbm>> -> memref<100000xf32, #tpu.memory_space<hbm>>
      %dma_wait3A_43 = arith.constant 0 : i32
      %dma_wait3A_44 = tpu.memref_slice %arg4[%add3A_7, %dma_wait3A_43] : memref<32x100000xf32, #tpu.memory_space<hbm>> -> memref<1x100000xf32, #tpu.memory_space<hbm>>
      %dma_wait3A_45 = tpu.memref_squeeze %dma_wait3A_44 : memref<1x100000xf32, #tpu.memory_space<hbm>> -> memref<100000xf32, #tpu.memory_space<hbm>>
      tpu.wait_dma2 semaphore(%arg21 : memref<!tpu.dma_semaphore, #tpu.memory_space<semaphore_mem>>) src(%dma_wait3A_45 : memref<100000xf32, #tpu.memory_space<hbm>>) dst(%arg8 : memref<100000xf32, #tpu.memory_space<vmem>>)
      %get3A = arith.constant 0 : index
      %get3A_46 = tpu.vector_load %arg8[%get3A] {strides = array<i32>} : memref<100000xf32, #tpu.memory_space<vmem>>, vector<16xf32>,
      %iota3A = tpu.iota {dimensions = array<i32: 0>} : vector<16xi32>
      %eq3A_47 = arith.constant 0 : i32
      %eq3A_48 = vector.broadcast %eq3A_47 : i32 to vector<16xi32>
      %eq3A_49 = arith.cmpi eq, %iota3A, %eq3A_48 : vector<16xi32>
      %jit3A = arith.constant 0.000000e+00 : f32
      %broadcast_in_dim3A = vector.broadcast %jit3A : f32 to vector<16xf32>
      %select_n3A = arith.select %eq3A_49, %broadcast_in_dim3A, %get3A_46 : vector<16xi1>, vector<16xf32>
      %swap3A = arith.constant 0 : index
      %swap3A_50 = tpu.vector_load %arg8[%swap3A] {strides = array<i32>} : memref<100000xf32, #tpu.memory_space<vmem>>, vector<16xf32>,
      tpu.vector_store %arg8[%swap3A], %select_n3A {strides = array<i32>} : memref<100000xf32, #tpu.memory_space<vmem>>, vector<16xf32>,
      %scan3A = arith.constant 0 : i32
      %scan3A_51 = arith.constant 0 : i32
      %scan3A_52 = arith.constant 12 : i32
      %scan3A_53 = arith.addi %scan3A_51, %scan3A_52 : i32
      %scan3A_54 = arith.constant 1 : i32
      %scan3A_55 = scf.for %scan3A_240 = %scan3A_51 to %scan3A_53 step %scan3A_54 iter_args(%scan3A_241 = %scan3A) -> (i32)  : i32 {
        %mul3A = arith.constant 4 : i32
        %mul3A_242 = arith.muli %mul3A, %scan3A_240 : i32
        %add3A_243 = arith.constant 0 : i32
        %add3A_244 = arith.addi %mul3A_242, %add3A_243 : i32
        %dma_wait3A_245 = arith.constant 0 : i32
        %dma_wait3A_246 = arith.constant 0 : i32
        %dma_wait3A_247 = tpu.memref_slice %arg2[%dma_wait3A_245, %dma_wait3A_246] : memref<50x4096xi32, #tpu.memory_space<hbm>> -> memref<1x4096xi32, #tpu.memory_space<hbm>>
        %dma_wait3A_248 = tpu.memref_squeeze %dma_wait3A_247 : memref<1x4096xi32, #tpu.memory_space<hbm>> -> memref<4096xi32, #tpu.memory_space<hbm>>
        %dma_wait3A_249 = arith.constant 0 : i32
        %dma_wait3A_250 = tpu.memref_slice %arg2[%dma_wait3A_245, %dma_wait3A_249] : memref<50x4096xi32, #tpu.memory_space<hbm>> -> memref<1x4096xi32, #tpu.memory_space<hbm>>
        %dma_wait3A_251 = tpu.memref_squeeze %dma_wait3A_250 : memref<1x4096xi32, #tpu.memory_space<hbm>> -> memref<4096xi32, #tpu.memory_space<hbm>>
        tpu.wait_dma2 semaphore(%arg15 : memref<!tpu.dma_semaphore, #tpu.memory_space<semaphore_mem>>) src(%dma_wait3A_251 : memref<4096xi32, #tpu.memory_space<hbm>>) dst(%arg9 : memref<4096xi32, #tpu.memory_space<vmem>>)
        %ge3A = arith.constant 2 : i32
        %ge3A_252 = arith.cmpi sge, %add3A_244, %ge3A : i32
        %convert_element_type3A_253 = arith.extui %ge3A_252 : i1 to i32
        %cond3A_254 = arith.constant 0 : i32
        %cond3A_255 = arith.cmpi ne, %convert_element_type3A_253, %cond3A_254 : i32
        scf.if %cond3A_255 {
          %dma_wait3A_368 = arith.constant 0 : i32
          %dma_wait3A_369 = arith.constant 0 : i32
          %dma_wait3A_370 = tpu.memref_slice %arg6[%dma_wait3A_368, %add3A_7, %dma_wait3A_369] : memref<50x32x4096xf32, #tpu.memory_space<hbm>> -> memref<1x1x4096xf32, #tpu.memory_space<hbm>>
          %dma_wait3A_371 = tpu.memref_squeeze %dma_wait3A_370 : memref<1x1x4096xf32, #tpu.memory_space<hbm>> -> memref<4096xf32, #tpu.memory_space<hbm>>
          %dma_wait3A_372 = arith.constant 0 : i32
          %dma_wait3A_373 = tpu.memref_slice %arg6[%dma_wait3A_368, %add3A_7, %dma_wait3A_372] : memref<50x32x4096xf32, #tpu.memory_space<hbm>> -> memref<1x1x4096xf32, #tpu.memory_space<hbm>>
          %dma_wait3A_374 = tpu.memref_squeeze %dma_wait3A_373 : memref<1x1x4096xf32, #tpu.memory_space<hbm>> -> memref<4096xf32, #tpu.memory_space<hbm>>
          tpu.wait_dma2 semaphore(%arg19 : memref<!tpu.dma_semaphore, #tpu.memory_space<semaphore_mem>>) src(%arg13 : memref<4096xf32, #tpu.memory_space<vmem>>) dst(%dma_wait3A_374 : memref<4096xf32, #tpu.memory_space<hbm>>)
        } else {
        }
        %parallel_loop3A_256 = arith.constant 0 : i32
        %parallel_loop3A_257 = arith.constant 4096 : i32
        %parallel_loop3A_258 = arith.constant 16 : i32
        scf.for %parallel_loop3A_368 = %parallel_loop3A_256 to %parallel_loop3A_257 step %parallel_loop3A_258  : i32 {
          %parallel_loop3A_369 = arith.index_cast %parallel_loop3A_368 : i32 to index
          %parallel_loop3A_370 = tpu.vector_load %arg9[%parallel_loop3A_369] {strides = array<i32>} : memref<4096xi32, #tpu.memory_space<vmem>>, vector<16xi32>,
          %parallel_loop3A_371 = tpu.vector_load_idx %arg8[%parallel_loop3A_370] : memref<100000xf32, #tpu.memory_space<vmem>>[vector<16xi32>], vector<16xf32>,
          %parallel_loop3A_372 = arith.index_cast %parallel_loop3A_368 : i32 to index
          %parallel_loop3A_373 = tpu.vector_load %arg13[%parallel_loop3A_372] {strides = array<i32>} : memref<4096xf32, #tpu.memory_space<vmem>>, vector<16xf32>,
          tpu.vector_store %arg13[%parallel_loop3A_372], %parallel_loop3A_371 {strides = array<i32>} : memref<4096xf32, #tpu.memory_space<vmem>>, vector<16xf32>,
        } {sc.loop_unroll_factor = 8 : i64, sc.parallel_access}
        %add3A_259 = arith.constant 4 : i32
        %add3A_260 = arith.addi %add3A_244, %add3A_259 : i32
        %lt3A = arith.constant 50 : i32
        %lt3A_261 = arith.cmpi slt, %add3A_260, %lt3A : i32
        %convert_element_type3A_262 = arith.extui %lt3A_261 : i1 to i32
        %cond3A_263 = arith.constant 0 : i32
        %cond3A_264 = arith.cmpi ne, %convert_element_type3A_262, %cond3A_263 : i32
        scf.if %cond3A_264 {
          %add3A_368 = arith.constant 4 : i32
          %add3A_369 = arith.addi %add3A_244, %add3A_368 : i32
          %dma_start3A_370 = arith.constant 0 : i32
          %dma_start3A_371 = tpu.memref_slice %arg2[%add3A_369, %dma_start3A_370] : memref<50x4096xi32, #tpu.memory_space<hbm>> -> memref<1x4096xi32, #tpu.memory_space<hbm>>
          %dma_start3A_372 = tpu.memref_squeeze %dma_start3A_371 : memref<1x4096xi32, #tpu.memory_space<hbm>> -> memref<4096xi32, #tpu.memory_space<hbm>>
          %dma_start3A_373 = arith.constant 0 : i32
          %dma_start3A_374 = tpu.memref_slice %arg2[%add3A_369, %dma_start3A_373] : memref<50x4096xi32, #tpu.memory_space<hbm>> -> memref<1x4096xi32, #tpu.memory_space<hbm>>
          %dma_start3A_375 = tpu.memref_squeeze %dma_start3A_374 : memref<1x4096xi32, #tpu.memory_space<hbm>> -> memref<4096xi32, #tpu.memory_space<hbm>>
          tpu.enqueue_dma source(%dma_start3A_375 : memref<4096xi32, #tpu.memory_space<hbm>>) target(%arg9 : memref<4096xi32, #tpu.memory_space<vmem>>) target_semaphore(%arg15 : memref<!tpu.dma_semaphore, #tpu.memory_space<semaphore_mem>>)
        } else {
        }
        %dma_start3A_265 = arith.constant 0 : i32
        %dma_start3A_266 = tpu.memref_slice %arg6[%add3A_244, %add3A_7, %dma_start3A_265] : memref<50x32x4096xf32, #tpu.memory_space<hbm>> -> memref<1x1x4096xf32, #tpu.memory_space<hbm>>
        %dma_start3A_267 = tpu.memref_squeeze %dma_start3A_266 : memref<1x1x4096xf32, #tpu.memory_space<hbm>> -> memref<4096xf32, #tpu.memory_space<hbm>>
        %dma_start3A_268 = arith.constant 0 : i32
        %dma_start3A_269 = tpu.memref_slice %arg6[%add3A_244, %add3A_7, %dma_start3A_268] : memref<50x32x4096xf32, #tpu.memory_space<hbm>> -> memref<1x1x4096xf32, #tpu.memory_space<hbm>>
        %dma_start3A_270 = tpu.memref_squeeze %dma_start3A_269 : memref<1x1x4096xf32, #tpu.memory_space<hbm>> -> memref<4096xf32, #tpu.memory_space<hbm>>
        tpu.enqueue_dma source(%arg13 : memref<4096xf32, #tpu.memory_space<vmem>>) target(%dma_start3A_270 : memref<4096xf32, #tpu.memory_space<hbm>>) target_semaphore(%arg19 : memref<!tpu.dma_semaphore, #tpu.memory_space<semaphore_mem>>)
        %mul3A_271 = arith.constant 4 : i32
        %mul3A_272 = arith.muli %mul3A_271, %scan3A_240 : i32
        %add3A_273 = arith.constant 1 : i32
        %add3A_274 = arith.addi %mul3A_272, %add3A_273 : i32
        %dma_wait3A_275 = arith.constant 0 : i32
        %dma_wait3A_276 = arith.constant 0 : i32
        %dma_wait3A_277 = tpu.memref_slice %arg2[%dma_wait3A_275, %dma_wait3A_276] : memref<50x4096xi32, #tpu.memory_space<hbm>> -> memref<1x4096xi32, #tpu.memory_space<hbm>>
        %dma_wait3A_278 = tpu.memref_squeeze %dma_wait3A_277 : memref<1x4096xi32, #tpu.memory_space<hbm>> -> memref<4096xi32, #tpu.memory_space<hbm>>
        %dma_wait3A_279 = arith.constant 0 : i32
        %dma_wait3A_280 = tpu.memref_slice %arg2[%dma_wait3A_275, %dma_wait3A_279] : memref<50x4096xi32, #tpu.memory_space<hbm>> -> memref<1x4096xi32, #tpu.memory_space<hbm>>
        %dma_wait3A_281 = tpu.memref_squeeze %dma_wait3A_280 : memref<1x4096xi32, #tpu.memory_space<hbm>> -> memref<4096xi32, #tpu.memory_space<hbm>>
        tpu.wait_dma2 semaphore(%arg16 : memref<!tpu.dma_semaphore, #tpu.memory_space<semaphore_mem>>) src(%dma_wait3A_281 : memref<4096xi32, #tpu.memory_space<hbm>>) dst(%arg10 : memref<4096xi32, #tpu.memory_space<vmem>>)
        %ge3A_282 = arith.constant 2 : i32
        %ge3A_283 = arith.cmpi sge, %add3A_274, %ge3A_282 : i32
        %convert_element_type3A_284 = arith.extui %ge3A_283 : i1 to i32
        %cond3A_285 = arith.constant 0 : i32
        %cond3A_286 = arith.cmpi ne, %convert_element_type3A_284, %cond3A_285 : i32
        scf.if %cond3A_286 {
          %dma_wait3A_368 = arith.constant 0 : i32
          %dma_wait3A_369 = arith.constant 0 : i32
          %dma_wait3A_370 = tpu.memref_slice %arg6[%dma_wait3A_368, %add3A_7, %dma_wait3A_369] : memref<50x32x4096xf32, #tpu.memory_space<hbm>> -> memref<1x1x4096xf32, #tpu.memory_space<hbm>>
          %dma_wait3A_371 = tpu.memref_squeeze %dma_wait3A_370 : memref<1x1x4096xf32, #tpu.memory_space<hbm>> -> memref<4096xf32, #tpu.memory_space<hbm>>
          %dma_wait3A_372 = arith.constant 0 : i32
          %dma_wait3A_373 = tpu.memref_slice %arg6[%dma_wait3A_368, %add3A_7, %dma_wait3A_372] : memref<50x32x4096xf32, #tpu.memory_space<hbm>> -> memref<1x1x4096xf32, #tpu.memory_space<hbm>>
          %dma_wait3A_374 = tpu.memref_squeeze %dma_wait3A_373 : memref<1x1x4096xf32, #tpu.memory_space<hbm>> -> memref<4096xf32, #tpu.memory_space<hbm>>
          tpu.wait_dma2 semaphore(%arg20 : memref<!tpu.dma_semaphore, #tpu.memory_space<semaphore_mem>>) src(%arg14 : memref<4096xf32, #tpu.memory_space<vmem>>) dst(%dma_wait3A_374 : memref<4096xf32, #tpu.memory_space<hbm>>)
        } else {
        }
        %parallel_loop3A_287 = arith.constant 0 : i32
        %parallel_loop3A_288 = arith.constant 4096 : i32
        %parallel_loop3A_289 = arith.constant 16 : i32
        scf.for %parallel_loop3A_368 = %parallel_loop3A_287 to %parallel_loop3A_288 step %parallel_loop3A_289  : i32 {
          %parallel_loop3A_369 = arith.index_cast %parallel_loop3A_368 : i32 to index
          %parallel_loop3A_370 = tpu.vector_load %arg10[%parallel_loop3A_369] {strides = array<i32>} : memref<4096xi32, #tpu.memory_space<vmem>>, vector<16xi32>,
          %parallel_loop3A_371 = tpu.vector_load_idx %arg8[%parallel_loop3A_370] : memref<100000xf32, #tpu.memory_space<vmem>>[vector<16xi32>], vector<16xf32>,
          %parallel_loop3A_372 = arith.index_cast %parallel_loop3A_368 : i32 to index
          %parallel_loop3A_373 = tpu.vector_load %arg14[%parallel_loop3A_372] {strides = array<i32>} : memref<4096xf32, #tpu.memory_space<vmem>>, vector<16xf32>,
          tpu.vector_store %arg14[%parallel_loop3A_372], %parallel_loop3A_371 {strides = array<i32>} : memref<4096xf32, #tpu.memory_space<vmem>>, vector<16xf32>,
        } {sc.loop_unroll_factor = 8 : i64, sc.parallel_access}
        %add3A_290 = arith.constant 4 : i32
        %add3A_291 = arith.addi %add3A_274, %add3A_290 : i32
        %lt3A_292 = arith.constant 50 : i32
        %lt3A_293 = arith.cmpi slt, %add3A_291, %lt3A_292 : i32
        %convert_element_type3A_294 = arith.extui %lt3A_293 : i1 to i32
        %cond3A_295 = arith.constant 0 : i32
        %cond3A_296 = arith.cmpi ne, %convert_element_type3A_294, %cond3A_295 : i32
        scf.if %cond3A_296 {
          %add3A_368 = arith.constant 4 : i32
          %add3A_369 = arith.addi %add3A_274, %add3A_368 : i32
          %dma_start3A_370 = arith.constant 0 : i32
          %dma_start3A_371 = tpu.memref_slice %arg2[%add3A_369, %dma_start3A_370] : memref<50x4096xi32, #tpu.memory_space<hbm>> -> memref<1x4096xi32, #tpu.memory_space<hbm>>
          %dma_start3A_372 = tpu.memref_squeeze %dma_start3A_371 : memref<1x4096xi32, #tpu.memory_space<hbm>> -> memref<4096xi32, #tpu.memory_space<hbm>>
          %dma_start3A_373 = arith.constant 0 : i32
          %dma_start3A_374 = tpu.memref_slice %arg2[%add3A_369, %dma_start3A_373] : memref<50x4096xi32, #tpu.memory_space<hbm>> -> memref<1x4096xi32, #tpu.memory_space<hbm>>
          %dma_start3A_375 = tpu.memref_squeeze %dma_start3A_374 : memref<1x4096xi32, #tpu.memory_space<hbm>> -> memref<4096xi32, #tpu.memory_space<hbm>>
          tpu.enqueue_dma source(%dma_start3A_375 : memref<4096xi32, #tpu.memory_space<hbm>>) target(%arg10 : memref<4096xi32, #tpu.memory_space<vmem>>) target_semaphore(%arg16 : memref<!tpu.dma_semaphore, #tpu.memory_space<semaphore_mem>>)
        } else {
        }
        %dma_start3A_297 = arith.constant 0 : i32
        %dma_start3A_298 = tpu.memref_slice %arg6[%add3A_274, %add3A_7, %dma_start3A_297] : memref<50x32x4096xf32, #tpu.memory_space<hbm>> -> memref<1x1x4096xf32, #tpu.memory_space<hbm>>
        %dma_start3A_299 = tpu.memref_squeeze %dma_start3A_298 : memref<1x1x4096xf32, #tpu.memory_space<hbm>> -> memref<4096xf32, #tpu.memory_space<hbm>>
        %dma_start3A_300 = arith.constant 0 : i32
        %dma_start3A_301 = tpu.memref_slice %arg6[%add3A_274, %add3A_7, %dma_start3A_300] : memref<50x32x4096xf32, #tpu.memory_space<hbm>> -> memref<1x1x4096xf32, #tpu.memory_space<hbm>>
        %dma_start3A_302 = tpu.memref_squeeze %dma_start3A_301 : memref<1x1x4096xf32, #tpu.memory_space<hbm>> -> memref<4096xf32, #tpu.memory_space<hbm>>
        tpu.enqueue_dma source(%arg14 : memref<4096xf32, #tpu.memory_space<vmem>>) target(%dma_start3A_302 : memref<4096xf32, #tpu.memory_space<hbm>>) target_semaphore(%arg20 : memref<!tpu.dma_semaphore, #tpu.memory_space<semaphore_mem>>)
        %mul3A_303 = arith.constant 4 : i32
        %mul3A_304 = arith.muli %mul3A_303, %scan3A_240 : i32
        %add3A_305 = arith.constant 2 : i32
        %add3A_306 = arith.addi %mul3A_304, %add3A_305 : i32
        %dma_wait3A_307 = arith.constant 0 : i32
        %dma_wait3A_308 = arith.constant 0 : i32
        %dma_wait3A_309 = tpu.memref_slice %arg2[%dma_wait3A_307, %dma_wait3A_308] : memref<50x4096xi32, #tpu.memory_space<hbm>> -> memref<1x4096xi32, #tpu.memory_space<hbm>>
        %dma_wait3A_310 = tpu.memref_squeeze %dma_wait3A_309 : memref<1x4096xi32, #tpu.memory_space<hbm>> -> memref<4096xi32, #tpu.memory_space<hbm>>
        %dma_wait3A_311 = arith.constant 0 : i32
        %dma_wait3A_312 = tpu.memref_slice %arg2[%dma_wait3A_307, %dma_wait3A_311] : memref<50x4096xi32, #tpu.memory_space<hbm>> -> memref<1x4096xi32, #tpu.memory_space<hbm>>
        %dma_wait3A_313 = tpu.memref_squeeze %dma_wait3A_312 : memref<1x4096xi32, #tpu.memory_space<hbm>> -> memref<4096xi32, #tpu.memory_space<hbm>>
        tpu.wait_dma2 semaphore(%arg17 : memref<!tpu.dma_semaphore, #tpu.memory_space<semaphore_mem>>) src(%dma_wait3A_313 : memref<4096xi32, #tpu.memory_space<hbm>>) dst(%arg11 : memref<4096xi32, #tpu.memory_space<vmem>>)
        %ge3A_314 = arith.constant 2 : i32
        %ge3A_315 = arith.cmpi sge, %add3A_306, %ge3A_314 : i32
        %convert_element_type3A_316 = arith.extui %ge3A_315 : i1 to i32
        %cond3A_317 = arith.constant 0 : i32
        %cond3A_318 = arith.cmpi ne, %convert_element_type3A_316, %cond3A_317 : i32
        scf.if %cond3A_318 {
          %dma_wait3A_368 = arith.constant 0 : i32
          %dma_wait3A_369 = arith.constant 0 : i32
          %dma_wait3A_370 = tpu.memref_slice %arg6[%dma_wait3A_368, %add3A_7, %dma_wait3A_369] : memref<50x32x4096xf32, #tpu.memory_space<hbm>> -> memref<1x1x4096xf32, #tpu.memory_space<hbm>>
          %dma_wait3A_371 = tpu.memref_squeeze %dma_wait3A_370 : memref<1x1x4096xf32, #tpu.memory_space<hbm>> -> memref<4096xf32, #tpu.memory_space<hbm>>
          %dma_wait3A_372 = arith.constant 0 : i32
          %dma_wait3A_373 = tpu.memref_slice %arg6[%dma_wait3A_368, %add3A_7, %dma_wait3A_372] : memref<50x32x4096xf32, #tpu.memory_space<hbm>> -> memref<1x1x4096xf32, #tpu.memory_space<hbm>>
          %dma_wait3A_374 = tpu.memref_squeeze %dma_wait3A_373 : memref<1x1x4096xf32, #tpu.memory_space<hbm>> -> memref<4096xf32, #tpu.memory_space<hbm>>
          tpu.wait_dma2 semaphore(%arg19 : memref<!tpu.dma_semaphore, #tpu.memory_space<semaphore_mem>>) src(%arg13 : memref<4096xf32, #tpu.memory_space<vmem>>) dst(%dma_wait3A_374 : memref<4096xf32, #tpu.memory_space<hbm>>)
        } else {
        }
        %parallel_loop3A_319 = arith.constant 0 : i32
        %parallel_loop3A_320 = arith.constant 4096 : i32
        %parallel_loop3A_321 = arith.constant 16 : i32
        scf.for %parallel_loop3A_368 = %parallel_loop3A_319 to %parallel_loop3A_320 step %parallel_loop3A_321  : i32 {
          %parallel_loop3A_369 = arith.index_cast %parallel_loop3A_368 : i32 to index
          %parallel_loop3A_370 = tpu.vector_load %arg11[%parallel_loop3A_369] {strides = array<i32>} : memref<4096xi32, #tpu.memory_space<vmem>>, vector<16xi32>,
          %parallel_loop3A_371 = tpu.vector_load_idx %arg8[%parallel_loop3A_370] : memref<100000xf32, #tpu.memory_space<vmem>>[vector<16xi32>], vector<16xf32>,
          %parallel_loop3A_372 = arith.index_cast %parallel_loop3A_368 : i32 to index
          %parallel_loop3A_373 = tpu.vector_load %arg13[%parallel_loop3A_372] {strides = array<i32>} : memref<4096xf32, #tpu.memory_space<vmem>>, vector<16xf32>,
          tpu.vector_store %arg13[%parallel_loop3A_372], %parallel_loop3A_371 {strides = array<i32>} : memref<4096xf32, #tpu.memory_space<vmem>>, vector<16xf32>,
        } {sc.loop_unroll_factor = 8 : i64, sc.parallel_access}
        %add3A_322 = arith.constant 4 : i32
        %add3A_323 = arith.addi %add3A_306, %add3A_322 : i32
        %lt3A_324 = arith.constant 50 : i32
        %lt3A_325 = arith.cmpi slt, %add3A_323, %lt3A_324 : i32
        %convert_element_type3A_326 = arith.extui %lt3A_325 : i1 to i32
        %cond3A_327 = arith.constant 0 : i32
        %cond3A_328 = arith.cmpi ne, %convert_element_type3A_326, %cond3A_327 : i32
        scf.if %cond3A_328 {
          %add3A_368 = arith.constant 4 : i32
          %add3A_369 = arith.addi %add3A_306, %add3A_368 : i32
          %dma_start3A_370 = arith.constant 0 : i32
          %dma_start3A_371 = tpu.memref_slice %arg2[%add3A_369, %dma_start3A_370] : memref<50x4096xi32, #tpu.memory_space<hbm>> -> memref<1x4096xi32, #tpu.memory_space<hbm>>
          %dma_start3A_372 = tpu.memref_squeeze %dma_start3A_371 : memref<1x4096xi32, #tpu.memory_space<hbm>> -> memref<4096xi32, #tpu.memory_space<hbm>>
          %dma_start3A_373 = arith.constant 0 : i32
          %dma_start3A_374 = tpu.memref_slice %arg2[%add3A_369, %dma_start3A_373] : memref<50x4096xi32, #tpu.memory_space<hbm>> -> memref<1x4096xi32, #tpu.memory_space<hbm>>
          %dma_start3A_375 = tpu.memref_squeeze %dma_start3A_374 : memref<1x4096xi32, #tpu.memory_space<hbm>> -> memref<4096xi32, #tpu.memory_space<hbm>>
          tpu.enqueue_dma source(%dma_start3A_375 : memref<4096xi32, #tpu.memory_space<hbm>>) target(%arg11 : memref<4096xi32, #tpu.memory_space<vmem>>) target_semaphore(%arg17 : memref<!tpu.dma_semaphore, #tpu.memory_space<semaphore_mem>>)
        } else {
        }
        %dma_start3A_329 = arith.constant 0 : i32
        %dma_start3A_330 = tpu.memref_slice %arg6[%add3A_306, %add3A_7, %dma_start3A_329] : memref<50x32x4096xf32, #tpu.memory_space<hbm>> -> memref<1x1x4096xf32, #tpu.memory_space<hbm>>
        %dma_start3A_331 = tpu.memref_squeeze %dma_start3A_330 : memref<1x1x4096xf32, #tpu.memory_space<hbm>> -> memref<4096xf32, #tpu.memory_space<hbm>>
        %dma_start3A_332 = arith.constant 0 : i32
        %dma_start3A_333 = tpu.memref_slice %arg6[%add3A_306, %add3A_7, %dma_start3A_332] : memref<50x32x4096xf32, #tpu.memory_space<hbm>> -> memref<1x1x4096xf32, #tpu.memory_space<hbm>>
        %dma_start3A_334 = tpu.memref_squeeze %dma_start3A_333 : memref<1x1x4096xf32, #tpu.memory_space<hbm>> -> memref<4096xf32, #tpu.memory_space<hbm>>
        tpu.enqueue_dma source(%arg13 : memref<4096xf32, #tpu.memory_space<vmem>>) target(%dma_start3A_334 : memref<4096xf32, #tpu.memory_space<hbm>>) target_semaphore(%arg19 : memref<!tpu.dma_semaphore, #tpu.memory_space<semaphore_mem>>)
        %mul3A_335 = arith.constant 4 : i32
        %mul3A_336 = arith.muli %mul3A_335, %scan3A_240 : i32
        %add3A_337 = arith.constant 3 : i32
        %add3A_338 = arith.addi %mul3A_336, %add3A_337 : i32
        %dma_wait3A_339 = arith.constant 0 : i32
        %dma_wait3A_340 = arith.constant 0 : i32
        %dma_wait3A_341 = tpu.memref_slice %arg2[%dma_wait3A_339, %dma_wait3A_340] : memref<50x4096xi32, #tpu.memory_space<hbm>> -> memref<1x4096xi32, #tpu.memory_space<hbm>>
        %dma_wait3A_342 = tpu.memref_squeeze %dma_wait3A_341 : memref<1x4096xi32, #tpu.memory_space<hbm>> -> memref<4096xi32, #tpu.memory_space<hbm>>
        %dma_wait3A_343 = arith.constant 0 : i32
        %dma_wait3A_344 = tpu.memref_slice %arg2[%dma_wait3A_339, %dma_wait3A_343] : memref<50x4096xi32, #tpu.memory_space<hbm>> -> memref<1x4096xi32, #tpu.memory_space<hbm>>
        %dma_wait3A_345 = tpu.memref_squeeze %dma_wait3A_344 : memref<1x4096xi32, #tpu.memory_space<hbm>> -> memref<4096xi32, #tpu.memory_space<hbm>>
        tpu.wait_dma2 semaphore(%arg18 : memref<!tpu.dma_semaphore, #tpu.memory_space<semaphore_mem>>) src(%dma_wait3A_345 : memref<4096xi32, #tpu.memory_space<hbm>>) dst(%arg12 : memref<4096xi32, #tpu.memory_space<vmem>>)
        %ge3A_346 = arith.constant 2 : i32
        %ge3A_347 = arith.cmpi sge, %add3A_338, %ge3A_346 : i32
        %convert_element_type3A_348 = arith.extui %ge3A_347 : i1 to i32
        %cond3A_349 = arith.constant 0 : i32
        %cond3A_350 = arith.cmpi ne, %convert_element_type3A_348, %cond3A_349 : i32
        scf.if %cond3A_350 {
          %dma_wait3A_368 = arith.constant 0 : i32
          %dma_wait3A_369 = arith.constant 0 : i32
          %dma_wait3A_370 = tpu.memref_slice %arg6[%dma_wait3A_368, %add3A_7, %dma_wait3A_369] : memref<50x32x4096xf32, #tpu.memory_space<hbm>> -> memref<1x1x4096xf32, #tpu.memory_space<hbm>>
          %dma_wait3A_371 = tpu.memref_squeeze %dma_wait3A_370 : memref<1x1x4096xf32, #tpu.memory_space<hbm>> -> memref<4096xf32, #tpu.memory_space<hbm>>
          %dma_wait3A_372 = arith.constant 0 : i32
          %dma_wait3A_373 = tpu.memref_slice %arg6[%dma_wait3A_368, %add3A_7, %dma_wait3A_372] : memref<50x32x4096xf32, #tpu.memory_space<hbm>> -> memref<1x1x4096xf32, #tpu.memory_space<hbm>>
          %dma_wait3A_374 = tpu.memref_squeeze %dma_wait3A_373 : memref<1x1x4096xf32, #tpu.memory_space<hbm>> -> memref<4096xf32, #tpu.memory_space<hbm>>
          tpu.wait_dma2 semaphore(%arg20 : memref<!tpu.dma_semaphore, #tpu.memory_space<semaphore_mem>>) src(%arg14 : memref<4096xf32, #tpu.memory_space<vmem>>) dst(%dma_wait3A_374 : memref<4096xf32, #tpu.memory_space<hbm>>)
        } else {
        }
        %parallel_loop3A_351 = arith.constant 0 : i32
        %parallel_loop3A_352 = arith.constant 4096 : i32
        %parallel_loop3A_353 = arith.constant 16 : i32
        scf.for %parallel_loop3A_368 = %parallel_loop3A_351 to %parallel_loop3A_352 step %parallel_loop3A_353  : i32 {
          %parallel_loop3A_369 = arith.index_cast %parallel_loop3A_368 : i32 to index
          %parallel_loop3A_370 = tpu.vector_load %arg12[%parallel_loop3A_369] {strides = array<i32>} : memref<4096xi32, #tpu.memory_space<vmem>>, vector<16xi32>,
          %parallel_loop3A_371 = tpu.vector_load_idx %arg8[%parallel_loop3A_370] : memref<100000xf32, #tpu.memory_space<vmem>>[vector<16xi32>], vector<16xf32>,
          %parallel_loop3A_372 = arith.index_cast %parallel_loop3A_368 : i32 to index
          %parallel_loop3A_373 = tpu.vector_load %arg14[%parallel_loop3A_372] {strides = array<i32>} : memref<4096xf32, #tpu.memory_space<vmem>>, vector<16xf32>,
          tpu.vector_store %arg14[%parallel_loop3A_372], %parallel_loop3A_371 {strides = array<i32>} : memref<4096xf32, #tpu.memory_space<vmem>>, vector<16xf32>,
        } {sc.loop_unroll_factor = 8 : i64, sc.parallel_access}
        %add3A_354 = arith.constant 4 : i32
        %add3A_355 = arith.addi %add3A_338, %add3A_354 : i32
        %lt3A_356 = arith.constant 50 : i32
        %lt3A_357 = arith.cmpi slt, %add3A_355, %lt3A_356 : i32
        %convert_element_type3A_358 = arith.extui %lt3A_357 : i1 to i32
        %cond3A_359 = arith.constant 0 : i32
        %cond3A_360 = arith.cmpi ne, %convert_element_type3A_358, %cond3A_359 : i32
        scf.if %cond3A_360 {
          %add3A_368 = arith.constant 4 : i32
          %add3A_369 = arith.addi %add3A_338, %add3A_368 : i32
          %dma_start3A_370 = arith.constant 0 : i32
          %dma_start3A_371 = tpu.memref_slice %arg2[%add3A_369, %dma_start3A_370] : memref<50x4096xi32, #tpu.memory_space<hbm>> -> memref<1x4096xi32, #tpu.memory_space<hbm>>
          %dma_start3A_372 = tpu.memref_squeeze %dma_start3A_371 : memref<1x4096xi32, #tpu.memory_space<hbm>> -> memref<4096xi32, #tpu.memory_space<hbm>>
          %dma_start3A_373 = arith.constant 0 : i32
          %dma_start3A_374 = tpu.memref_slice %arg2[%add3A_369, %dma_start3A_373] : memref<50x4096xi32, #tpu.memory_space<hbm>> -> memref<1x4096xi32, #tpu.memory_space<hbm>>
          %dma_start3A_375 = tpu.memref_squeeze %dma_start3A_374 : memref<1x4096xi32, #tpu.memory_space<hbm>> -> memref<4096xi32, #tpu.memory_space<hbm>>
          tpu.enqueue_dma source(%dma_start3A_375 : memref<4096xi32, #tpu.memory_space<hbm>>) target(%arg12 : memref<4096xi32, #tpu.memory_space<vmem>>) target_semaphore(%arg18 : memref<!tpu.dma_semaphore, #tpu.memory_space<semaphore_mem>>)
        } else {
        }
        %dma_start3A_361 = arith.constant 0 : i32
        %dma_start3A_362 = tpu.memref_slice %arg6[%add3A_338, %add3A_7, %dma_start3A_361] : memref<50x32x4096xf32, #tpu.memory_space<hbm>> -> memref<1x1x4096xf32, #tpu.memory_space<hbm>>
        %dma_start3A_363 = tpu.memref_squeeze %dma_start3A_362 : memref<1x1x4096xf32, #tpu.memory_space<hbm>> -> memref<4096xf32, #tpu.memory_space<hbm>>
        %dma_start3A_364 = arith.constant 0 : i32
        %dma_start3A_365 = tpu.memref_slice %arg6[%add3A_338, %add3A_7, %dma_start3A_364] : memref<50x32x4096xf32, #tpu.memory_space<hbm>> -> memref<1x1x4096xf32, #tpu.memory_space<hbm>>
        %dma_start3A_366 = tpu.memref_squeeze %dma_start3A_365 : memref<1x1x4096xf32, #tpu.memory_space<hbm>> -> memref<4096xf32, #tpu.memory_space<hbm>>
        tpu.enqueue_dma source(%arg14 : memref<4096xf32, #tpu.memory_space<vmem>>) target(%dma_start3A_366 : memref<4096xf32, #tpu.memory_space<hbm>>) target_semaphore(%arg20 : memref<!tpu.dma_semaphore, #tpu.memory_space<semaphore_mem>>)
        %scan3A_367 = arith.constant 0 : i32
        scf.yield %scan3A_367 : i32
      }
      %scan3A_56 = arith.constant 12 : i32
      %dma_wait3A_57 = arith.constant 0 : i32
      %dma_wait3A_58 = arith.constant 0 : i32
      %dma_wait3A_59 = tpu.memref_slice %arg2[%dma_wait3A_57, %dma_wait3A_58] : memref<50x4096xi32, #tpu.memory_space<hbm>> -> memref<1x4096xi32, #tpu.memory_space<hbm>>
      %dma_wait3A_60 = tpu.memref_squeeze %dma_wait3A_59 : memref<1x4096xi32, #tpu.memory_space<hbm>> -> memref<4096xi32, #tpu.memory_space<hbm>>
      %dma_wait3A_61 = arith.constant 0 : i32
      %dma_wait3A_62 = tpu.memref_slice %arg2[%dma_wait3A_57, %dma_wait3A_61] : memref<50x4096xi32, #tpu.memory_space<hbm>> -> memref<1x4096xi32, #tpu.memory_space<hbm>>
      %dma_wait3A_63 = tpu.memref_squeeze %dma_wait3A_62 : memref<1x4096xi32, #tpu.memory_space<hbm>> -> memref<4096xi32, #tpu.memory_space<hbm>>
      tpu.wait_dma2 semaphore(%arg15 : memref<!tpu.dma_semaphore, #tpu.memory_space<semaphore_mem>>) src(%dma_wait3A_63 : memref<4096xi32, #tpu.memory_space<hbm>>) dst(%arg9 : memref<4096xi32, #tpu.memory_space<vmem>>)
      %dma_wait3A_64 = arith.constant 0 : i32
      %dma_wait3A_65 = arith.constant 0 : i32
      %dma_wait3A_66 = tpu.memref_slice %arg6[%dma_wait3A_64, %add3A_7, %dma_wait3A_65] : memref<50x32x4096xf32, #tpu.memory_space<hbm>> -> memref<1x1x4096xf32, #tpu.memory_space<hbm>>
      %dma_wait3A_67 = tpu.memref_squeeze %dma_wait3A_66 : memref<1x1x4096xf32, #tpu.memory_space<hbm>> -> memref<4096xf32, #tpu.memory_space<hbm>>
      %dma_wait3A_68 = arith.constant 0 : i32
      %dma_wait3A_69 = tpu.memref_slice %arg6[%dma_wait3A_64, %add3A_7, %dma_wait3A_68] : memref<50x32x4096xf32, #tpu.memory_space<hbm>> -> memref<1x1x4096xf32, #tpu.memory_space<hbm>>
      %dma_wait3A_70 = tpu.memref_squeeze %dma_wait3A_69 : memref<1x1x4096xf32, #tpu.memory_space<hbm>> -> memref<4096xf32, #tpu.memory_space<hbm>>
      tpu.wait_dma2 semaphore(%arg19 : memref<!tpu.dma_semaphore, #tpu.memory_space<semaphore_mem>>) src(%arg13 : memref<4096xf32, #tpu.memory_space<vmem>>) dst(%dma_wait3A_70 : memref<4096xf32, #tpu.memory_space<hbm>>)
      %parallel_loop3A = arith.constant 0 : i32
      %parallel_loop3A_71 = arith.constant 4096 : i32
      %parallel_loop3A_72 = arith.constant 16 : i32
      scf.for %parallel_loop3A_240 = %parallel_loop3A to %parallel_loop3A_71 step %parallel_loop3A_72  : i32 {
        %parallel_loop3A_241 = arith.index_cast %parallel_loop3A_240 : i32 to index
        %parallel_loop3A_242 = tpu.vector_load %arg9[%parallel_loop3A_241] {strides = array<i32>} : memref<4096xi32, #tpu.memory_space<vmem>>, vector<16xi32>,
        %parallel_loop3A_243 = tpu.vector_load_idx %arg8[%parallel_loop3A_242] : memref<100000xf32, #tpu.memory_space<vmem>>[vector<16xi32>], vector<16xf32>,
        %parallel_loop3A_244 = arith.index_cast %parallel_loop3A_240 : i32 to index
        %parallel_loop3A_245 = tpu.vector_load %arg13[%parallel_loop3A_244] {strides = array<i32>} : memref<4096xf32, #tpu.memory_space<vmem>>, vector<16xf32>,
        tpu.vector_store %arg13[%parallel_loop3A_244], %parallel_loop3A_243 {strides = array<i32>} : memref<4096xf32, #tpu.memory_space<vmem>>, vector<16xf32>,
      } {sc.loop_unroll_factor = 8 : i64, sc.parallel_access}
      %dma_start3A_73 = arith.constant 48 : i32
      %dma_start3A_74 = arith.constant 0 : i32
      %dma_start3A_75 = tpu.memref_slice %arg6[%dma_start3A_73, %add3A_7, %dma_start3A_74] : memref<50x32x4096xf32, #tpu.memory_space<hbm>> -> memref<1x1x4096xf32, #tpu.memory_space<hbm>>
      %dma_start3A_76 = tpu.memref_squeeze %dma_start3A_75 : memref<1x1x4096xf32, #tpu.memory_space<hbm>> -> memref<4096xf32, #tpu.memory_space<hbm>>
      %dma_start3A_77 = arith.constant 0 : i32
      %dma_start3A_78 = tpu.memref_slice %arg6[%dma_start3A_73, %add3A_7, %dma_start3A_77] : memref<50x32x4096xf32, #tpu.memory_space<hbm>> -> memref<1x1x4096xf32, #tpu.memory_space<hbm>>
      %dma_start3A_79 = tpu.memref_squeeze %dma_start3A_78 : memref<1x1x4096xf32, #tpu.memory_space<hbm>> -> memref<4096xf32, #tpu.memory_space<hbm>>
      tpu.enqueue_dma source(%arg13 : memref<4096xf32, #tpu.memory_space<vmem>>) target(%dma_start3A_79 : memref<4096xf32, #tpu.memory_space<hbm>>) target_semaphore(%arg19 : memref<!tpu.dma_semaphore, #tpu.memory_space<semaphore_mem>>)
      %dma_wait3A_80 = arith.constant 0 : i32
      %dma_wait3A_81 = arith.constant 0 : i32
      %dma_wait3A_82 = tpu.memref_slice %arg2[%dma_wait3A_80, %dma_wait3A_81] : memref<50x4096xi32, #tpu.memory_space<hbm>> -> memref<1x4096xi32, #tpu.memory_space<hbm>>
      %dma_wait3A_83 = tpu.memref_squeeze %dma_wait3A_82 : memref<1x4096xi32, #tpu.memory_space<hbm>> -> memref<4096xi32, #tpu.memory_space<hbm>>
      %dma_wait3A_84 = arith.constant 0 : i32
      %dma_wait3A_85 = tpu.memref_slice %arg2[%dma_wait3A_80, %dma_wait3A_84] : memref<50x4096xi32, #tpu.memory_space<hbm>> -> memref<1x4096xi32, #tpu.memory_space<hbm>>
      %dma_wait3A_86 = tpu.memref_squeeze %dma_wait3A_85 : memref<1x4096xi32, #tpu.memory_space<hbm>> -> memref<4096xi32, #tpu.memory_space<hbm>>
      tpu.wait_dma2 semaphore(%arg16 : memref<!tpu.dma_semaphore, #tpu.memory_space<semaphore_mem>>) src(%dma_wait3A_86 : memref<4096xi32, #tpu.memory_space<hbm>>) dst(%arg10 : memref<4096xi32, #tpu.memory_space<vmem>>)
      %dma_wait3A_87 = arith.constant 0 : i32
      %dma_wait3A_88 = arith.constant 0 : i32
      %dma_wait3A_89 = tpu.memref_slice %arg6[%dma_wait3A_87, %add3A_7, %dma_wait3A_88] : memref<50x32x4096xf32, #tpu.memory_space<hbm>> -> memref<1x1x4096xf32, #tpu.memory_space<hbm>>
      %dma_wait3A_90 = tpu.memref_squeeze %dma_wait3A_89 : memref<1x1x4096xf32, #tpu.memory_space<hbm>> -> memref<4096xf32, #tpu.memory_space<hbm>>
      %dma_wait3A_91 = arith.constant 0 : i32
      %dma_wait3A_92 = tpu.memref_slice %arg6[%dma_wait3A_87, %add3A_7, %dma_wait3A_91] : memref<50x32x4096xf32, #tpu.memory_space<hbm>> -> memref<1x1x4096xf32, #tpu.memory_space<hbm>>
      %dma_wait3A_93 = tpu.memref_squeeze %dma_wait3A_92 : memref<1x1x4096xf32, #tpu.memory_space<hbm>> -> memref<4096xf32, #tpu.memory_space<hbm>>
      tpu.wait_dma2 semaphore(%arg20 : memref<!tpu.dma_semaphore, #tpu.memory_space<semaphore_mem>>) src(%arg14 : memref<4096xf32, #tpu.memory_space<vmem>>) dst(%dma_wait3A_93 : memref<4096xf32, #tpu.memory_space<hbm>>)
      %parallel_loop3A_94 = arith.constant 0 : i32
      %parallel_loop3A_95 = arith.constant 4096 : i32
      %parallel_loop3A_96 = arith.constant 16 : i32
      scf.for %parallel_loop3A_240 = %parallel_loop3A_94 to %parallel_loop3A_95 step %parallel_loop3A_96  : i32 {
        %parallel_loop3A_241 = arith.index_cast %parallel_loop3A_240 : i32 to index
        %parallel_loop3A_242 = tpu.vector_load %arg10[%parallel_loop3A_241] {strides = array<i32>} : memref<4096xi32, #tpu.memory_space<vmem>>, vector<16xi32>,
        %parallel_loop3A_243 = tpu.vector_load_idx %arg8[%parallel_loop3A_242] : memref<100000xf32, #tpu.memory_space<vmem>>[vector<16xi32>], vector<16xf32>,
        %parallel_loop3A_244 = arith.index_cast %parallel_loop3A_240 : i32 to index
        %parallel_loop3A_245 = tpu.vector_load %arg14[%parallel_loop3A_244] {strides = array<i32>} : memref<4096xf32, #tpu.memory_space<vmem>>, vector<16xf32>,
        tpu.vector_store %arg14[%parallel_loop3A_244], %parallel_loop3A_243 {strides = array<i32>} : memref<4096xf32, #tpu.memory_space<vmem>>, vector<16xf32>,
      } {sc.loop_unroll_factor = 8 : i64, sc.parallel_access}
      %dma_start3A_97 = arith.constant 49 : i32
      %dma_start3A_98 = arith.constant 0 : i32
      %dma_start3A_99 = tpu.memref_slice %arg6[%dma_start3A_97, %add3A_7, %dma_start3A_98] : memref<50x32x4096xf32, #tpu.memory_space<hbm>> -> memref<1x1x4096xf32, #tpu.memory_space<hbm>>
      %dma_start3A_100 = tpu.memref_squeeze %dma_start3A_99 : memref<1x1x4096xf32, #tpu.memory_space<hbm>> -> memref<4096xf32, #tpu.memory_space<hbm>>
      %dma_start3A_101 = arith.constant 0 : i32
      %dma_start3A_102 = tpu.memref_slice %arg6[%dma_start3A_97, %add3A_7, %dma_start3A_101] : memref<50x32x4096xf32, #tpu.memory_space<hbm>> -> memref<1x1x4096xf32, #tpu.memory_space<hbm>>
      %dma_start3A_103 = tpu.memref_squeeze %dma_start3A_102 : memref<1x1x4096xf32, #tpu.memory_space<hbm>> -> memref<4096xf32, #tpu.memory_space<hbm>>
      tpu.enqueue_dma source(%arg14 : memref<4096xf32, #tpu.memory_space<vmem>>) target(%dma_start3A_103 : memref<4096xf32, #tpu.memory_space<hbm>>) target_semaphore(%arg20 : memref<!tpu.dma_semaphore, #tpu.memory_space<semaphore_mem>>)
      %dma_wait3A_104 = arith.constant 0 : i32
      %dma_wait3A_105 = arith.constant 0 : i32
      %dma_wait3A_106 = tpu.memref_slice %arg6[%dma_wait3A_104, %add3A_7, %dma_wait3A_105] : memref<50x32x4096xf32, #tpu.memory_space<hbm>> -> memref<1x1x4096xf32, #tpu.memory_space<hbm>>
      %dma_wait3A_107 = tpu.memref_squeeze %dma_wait3A_106 : memref<1x1x4096xf32, #tpu.memory_space<hbm>> -> memref<4096xf32, #tpu.memory_space<hbm>>
      %dma_wait3A_108 = arith.constant 0 : i32
      %dma_wait3A_109 = tpu.memref_slice %arg6[%dma_wait3A_104, %add3A_7, %dma_wait3A_108] : memref<50x32x4096xf32, #tpu.memory_space<hbm>> -> memref<1x1x4096xf32, #tpu.memory_space<hbm>>
      %dma_wait3A_110 = tpu.memref_squeeze %dma_wait3A_109 : memref<1x1x4096xf32, #tpu.memory_space<hbm>> -> memref<4096xf32, #tpu.memory_space<hbm>>
      tpu.wait_dma2 semaphore(%arg19 : memref<!tpu.dma_semaphore, #tpu.memory_space<semaphore_mem>>) src(%arg13 : memref<4096xf32, #tpu.memory_space<vmem>>) dst(%dma_wait3A_110 : memref<4096xf32, #tpu.memory_space<hbm>>)
      %dma_wait3A_111 = arith.constant 0 : i32
      %dma_wait3A_112 = arith.constant 0 : i32
      %dma_wait3A_113 = tpu.memref_slice %arg6[%dma_wait3A_111, %add3A_7, %dma_wait3A_112] : memref<50x32x4096xf32, #tpu.memory_space<hbm>> -> memref<1x1x4096xf32, #tpu.memory_space<hbm>>
      %dma_wait3A_114 = tpu.memref_squeeze %dma_wait3A_113 : memref<1x1x4096xf32, #tpu.memory_space<hbm>> -> memref<4096xf32, #tpu.memory_space<hbm>>
      %dma_wait3A_115 = arith.constant 0 : i32
      %dma_wait3A_116 = tpu.memref_slice %arg6[%dma_wait3A_111, %add3A_7, %dma_wait3A_115] : memref<50x32x4096xf32, #tpu.memory_space<hbm>> -> memref<1x1x4096xf32, #tpu.memory_space<hbm>>
      %dma_wait3A_117 = tpu.memref_squeeze %dma_wait3A_116 : memref<1x1x4096xf32, #tpu.memory_space<hbm>> -> memref<4096xf32, #tpu.memory_space<hbm>>
      tpu.wait_dma2 semaphore(%arg20 : memref<!tpu.dma_semaphore, #tpu.memory_space<semaphore_mem>>) src(%arg14 : memref<4096xf32, #tpu.memory_space<vmem>>) dst(%dma_wait3A_117 : memref<4096xf32, #tpu.memory_space<hbm>>)
      %add3A_118 = arith.constant 16 : i32
      %add3A_119 = arith.addi %arg1, %add3A_118 : i32
      %dma_start3A_120 = arith.constant 0 : i32
      %dma_start3A_121 = tpu.memref_slice %arg4[%add3A_119, %dma_start3A_120] : memref<32x100000xf32, #tpu.memory_space<hbm>> -> memref<1x100000xf32, #tpu.memory_space<hbm>>
      %dma_start3A_122 = tpu.memref_squeeze %dma_start3A_121 : memref<1x100000xf32, #tpu.memory_space<hbm>> -> memref<100000xf32, #tpu.memory_space<hbm>>
      %dma_start3A_123 = arith.constant 0 : i32
      %dma_start3A_124 = tpu.memref_slice %arg4[%add3A_119, %dma_start3A_123] : memref<32x100000xf32, #tpu.memory_space<hbm>> -> memref<1x100000xf32, #tpu.memory_space<hbm>>
      %dma_start3A_125 = tpu.memref_squeeze %dma_start3A_124 : memref<1x100000xf32, #tpu.memory_space<hbm>> -> memref<100000xf32, #tpu.memory_space<hbm>>
      tpu.enqueue_dma source(%dma_start3A_125 : memref<100000xf32, #tpu.memory_space<hbm>>) target(%arg8 : memref<100000xf32, #tpu.memory_space<vmem>>) target_semaphore(%arg21 : memref<!tpu.dma_semaphore, #tpu.memory_space<semaphore_mem>>)
      %dma_start3A_126 = arith.constant 0 : i32
      %dma_start3A_127 = arith.constant 0 : i32
      %dma_start3A_128 = tpu.memref_slice %arg2[%dma_start3A_126, %dma_start3A_127] : memref<50x4096xi32, #tpu.memory_space<hbm>> -> memref<1x4096xi32, #tpu.memory_space<hbm>>
      %dma_start3A_129 = tpu.memref_squeeze %dma_start3A_128 : memref<1x4096xi32, #tpu.memory_space<hbm>> -> memref<4096xi32, #tpu.memory_space<hbm>>
      %dma_start3A_130 = arith.constant 0 : i32
      %dma_start3A_131 = tpu.memref_slice %arg2[%dma_start3A_126, %dma_start3A_130] : memref<50x4096xi32, #tpu.memory_space<hbm>> -> memref<1x4096xi32, #tpu.memory_space<hbm>>
      %dma_start3A_132 = tpu.memref_squeeze %dma_start3A_131 : memref<1x4096xi32, #tpu.memory_space<hbm>> -> memref<4096xi32, #tpu.memory_space<hbm>>
      tpu.enqueue_dma source(%dma_start3A_132 : memref<4096xi32, #tpu.memory_space<hbm>>) target(%arg9 : memref<4096xi32, #tpu.memory_space<vmem>>) target_semaphore(%arg15 : memref<!tpu.dma_semaphore, #tpu.memory_space<semaphore_mem>>)
      %dma_start3A_133 = arith.constant 1 : i32
      %dma_start3A_134 = arith.constant 0 : i32
      %dma_start3A_135 = tpu.memref_slice %arg2[%dma_start3A_133, %dma_start3A_134] : memref<50x4096xi32, #tpu.memory_space<hbm>> -> memref<1x4096xi32, #tpu.memory_space<hbm>>
      %dma_start3A_136 = tpu.memref_squeeze %dma_start3A_135 : memref<1x4096xi32, #tpu.memory_space<hbm>> -> memref<4096xi32, #tpu.memory_space<hbm>>
      %dma_start3A_137 = arith.constant 0 : i32
      %dma_start3A_138 = tpu.memref_slice %arg2[%dma_start3A_133, %dma_start3A_137] : memref<50x4096xi32, #tpu.memory_space<hbm>> -> memref<1x4096xi32, #tpu.memory_space<hbm>>
      %dma_start3A_139 = tpu.memref_squeeze %dma_start3A_138 : memref<1x4096xi32, #tpu.memory_space<hbm>> -> memref<4096xi32, #tpu.memory_space<hbm>>
      tpu.enqueue_dma source(%dma_start3A_139 : memref<4096xi32, #tpu.memory_space<hbm>>) target(%arg10 : memref<4096xi32, #tpu.memory_space<vmem>>) target_semaphore(%arg16 : memref<!tpu.dma_semaphore, #tpu.memory_space<semaphore_mem>>)
      %dma_start3A_140 = arith.constant 2 : i32
      %dma_start3A_141 = arith.constant 0 : i32
      %dma_start3A_142 = tpu.memref_slice %arg2[%dma_start3A_140, %dma_start3A_141] : memref<50x4096xi32, #tpu.memory_space<hbm>> -> memref<1x4096xi32, #tpu.memory_space<hbm>>
      %dma_start3A_143 = tpu.memref_squeeze %dma_start3A_142 : memref<1x4096xi32, #tpu.memory_space<hbm>> -> memref<4096xi32, #tpu.memory_space<hbm>>
      %dma_start3A_144 = arith.constant 0 : i32
      %dma_start3A_145 = tpu.memref_slice %arg2[%dma_start3A_140, %dma_start3A_144] : memref<50x4096xi32, #tpu.memory_space<hbm>> -> memref<1x4096xi32, #tpu.memory_space<hbm>>
      %dma_start3A_146 = tpu.memref_squeeze %dma_start3A_145 : memref<1x4096xi32, #tpu.memory_space<hbm>> -> memref<4096xi32, #tpu.memory_space<hbm>>
      tpu.enqueue_dma source(%dma_start3A_146 : memref<4096xi32, #tpu.memory_space<hbm>>) target(%arg11 : memref<4096xi32, #tpu.memory_space<vmem>>) target_semaphore(%arg17 : memref<!tpu.dma_semaphore, #tpu.memory_space<semaphore_mem>>)
      %dma_start3A_147 = arith.constant 3 : i32
      %dma_start3A_148 = arith.constant 0 : i32
      %dma_start3A_149 = tpu.memref_slice %arg2[%dma_start3A_147, %dma_start3A_148] : memref<50x4096xi32, #tpu.memory_space<hbm>> -> memref<1x4096xi32, #tpu.memory_space<hbm>>
      %dma_start3A_150 = tpu.memref_squeeze %dma_start3A_149 : memref<1x4096xi32, #tpu.memory_space<hbm>> -> memref<4096xi32, #tpu.memory_space<hbm>>
      %dma_start3A_151 = arith.constant 0 : i32
      %dma_start3A_152 = tpu.memref_slice %arg2[%dma_start3A_147, %dma_start3A_151] : memref<50x4096xi32, #tpu.memory_space<hbm>> -> memref<1x4096xi32, #tpu.memory_space<hbm>>
      %dma_start3A_153 = tpu.memref_squeeze %dma_start3A_152 : memref<1x4096xi32, #tpu.memory_space<hbm>> -> memref<4096xi32, #tpu.memory_space<hbm>>
      tpu.enqueue_dma source(%dma_start3A_153 : memref<4096xi32, #tpu.memory_space<hbm>>) target(%arg12 : memref<4096xi32, #tpu.memory_space<vmem>>) target_semaphore(%arg18 : memref<!tpu.dma_semaphore, #tpu.memory_space<semaphore_mem>>)
      %dma_wait3A_154 = arith.constant 0 : i32
      %dma_wait3A_155 = tpu.memref_slice %arg4[%add3A_119, %dma_wait3A_154] : memref<32x100000xf32, #tpu.memory_space<hbm>> -> memref<1x100000xf32, #tpu.memory_space<hbm>>
      %dma_wait3A_156 = tpu.memref_squeeze %dma_wait3A_155 : memref<1x100000xf32, #tpu.memory_space<hbm>> -> memref<100000xf32, #tpu.memory_space<hbm>>
      %dma_wait3A_157 = arith.constant 0 : i32
      %dma_wait3A_158 = tpu.memref_slice %arg4[%add3A_119, %dma_wait3A_157] : memref<32x100000xf32, #tpu.memory_space<hbm>> -> memref<1x100000xf32, #tpu.memory_space<hbm>>
      %dma_wait3A_159 = tpu.memref_squeeze %dma_wait3A_158 : memref<1x100000xf32, #tpu.memory_space<hbm>> -> memref<100000xf32, #tpu.memory_space<hbm>>
      tpu.wait_dma2 semaphore(%arg21 : memref<!tpu.dma_semaphore, #tpu.memory_space<semaphore_mem>>) src(%dma_wait3A_159 : memref<100000xf32, #tpu.memory_space<hbm>>) dst(%arg8 : memref<100000xf32, #tpu.memory_space<vmem>>)
      %get3A_160 = arith.constant 0 : index
      %get3A_161 = tpu.vector_load %arg8[%get3A_160] {strides = array<i32>} : memref<100000xf32, #tpu.memory_space<vmem>>, vector<16xf32>,
      %iota3A_162 = tpu.iota {dimensions = array<i32: 0>} : vector<16xi32>
      %eq3A_163 = arith.constant 0 : i32
      %eq3A_164 = vector.broadcast %eq3A_163 : i32 to vector<16xi32>
      %eq3A_165 = arith.cmpi eq, %iota3A_162, %eq3A_164 : vector<16xi32>
      %jit3A_166 = arith.constant 0.000000e+00 : f32
      %broadcast_in_dim3A_167 = vector.broadcast %jit3A_166 : f32 to vector<16xf32>
      %select_n3A_168 = arith.select %eq3A_165, %broadcast_in_dim3A_167, %get3A_161 : vector<16xi1>, vector<16xf32>
      %swap3A_169 = arith.constant 0 : index
      %swap3A_170 = tpu.vector_load %arg8[%swap3A_169] {strides = array<i32>} : memref<100000xf32, #tpu.memory_space<vmem>>, vector<16xf32>,
      tpu.vector_store %arg8[%swap3A_169], %select_n3A_168 {strides = array<i32>} : memref<100000xf32, #tpu.memory_space<vmem>>, vector<16xf32>,
      %scan3A_171 = arith.constant 0 : i32
      %scan3A_172 = arith.constant 0 : i32
      %scan3A_173 = arith.constant 12 : i32
      %scan3A_174 = arith.addi %scan3A_172, %scan3A_173 : i32
      %scan3A_175 = arith.constant 1 : i32
      %scan3A_176 = scf.for %scan3A_240 = %scan3A_172 to %scan3A_174 step %scan3A_175 iter_args(%scan3A_241 = %scan3A_171) -> (i32)  : i32 {
        %mul3A = arith.constant 4 : i32
        %mul3A_242 = arith.muli %mul3A, %scan3A_240 : i32
        %add3A_243 = arith.constant 0 : i32
        %add3A_244 = arith.addi %mul3A_242, %add3A_243 : i32
        %dma_wait3A_245 = arith.constant 0 : i32
        %dma_wait3A_246 = arith.constant 0 : i32
        %dma_wait3A_247 = tpu.memref_slice %arg2[%dma_wait3A_245, %dma_wait3A_246] : memref<50x4096xi32, #tpu.memory_space<hbm>> -> memref<1x4096xi32, #tpu.memory_space<hbm>>
        %dma_wait3A_248 = tpu.memref_squeeze %dma_wait3A_247 : memref<1x4096xi32, #tpu.memory_space<hbm>> -> memref<4096xi32, #tpu.memory_space<hbm>>
        %dma_wait3A_249 = arith.constant 0 : i32
        %dma_wait3A_250 = tpu.memref_slice %arg2[%dma_wait3A_245, %dma_wait3A_249] : memref<50x4096xi32, #tpu.memory_space<hbm>> -> memref<1x4096xi32, #tpu.memory_space<hbm>>
        %dma_wait3A_251 = tpu.memref_squeeze %dma_wait3A_250 : memref<1x4096xi32, #tpu.memory_space<hbm>> -> memref<4096xi32, #tpu.memory_space<hbm>>
        tpu.wait_dma2 semaphore(%arg15 : memref<!tpu.dma_semaphore, #tpu.memory_space<semaphore_mem>>) src(%dma_wait3A_251 : memref<4096xi32, #tpu.memory_space<hbm>>) dst(%arg9 : memref<4096xi32, #tpu.memory_space<vmem>>)
        %ge3A = arith.constant 2 : i32
        %ge3A_252 = arith.cmpi sge, %add3A_244, %ge3A : i32
        %convert_element_type3A_253 = arith.extui %ge3A_252 : i1 to i32
        %cond3A_254 = arith.constant 0 : i32
        %cond3A_255 = arith.cmpi ne, %convert_element_type3A_253, %cond3A_254 : i32
        scf.if %cond3A_255 {
          %dma_wait3A_368 = arith.constant 0 : i32
          %dma_wait3A_369 = arith.constant 0 : i32
          %dma_wait3A_370 = tpu.memref_slice %arg6[%dma_wait3A_368, %add3A_119, %dma_wait3A_369] : memref<50x32x4096xf32, #tpu.memory_space<hbm>> -> memref<1x1x4096xf32, #tpu.memory_space<hbm>>
          %dma_wait3A_371 = tpu.memref_squeeze %dma_wait3A_370 : memref<1x1x4096xf32, #tpu.memory_space<hbm>> -> memref<4096xf32, #tpu.memory_space<hbm>>
          %dma_wait3A_372 = arith.constant 0 : i32
          %dma_wait3A_373 = tpu.memref_slice %arg6[%dma_wait3A_368, %add3A_119, %dma_wait3A_372] : memref<50x32x4096xf32, #tpu.memory_space<hbm>> -> memref<1x1x4096xf32, #tpu.memory_space<hbm>>
          %dma_wait3A_374 = tpu.memref_squeeze %dma_wait3A_373 : memref<1x1x4096xf32, #tpu.memory_space<hbm>> -> memref<4096xf32, #tpu.memory_space<hbm>>
          tpu.wait_dma2 semaphore(%arg19 : memref<!tpu.dma_semaphore, #tpu.memory_space<semaphore_mem>>) src(%arg13 : memref<4096xf32, #tpu.memory_space<vmem>>) dst(%dma_wait3A_374 : memref<4096xf32, #tpu.memory_space<hbm>>)
        } else {
        }
        %parallel_loop3A_256 = arith.constant 0 : i32
        %parallel_loop3A_257 = arith.constant 4096 : i32
        %parallel_loop3A_258 = arith.constant 16 : i32
        scf.for %parallel_loop3A_368 = %parallel_loop3A_256 to %parallel_loop3A_257 step %parallel_loop3A_258  : i32 {
          %parallel_loop3A_369 = arith.index_cast %parallel_loop3A_368 : i32 to index
          %parallel_loop3A_370 = tpu.vector_load %arg9[%parallel_loop3A_369] {strides = array<i32>} : memref<4096xi32, #tpu.memory_space<vmem>>, vector<16xi32>,
          %parallel_loop3A_371 = tpu.vector_load_idx %arg8[%parallel_loop3A_370] : memref<100000xf32, #tpu.memory_space<vmem>>[vector<16xi32>], vector<16xf32>,
          %parallel_loop3A_372 = arith.index_cast %parallel_loop3A_368 : i32 to index
          %parallel_loop3A_373 = tpu.vector_load %arg13[%parallel_loop3A_372] {strides = array<i32>} : memref<4096xf32, #tpu.memory_space<vmem>>, vector<16xf32>,
          tpu.vector_store %arg13[%parallel_loop3A_372], %parallel_loop3A_371 {strides = array<i32>} : memref<4096xf32, #tpu.memory_space<vmem>>, vector<16xf32>,
        } {sc.loop_unroll_factor = 8 : i64, sc.parallel_access}
        %add3A_259 = arith.constant 4 : i32
        %add3A_260 = arith.addi %add3A_244, %add3A_259 : i32
        %lt3A = arith.constant 50 : i32
        %lt3A_261 = arith.cmpi slt, %add3A_260, %lt3A : i32
        %convert_element_type3A_262 = arith.extui %lt3A_261 : i1 to i32
        %cond3A_263 = arith.constant 0 : i32
        %cond3A_264 = arith.cmpi ne, %convert_element_type3A_262, %cond3A_263 : i32
        scf.if %cond3A_264 {
          %add3A_368 = arith.constant 4 : i32
          %add3A_369 = arith.addi %add3A_244, %add3A_368 : i32
          %dma_start3A_370 = arith.constant 0 : i32
          %dma_start3A_371 = tpu.memref_slice %arg2[%add3A_369, %dma_start3A_370] : memref<50x4096xi32, #tpu.memory_space<hbm>> -> memref<1x4096xi32, #tpu.memory_space<hbm>>
          %dma_start3A_372 = tpu.memref_squeeze %dma_start3A_371 : memref<1x4096xi32, #tpu.memory_space<hbm>> -> memref<4096xi32, #tpu.memory_space<hbm>>
          %dma_start3A_373 = arith.constant 0 : i32
          %dma_start3A_374 = tpu.memref_slice %arg2[%add3A_369, %dma_start3A_373] : memref<50x4096xi32, #tpu.memory_space<hbm>> -> memref<1x4096xi32, #tpu.memory_space<hbm>>
          %dma_start3A_375 = tpu.memref_squeeze %dma_start3A_374 : memref<1x4096xi32, #tpu.memory_space<hbm>> -> memref<4096xi32, #tpu.memory_space<hbm>>
          tpu.enqueue_dma source(%dma_start3A_375 : memref<4096xi32, #tpu.memory_space<hbm>>) target(%arg9 : memref<4096xi32, #tpu.memory_space<vmem>>) target_semaphore(%arg15 : memref<!tpu.dma_semaphore, #tpu.memory_space<semaphore_mem>>)
        } else {
        }
        %dma_start3A_265 = arith.constant 0 : i32
        %dma_start3A_266 = tpu.memref_slice %arg6[%add3A_244, %add3A_119, %dma_start3A_265] : memref<50x32x4096xf32, #tpu.memory_space<hbm>> -> memref<1x1x4096xf32, #tpu.memory_space<hbm>>
        %dma_start3A_267 = tpu.memref_squeeze %dma_start3A_266 : memref<1x1x4096xf32, #tpu.memory_space<hbm>> -> memref<4096xf32, #tpu.memory_space<hbm>>
        %dma_start3A_268 = arith.constant 0 : i32
        %dma_start3A_269 = tpu.memref_slice %arg6[%add3A_244, %add3A_119, %dma_start3A_268] : memref<50x32x4096xf32, #tpu.memory_space<hbm>> -> memref<1x1x4096xf32, #tpu.memory_space<hbm>>
        %dma_start3A_270 = tpu.memref_squeeze %dma_start3A_269 : memref<1x1x4096xf32, #tpu.memory_space<hbm>> -> memref<4096xf32, #tpu.memory_space<hbm>>
        tpu.enqueue_dma source(%arg13 : memref<4096xf32, #tpu.memory_space<vmem>>) target(%dma_start3A_270 : memref<4096xf32, #tpu.memory_space<hbm>>) target_semaphore(%arg19 : memref<!tpu.dma_semaphore, #tpu.memory_space<semaphore_mem>>)
        %mul3A_271 = arith.constant 4 : i32
        %mul3A_272 = arith.muli %mul3A_271, %scan3A_240 : i32
        %add3A_273 = arith.constant 1 : i32
        %add3A_274 = arith.addi %mul3A_272, %add3A_273 : i32
        %dma_wait3A_275 = arith.constant 0 : i32
        %dma_wait3A_276 = arith.constant 0 : i32
        %dma_wait3A_277 = tpu.memref_slice %arg2[%dma_wait3A_275, %dma_wait3A_276] : memref<50x4096xi32, #tpu.memory_space<hbm>> -> memref<1x4096xi32, #tpu.memory_space<hbm>>
        %dma_wait3A_278 = tpu.memref_squeeze %dma_wait3A_277 : memref<1x4096xi32, #tpu.memory_space<hbm>> -> memref<4096xi32, #tpu.memory_space<hbm>>
        %dma_wait3A_279 = arith.constant 0 : i32
        %dma_wait3A_280 = tpu.memref_slice %arg2[%dma_wait3A_275, %dma_wait3A_279] : memref<50x4096xi32, #tpu.memory_space<hbm>> -> memref<1x4096xi32, #tpu.memory_space<hbm>>
        %dma_wait3A_281 = tpu.memref_squeeze %dma_wait3A_280 : memref<1x4096xi32, #tpu.memory_space<hbm>> -> memref<4096xi32, #tpu.memory_space<hbm>>
        tpu.wait_dma2 semaphore(%arg16 : memref<!tpu.dma_semaphore, #tpu.memory_space<semaphore_mem>>) src(%dma_wait3A_281 : memref<4096xi32, #tpu.memory_space<hbm>>) dst(%arg10 : memref<4096xi32, #tpu.memory_space<vmem>>)
        %ge3A_282 = arith.constant 2 : i32
        %ge3A_283 = arith.cmpi sge, %add3A_274, %ge3A_282 : i32
        %convert_element_type3A_284 = arith.extui %ge3A_283 : i1 to i32
        %cond3A_285 = arith.constant 0 : i32
        %cond3A_286 = arith.cmpi ne, %convert_element_type3A_284, %cond3A_285 : i32
        scf.if %cond3A_286 {
          %dma_wait3A_368 = arith.constant 0 : i32
          %dma_wait3A_369 = arith.constant 0 : i32
          %dma_wait3A_370 = tpu.memref_slice %arg6[%dma_wait3A_368, %add3A_119, %dma_wait3A_369] : memref<50x32x4096xf32, #tpu.memory_space<hbm>> -> memref<1x1x4096xf32, #tpu.memory_space<hbm>>
          %dma_wait3A_371 = tpu.memref_squeeze %dma_wait3A_370 : memref<1x1x4096xf32, #tpu.memory_space<hbm>> -> memref<4096xf32, #tpu.memory_space<hbm>>
          %dma_wait3A_372 = arith.constant 0 : i32
          %dma_wait3A_373 = tpu.memref_slice %arg6[%dma_wait3A_368, %add3A_119, %dma_wait3A_372] : memref<50x32x4096xf32, #tpu.memory_space<hbm>> -> memref<1x1x4096xf32, #tpu.memory_space<hbm>>
          %dma_wait3A_374 = tpu.memref_squeeze %dma_wait3A_373 : memref<1x1x4096xf32, #tpu.memory_space<hbm>> -> memref<4096xf32, #tpu.memory_space<hbm>>
          tpu.wait_dma2 semaphore(%arg20 : memref<!tpu.dma_semaphore, #tpu.memory_space<semaphore_mem>>) src(%arg14 : memref<4096xf32, #tpu.memory_space<vmem>>) dst(%dma_wait3A_374 : memref<4096xf32, #tpu.memory_space<hbm>>)
        } else {
        }
        %parallel_loop3A_287 = arith.constant 0 : i32
        %parallel_loop3A_288 = arith.constant 4096 : i32
        %parallel_loop3A_289 = arith.constant 16 : i32
        scf.for %parallel_loop3A_368 = %parallel_loop3A_287 to %parallel_loop3A_288 step %parallel_loop3A_289  : i32 {
          %parallel_loop3A_369 = arith.index_cast %parallel_loop3A_368 : i32 to index
          %parallel_loop3A_370 = tpu.vector_load %arg10[%parallel_loop3A_369] {strides = array<i32>} : memref<4096xi32, #tpu.memory_space<vmem>>, vector<16xi32>,
          %parallel_loop3A_371 = tpu.vector_load_idx %arg8[%parallel_loop3A_370] : memref<100000xf32, #tpu.memory_space<vmem>>[vector<16xi32>], vector<16xf32>,
          %parallel_loop3A_372 = arith.index_cast %parallel_loop3A_368 : i32 to index
          %parallel_loop3A_373 = tpu.vector_load %arg14[%parallel_loop3A_372] {strides = array<i32>} : memref<4096xf32, #tpu.memory_space<vmem>>, vector<16xf32>,
          tpu.vector_store %arg14[%parallel_loop3A_372], %parallel_loop3A_371 {strides = array<i32>} : memref<4096xf32, #tpu.memory_space<vmem>>, vector<16xf32>,
        } {sc.loop_unroll_factor = 8 : i64, sc.parallel_access}
        %add3A_290 = arith.constant 4 : i32
        %add3A_291 = arith.addi %add3A_274, %add3A_290 : i32
        %lt3A_292 = arith.constant 50 : i32
        %lt3A_293 = arith.cmpi slt, %add3A_291, %lt3A_292 : i32
        %convert_element_type3A_294 = arith.extui %lt3A_293 : i1 to i32
        %cond3A_295 = arith.constant 0 : i32
        %cond3A_296 = arith.cmpi ne, %convert_element_type3A_294, %cond3A_295 : i32
        scf.if %cond3A_296 {
          %add3A_368 = arith.constant 4 : i32
          %add3A_369 = arith.addi %add3A_274, %add3A_368 : i32
          %dma_start3A_370 = arith.constant 0 : i32
          %dma_start3A_371 = tpu.memref_slice %arg2[%add3A_369, %dma_start3A_370] : memref<50x4096xi32, #tpu.memory_space<hbm>> -> memref<1x4096xi32, #tpu.memory_space<hbm>>
          %dma_start3A_372 = tpu.memref_squeeze %dma_start3A_371 : memref<1x4096xi32, #tpu.memory_space<hbm>> -> memref<4096xi32, #tpu.memory_space<hbm>>
          %dma_start3A_373 = arith.constant 0 : i32
          %dma_start3A_374 = tpu.memref_slice %arg2[%add3A_369, %dma_start3A_373] : memref<50x4096xi32, #tpu.memory_space<hbm>> -> memref<1x4096xi32, #tpu.memory_space<hbm>>
          %dma_start3A_375 = tpu.memref_squeeze %dma_start3A_374 : memref<1x4096xi32, #tpu.memory_space<hbm>> -> memref<4096xi32, #tpu.memory_space<hbm>>
          tpu.enqueue_dma source(%dma_start3A_375 : memref<4096xi32, #tpu.memory_space<hbm>>) target(%arg10 : memref<4096xi32, #tpu.memory_space<vmem>>) target_semaphore(%arg16 : memref<!tpu.dma_semaphore, #tpu.memory_space<semaphore_mem>>)
        } else {
        }
        %dma_start3A_297 = arith.constant 0 : i32
        %dma_start3A_298 = tpu.memref_slice %arg6[%add3A_274, %add3A_119, %dma_start3A_297] : memref<50x32x4096xf32, #tpu.memory_space<hbm>> -> memref<1x1x4096xf32, #tpu.memory_space<hbm>>
        %dma_start3A_299 = tpu.memref_squeeze %dma_start3A_298 : memref<1x1x4096xf32, #tpu.memory_space<hbm>> -> memref<4096xf32, #tpu.memory_space<hbm>>
        %dma_start3A_300 = arith.constant 0 : i32
        %dma_start3A_301 = tpu.memref_slice %arg6[%add3A_274, %add3A_119, %dma_start3A_300] : memref<50x32x4096xf32, #tpu.memory_space<hbm>> -> memref<1x1x4096xf32, #tpu.memory_space<hbm>>
        %dma_start3A_302 = tpu.memref_squeeze %dma_start3A_301 : memref<1x1x4096xf32, #tpu.memory_space<hbm>> -> memref<4096xf32, #tpu.memory_space<hbm>>
        tpu.enqueue_dma source(%arg14 : memref<4096xf32, #tpu.memory_space<vmem>>) target(%dma_start3A_302 : memref<4096xf32, #tpu.memory_space<hbm>>) target_semaphore(%arg20 : memref<!tpu.dma_semaphore, #tpu.memory_space<semaphore_mem>>)
        %mul3A_303 = arith.constant 4 : i32
        %mul3A_304 = arith.muli %mul3A_303, %scan3A_240 : i32
        %add3A_305 = arith.constant 2 : i32
        %add3A_306 = arith.addi %mul3A_304, %add3A_305 : i32
        %dma_wait3A_307 = arith.constant 0 : i32
        %dma_wait3A_308 = arith.constant 0 : i32
        %dma_wait3A_309 = tpu.memref_slice %arg2[%dma_wait3A_307, %dma_wait3A_308] : memref<50x4096xi32, #tpu.memory_space<hbm>> -> memref<1x4096xi32, #tpu.memory_space<hbm>>
        %dma_wait3A_310 = tpu.memref_squeeze %dma_wait3A_309 : memref<1x4096xi32, #tpu.memory_space<hbm>> -> memref<4096xi32, #tpu.memory_space<hbm>>
        %dma_wait3A_311 = arith.constant 0 : i32
        %dma_wait3A_312 = tpu.memref_slice %arg2[%dma_wait3A_307, %dma_wait3A_311] : memref<50x4096xi32, #tpu.memory_space<hbm>> -> memref<1x4096xi32, #tpu.memory_space<hbm>>
        %dma_wait3A_313 = tpu.memref_squeeze %dma_wait3A_312 : memref<1x4096xi32, #tpu.memory_space<hbm>> -> memref<4096xi32, #tpu.memory_space<hbm>>
        tpu.wait_dma2 semaphore(%arg17 : memref<!tpu.dma_semaphore, #tpu.memory_space<semaphore_mem>>) src(%dma_wait3A_313 : memref<4096xi32, #tpu.memory_space<hbm>>) dst(%arg11 : memref<4096xi32, #tpu.memory_space<vmem>>)
        %ge3A_314 = arith.constant 2 : i32
        %ge3A_315 = arith.cmpi sge, %add3A_306, %ge3A_314 : i32
        %convert_element_type3A_316 = arith.extui %ge3A_315 : i1 to i32
        %cond3A_317 = arith.constant 0 : i32
        %cond3A_318 = arith.cmpi ne, %convert_element_type3A_316, %cond3A_317 : i32
        scf.if %cond3A_318 {
          %dma_wait3A_368 = arith.constant 0 : i32
          %dma_wait3A_369 = arith.constant 0 : i32
          %dma_wait3A_370 = tpu.memref_slice %arg6[%dma_wait3A_368, %add3A_119, %dma_wait3A_369] : memref<50x32x4096xf32, #tpu.memory_space<hbm>> -> memref<1x1x4096xf32, #tpu.memory_space<hbm>>
          %dma_wait3A_371 = tpu.memref_squeeze %dma_wait3A_370 : memref<1x1x4096xf32, #tpu.memory_space<hbm>> -> memref<4096xf32, #tpu.memory_space<hbm>>
          %dma_wait3A_372 = arith.constant 0 : i32
          %dma_wait3A_373 = tpu.memref_slice %arg6[%dma_wait3A_368, %add3A_119, %dma_wait3A_372] : memref<50x32x4096xf32, #tpu.memory_space<hbm>> -> memref<1x1x4096xf32, #tpu.memory_space<hbm>>
          %dma_wait3A_374 = tpu.memref_squeeze %dma_wait3A_373 : memref<1x1x4096xf32, #tpu.memory_space<hbm>> -> memref<4096xf32, #tpu.memory_space<hbm>>
          tpu.wait_dma2 semaphore(%arg19 : memref<!tpu.dma_semaphore, #tpu.memory_space<semaphore_mem>>) src(%arg13 : memref<4096xf32, #tpu.memory_space<vmem>>) dst(%dma_wait3A_374 : memref<4096xf32, #tpu.memory_space<hbm>>)
        } else {
        }
        %parallel_loop3A_319 = arith.constant 0 : i32
        %parallel_loop3A_320 = arith.constant 4096 : i32
        %parallel_loop3A_321 = arith.constant 16 : i32
        scf.for %parallel_loop3A_368 = %parallel_loop3A_319 to %parallel_loop3A_320 step %parallel_loop3A_321  : i32 {
          %parallel_loop3A_369 = arith.index_cast %parallel_loop3A_368 : i32 to index
          %parallel_loop3A_370 = tpu.vector_load %arg11[%parallel_loop3A_369] {strides = array<i32>} : memref<4096xi32, #tpu.memory_space<vmem>>, vector<16xi32>,
          %parallel_loop3A_371 = tpu.vector_load_idx %arg8[%parallel_loop3A_370] : memref<100000xf32, #tpu.memory_space<vmem>>[vector<16xi32>], vector<16xf32>,
          %parallel_loop3A_372 = arith.index_cast %parallel_loop3A_368 : i32 to index
          %parallel_loop3A_373 = tpu.vector_load %arg13[%parallel_loop3A_372] {strides = array<i32>} : memref<4096xf32, #tpu.memory_space<vmem>>, vector<16xf32>,
          tpu.vector_store %arg13[%parallel_loop3A_372], %parallel_loop3A_371 {strides = array<i32>} : memref<4096xf32, #tpu.memory_space<vmem>>, vector<16xf32>,
        } {sc.loop_unroll_factor = 8 : i64, sc.parallel_access}
        %add3A_322 = arith.constant 4 : i32
        %add3A_323 = arith.addi %add3A_306, %add3A_322 : i32
        %lt3A_324 = arith.constant 50 : i32
        %lt3A_325 = arith.cmpi slt, %add3A_323, %lt3A_324 : i32
        %convert_element_type3A_326 = arith.extui %lt3A_325 : i1 to i32
        %cond3A_327 = arith.constant 0 : i32
        %cond3A_328 = arith.cmpi ne, %convert_element_type3A_326, %cond3A_327 : i32
        scf.if %cond3A_328 {
          %add3A_368 = arith.constant 4 : i32
          %add3A_369 = arith.addi %add3A_306, %add3A_368 : i32
          %dma_start3A_370 = arith.constant 0 : i32
          %dma_start3A_371 = tpu.memref_slice %arg2[%add3A_369, %dma_start3A_370] : memref<50x4096xi32, #tpu.memory_space<hbm>> -> memref<1x4096xi32, #tpu.memory_space<hbm>>
          %dma_start3A_372 = tpu.memref_squeeze %dma_start3A_371 : memref<1x4096xi32, #tpu.memory_space<hbm>> -> memref<4096xi32, #tpu.memory_space<hbm>>
          %dma_start3A_373 = arith.constant 0 : i32
          %dma_start3A_374 = tpu.memref_slice %arg2[%add3A_369, %dma_start3A_373] : memref<50x4096xi32, #tpu.memory_space<hbm>> -> memref<1x4096xi32, #tpu.memory_space<hbm>>
          %dma_start3A_375 = tpu.memref_squeeze %dma_start3A_374 : memref<1x4096xi32, #tpu.memory_space<hbm>> -> memref<4096xi32, #tpu.memory_space<hbm>>
          tpu.enqueue_dma source(%dma_start3A_375 : memref<4096xi32, #tpu.memory_space<hbm>>) target(%arg11 : memref<4096xi32, #tpu.memory_space<vmem>>) target_semaphore(%arg17 : memref<!tpu.dma_semaphore, #tpu.memory_space<semaphore_mem>>)
        } else {
        }
        %dma_start3A_329 = arith.constant 0 : i32
        %dma_start3A_330 = tpu.memref_slice %arg6[%add3A_306, %add3A_119, %dma_start3A_329] : memref<50x32x4096xf32, #tpu.memory_space<hbm>> -> memref<1x1x4096xf32, #tpu.memory_space<hbm>>
        %dma_start3A_331 = tpu.memref_squeeze %dma_start3A_330 : memref<1x1x4096xf32, #tpu.memory_space<hbm>> -> memref<4096xf32, #tpu.memory_space<hbm>>
        %dma_start3A_332 = arith.constant 0 : i32
        %dma_start3A_333 = tpu.memref_slice %arg6[%add3A_306, %add3A_119, %dma_start3A_332] : memref<50x32x4096xf32, #tpu.memory_space<hbm>> -> memref<1x1x4096xf32, #tpu.memory_space<hbm>>
        %dma_start3A_334 = tpu.memref_squeeze %dma_start3A_333 : memref<1x1x4096xf32, #tpu.memory_space<hbm>> -> memref<4096xf32, #tpu.memory_space<hbm>>
        tpu.enqueue_dma source(%arg13 : memref<4096xf32, #tpu.memory_space<vmem>>) target(%dma_start3A_334 : memref<4096xf32, #tpu.memory_space<hbm>>) target_semaphore(%arg19 : memref<!tpu.dma_semaphore, #tpu.memory_space<semaphore_mem>>)
        %mul3A_335 = arith.constant 4 : i32
        %mul3A_336 = arith.muli %mul3A_335, %scan3A_240 : i32
        %add3A_337 = arith.constant 3 : i32
        %add3A_338 = arith.addi %mul3A_336, %add3A_337 : i32
        %dma_wait3A_339 = arith.constant 0 : i32
        %dma_wait3A_340 = arith.constant 0 : i32
        %dma_wait3A_341 = tpu.memref_slice %arg2[%dma_wait3A_339, %dma_wait3A_340] : memref<50x4096xi32, #tpu.memory_space<hbm>> -> memref<1x4096xi32, #tpu.memory_space<hbm>>
        %dma_wait3A_342 = tpu.memref_squeeze %dma_wait3A_341 : memref<1x4096xi32, #tpu.memory_space<hbm>> -> memref<4096xi32, #tpu.memory_space<hbm>>
        %dma_wait3A_343 = arith.constant 0 : i32
        %dma_wait3A_344 = tpu.memref_slice %arg2[%dma_wait3A_339, %dma_wait3A_343] : memref<50x4096xi32, #tpu.memory_space<hbm>> -> memref<1x4096xi32, #tpu.memory_space<hbm>>
        %dma_wait3A_345 = tpu.memref_squeeze %dma_wait3A_344 : memref<1x4096xi32, #tpu.memory_space<hbm>> -> memref<4096xi32, #tpu.memory_space<hbm>>
        tpu.wait_dma2 semaphore(%arg18 : memref<!tpu.dma_semaphore, #tpu.memory_space<semaphore_mem>>) src(%dma_wait3A_345 : memref<4096xi32, #tpu.memory_space<hbm>>) dst(%arg12 : memref<4096xi32, #tpu.memory_space<vmem>>)
        %ge3A_346 = arith.constant 2 : i32
        %ge3A_347 = arith.cmpi sge, %add3A_338, %ge3A_346 : i32
        %convert_element_type3A_348 = arith.extui %ge3A_347 : i1 to i32
        %cond3A_349 = arith.constant 0 : i32
        %cond3A_350 = arith.cmpi ne, %convert_element_type3A_348, %cond3A_349 : i32
        scf.if %cond3A_350 {
          %dma_wait3A_368 = arith.constant 0 : i32
          %dma_wait3A_369 = arith.constant 0 : i32
          %dma_wait3A_370 = tpu.memref_slice %arg6[%dma_wait3A_368, %add3A_119, %dma_wait3A_369] : memref<50x32x4096xf32, #tpu.memory_space<hbm>> -> memref<1x1x4096xf32, #tpu.memory_space<hbm>>
          %dma_wait3A_371 = tpu.memref_squeeze %dma_wait3A_370 : memref<1x1x4096xf32, #tpu.memory_space<hbm>> -> memref<4096xf32, #tpu.memory_space<hbm>>
          %dma_wait3A_372 = arith.constant 0 : i32
          %dma_wait3A_373 = tpu.memref_slice %arg6[%dma_wait3A_368, %add3A_119, %dma_wait3A_372] : memref<50x32x4096xf32, #tpu.memory_space<hbm>> -> memref<1x1x4096xf32, #tpu.memory_space<hbm>>
          %dma_wait3A_374 = tpu.memref_squeeze %dma_wait3A_373 : memref<1x1x4096xf32, #tpu.memory_space<hbm>> -> memref<4096xf32, #tpu.memory_space<hbm>>
          tpu.wait_dma2 semaphore(%arg20 : memref<!tpu.dma_semaphore, #tpu.memory_space<semaphore_mem>>) src(%arg14 : memref<4096xf32, #tpu.memory_space<vmem>>) dst(%dma_wait3A_374 : memref<4096xf32, #tpu.memory_space<hbm>>)
        } else {
        }
        %parallel_loop3A_351 = arith.constant 0 : i32
        %parallel_loop3A_352 = arith.constant 4096 : i32
        %parallel_loop3A_353 = arith.constant 16 : i32
        scf.for %parallel_loop3A_368 = %parallel_loop3A_351 to %parallel_loop3A_352 step %parallel_loop3A_353  : i32 {
          %parallel_loop3A_369 = arith.index_cast %parallel_loop3A_368 : i32 to index
          %parallel_loop3A_370 = tpu.vector_load %arg12[%parallel_loop3A_369] {strides = array<i32>} : memref<4096xi32, #tpu.memory_space<vmem>>, vector<16xi32>,
          %parallel_loop3A_371 = tpu.vector_load_idx %arg8[%parallel_loop3A_370] : memref<100000xf32, #tpu.memory_space<vmem>>[vector<16xi32>], vector<16xf32>,
          %parallel_loop3A_372 = arith.index_cast %parallel_loop3A_368 : i32 to index
          %parallel_loop3A_373 = tpu.vector_load %arg14[%parallel_loop3A_372] {strides = array<i32>} : memref<4096xf32, #tpu.memory_space<vmem>>, vector<16xf32>,
          tpu.vector_store %arg14[%parallel_loop3A_372], %parallel_loop3A_371 {strides = array<i32>} : memref<4096xf32, #tpu.memory_space<vmem>>, vector<16xf32>,
        } {sc.loop_unroll_factor = 8 : i64, sc.parallel_access}
        %add3A_354 = arith.constant 4 : i32
        %add3A_355 = arith.addi %add3A_338, %add3A_354 : i32
        %lt3A_356 = arith.constant 50 : i32
        %lt3A_357 = arith.cmpi slt, %add3A_355, %lt3A_356 : i32
        %convert_element_type3A_358 = arith.extui %lt3A_357 : i1 to i32
        %cond3A_359 = arith.constant 0 : i32
        %cond3A_360 = arith.cmpi ne, %convert_element_type3A_358, %cond3A_359 : i32
        scf.if %cond3A_360 {
          %add3A_368 = arith.constant 4 : i32
          %add3A_369 = arith.addi %add3A_338, %add3A_368 : i32
          %dma_start3A_370 = arith.constant 0 : i32
          %dma_start3A_371 = tpu.memref_slice %arg2[%add3A_369, %dma_start3A_370] : memref<50x4096xi32, #tpu.memory_space<hbm>> -> memref<1x4096xi32, #tpu.memory_space<hbm>>
          %dma_start3A_372 = tpu.memref_squeeze %dma_start3A_371 : memref<1x4096xi32, #tpu.memory_space<hbm>> -> memref<4096xi32, #tpu.memory_space<hbm>>
          %dma_start3A_373 = arith.constant 0 : i32
          %dma_start3A_374 = tpu.memref_slice %arg2[%add3A_369, %dma_start3A_373] : memref<50x4096xi32, #tpu.memory_space<hbm>> -> memref<1x4096xi32, #tpu.memory_space<hbm>>
          %dma_start3A_375 = tpu.memref_squeeze %dma_start3A_374 : memref<1x4096xi32, #tpu.memory_space<hbm>> -> memref<4096xi32, #tpu.memory_space<hbm>>
          tpu.enqueue_dma source(%dma_start3A_375 : memref<4096xi32, #tpu.memory_space<hbm>>) target(%arg12 : memref<4096xi32, #tpu.memory_space<vmem>>) target_semaphore(%arg18 : memref<!tpu.dma_semaphore, #tpu.memory_space<semaphore_mem>>)
        } else {
        }
        %dma_start3A_361 = arith.constant 0 : i32
        %dma_start3A_362 = tpu.memref_slice %arg6[%add3A_338, %add3A_119, %dma_start3A_361] : memref<50x32x4096xf32, #tpu.memory_space<hbm>> -> memref<1x1x4096xf32, #tpu.memory_space<hbm>>
        %dma_start3A_363 = tpu.memref_squeeze %dma_start3A_362 : memref<1x1x4096xf32, #tpu.memory_space<hbm>> -> memref<4096xf32, #tpu.memory_space<hbm>>
        %dma_start3A_364 = arith.constant 0 : i32
        %dma_start3A_365 = tpu.memref_slice %arg6[%add3A_338, %add3A_119, %dma_start3A_364] : memref<50x32x4096xf32, #tpu.memory_space<hbm>> -> memref<1x1x4096xf32, #tpu.memory_space<hbm>>
        %dma_start3A_366 = tpu.memref_squeeze %dma_start3A_365 : memref<1x1x4096xf32, #tpu.memory_space<hbm>> -> memref<4096xf32, #tpu.memory_space<hbm>>
        tpu.enqueue_dma source(%arg14 : memref<4096xf32, #tpu.memory_space<vmem>>) target(%dma_start3A_366 : memref<4096xf32, #tpu.memory_space<hbm>>) target_semaphore(%arg20 : memref<!tpu.dma_semaphore, #tpu.memory_space<semaphore_mem>>)
        %scan3A_367 = arith.constant 0 : i32
        scf.yield %scan3A_367 : i32
      }
      %scan3A_177 = arith.constant 12 : i32
      %dma_wait3A_178 = arith.constant 0 : i32
      %dma_wait3A_179 = arith.constant 0 : i32
      %dma_wait3A_180 = tpu.memref_slice %arg2[%dma_wait3A_178, %dma_wait3A_179] : memref<50x4096xi32, #tpu.memory_space<hbm>> -> memref<1x4096xi32, #tpu.memory_space<hbm>>
      %dma_wait3A_181 = tpu.memref_squeeze %dma_wait3A_180 : memref<1x4096xi32, #tpu.memory_space<hbm>> -> memref<4096xi32, #tpu.memory_space<hbm>>
      %dma_wait3A_182 = arith.constant 0 : i32
      %dma_wait3A_183 = tpu.memref_slice %arg2[%dma_wait3A_178, %dma_wait3A_182] : memref<50x4096xi32, #tpu.memory_space<hbm>> -> memref<1x4096xi32, #tpu.memory_space<hbm>>
      %dma_wait3A_184 = tpu.memref_squeeze %dma_wait3A_183 : memref<1x4096xi32, #tpu.memory_space<hbm>> -> memref<4096xi32, #tpu.memory_space<hbm>>
      tpu.wait_dma2 semaphore(%arg15 : memref<!tpu.dma_semaphore, #tpu.memory_space<semaphore_mem>>) src(%dma_wait3A_184 : memref<4096xi32, #tpu.memory_space<hbm>>) dst(%arg9 : memref<4096xi32, #tpu.memory_space<vmem>>)
      %dma_wait3A_185 = arith.constant 0 : i32
      %dma_wait3A_186 = arith.constant 0 : i32
      %dma_wait3A_187 = tpu.memref_slice %arg6[%dma_wait3A_185, %add3A_119, %dma_wait3A_186] : memref<50x32x4096xf32, #tpu.memory_space<hbm>> -> memref<1x1x4096xf32, #tpu.memory_space<hbm>>
      %dma_wait3A_188 = tpu.memref_squeeze %dma_wait3A_187 : memref<1x1x4096xf32, #tpu.memory_space<hbm>> -> memref<4096xf32, #tpu.memory_space<hbm>>
      %dma_wait3A_189 = arith.constant 0 : i32
      %dma_wait3A_190 = tpu.memref_slice %arg6[%dma_wait3A_185, %add3A_119, %dma_wait3A_189] : memref<50x32x4096xf32, #tpu.memory_space<hbm>> -> memref<1x1x4096xf32, #tpu.memory_space<hbm>>
      %dma_wait3A_191 = tpu.memref_squeeze %dma_wait3A_190 : memref<1x1x4096xf32, #tpu.memory_space<hbm>> -> memref<4096xf32, #tpu.memory_space<hbm>>
      tpu.wait_dma2 semaphore(%arg19 : memref<!tpu.dma_semaphore, #tpu.memory_space<semaphore_mem>>) src(%arg13 : memref<4096xf32, #tpu.memory_space<vmem>>) dst(%dma_wait3A_191 : memref<4096xf32, #tpu.memory_space<hbm>>)
      %parallel_loop3A_192 = arith.constant 0 : i32
      %parallel_loop3A_193 = arith.constant 4096 : i32
      %parallel_loop3A_194 = arith.constant 16 : i32
      scf.for %parallel_loop3A_240 = %parallel_loop3A_192 to %parallel_loop3A_193 step %parallel_loop3A_194  : i32 {
        %parallel_loop3A_241 = arith.index_cast %parallel_loop3A_240 : i32 to index
        %parallel_loop3A_242 = tpu.vector_load %arg9[%parallel_loop3A_241] {strides = array<i32>} : memref<4096xi32, #tpu.memory_space<vmem>>, vector<16xi32>,
        %parallel_loop3A_243 = tpu.vector_load_idx %arg8[%parallel_loop3A_242] : memref<100000xf32, #tpu.memory_space<vmem>>[vector<16xi32>], vector<16xf32>,
        %parallel_loop3A_244 = arith.index_cast %parallel_loop3A_240 : i32 to index
        %parallel_loop3A_245 = tpu.vector_load %arg13[%parallel_loop3A_244] {strides = array<i32>} : memref<4096xf32, #tpu.memory_space<vmem>>, vector<16xf32>,
        tpu.vector_store %arg13[%parallel_loop3A_244], %parallel_loop3A_243 {strides = array<i32>} : memref<4096xf32, #tpu.memory_space<vmem>>, vector<16xf32>,
      } {sc.loop_unroll_factor = 8 : i64, sc.parallel_access}
      %dma_start3A_195 = arith.constant 48 : i32
      %dma_start3A_196 = arith.constant 0 : i32
      %dma_start3A_197 = tpu.memref_slice %arg6[%dma_start3A_195, %add3A_119, %dma_start3A_196] : memref<50x32x4096xf32, #tpu.memory_space<hbm>> -> memref<1x1x4096xf32, #tpu.memory_space<hbm>>
      %dma_start3A_198 = tpu.memref_squeeze %dma_start3A_197 : memref<1x1x4096xf32, #tpu.memory_space<hbm>> -> memref<4096xf32, #tpu.memory_space<hbm>>
      %dma_start3A_199 = arith.constant 0 : i32
      %dma_start3A_200 = tpu.memref_slice %arg6[%dma_start3A_195, %add3A_119, %dma_start3A_199] : memref<50x32x4096xf32, #tpu.memory_space<hbm>> -> memref<1x1x4096xf32, #tpu.memory_space<hbm>>
      %dma_start3A_201 = tpu.memref_squeeze %dma_start3A_200 : memref<1x1x4096xf32, #tpu.memory_space<hbm>> -> memref<4096xf32, #tpu.memory_space<hbm>>
      tpu.enqueue_dma source(%arg13 : memref<4096xf32, #tpu.memory_space<vmem>>) target(%dma_start3A_201 : memref<4096xf32, #tpu.memory_space<hbm>>) target_semaphore(%arg19 : memref<!tpu.dma_semaphore, #tpu.memory_space<semaphore_mem>>)
      %dma_wait3A_202 = arith.constant 0 : i32
      %dma_wait3A_203 = arith.constant 0 : i32
      %dma_wait3A_204 = tpu.memref_slice %arg2[%dma_wait3A_202, %dma_wait3A_203] : memref<50x4096xi32, #tpu.memory_space<hbm>> -> memref<1x4096xi32, #tpu.memory_space<hbm>>
      %dma_wait3A_205 = tpu.memref_squeeze %dma_wait3A_204 : memref<1x4096xi32, #tpu.memory_space<hbm>> -> memref<4096xi32, #tpu.memory_space<hbm>>
      %dma_wait3A_206 = arith.constant 0 : i32
      %dma_wait3A_207 = tpu.memref_slice %arg2[%dma_wait3A_202, %dma_wait3A_206] : memref<50x4096xi32, #tpu.memory_space<hbm>> -> memref<1x4096xi32, #tpu.memory_space<hbm>>
      %dma_wait3A_208 = tpu.memref_squeeze %dma_wait3A_207 : memref<1x4096xi32, #tpu.memory_space<hbm>> -> memref<4096xi32, #tpu.memory_space<hbm>>
      tpu.wait_dma2 semaphore(%arg16 : memref<!tpu.dma_semaphore, #tpu.memory_space<semaphore_mem>>) src(%dma_wait3A_208 : memref<4096xi32, #tpu.memory_space<hbm>>) dst(%arg10 : memref<4096xi32, #tpu.memory_space<vmem>>)
      %dma_wait3A_209 = arith.constant 0 : i32
      %dma_wait3A_210 = arith.constant 0 : i32
      %dma_wait3A_211 = tpu.memref_slice %arg6[%dma_wait3A_209, %add3A_119, %dma_wait3A_210] : memref<50x32x4096xf32, #tpu.memory_space<hbm>> -> memref<1x1x4096xf32, #tpu.memory_space<hbm>>
      %dma_wait3A_212 = tpu.memref_squeeze %dma_wait3A_211 : memref<1x1x4096xf32, #tpu.memory_space<hbm>> -> memref<4096xf32, #tpu.memory_space<hbm>>
      %dma_wait3A_213 = arith.constant 0 : i32
      %dma_wait3A_214 = tpu.memref_slice %arg6[%dma_wait3A_209, %add3A_119, %dma_wait3A_213] : memref<50x32x4096xf32, #tpu.memory_space<hbm>> -> memref<1x1x4096xf32, #tpu.memory_space<hbm>>
      %dma_wait3A_215 = tpu.memref_squeeze %dma_wait3A_214 : memref<1x1x4096xf32, #tpu.memory_space<hbm>> -> memref<4096xf32, #tpu.memory_space<hbm>>
      tpu.wait_dma2 semaphore(%arg20 : memref<!tpu.dma_semaphore, #tpu.memory_space<semaphore_mem>>) src(%arg14 : memref<4096xf32, #tpu.memory_space<vmem>>) dst(%dma_wait3A_215 : memref<4096xf32, #tpu.memory_space<hbm>>)
      %parallel_loop3A_216 = arith.constant 0 : i32
      %parallel_loop3A_217 = arith.constant 4096 : i32
      %parallel_loop3A_218 = arith.constant 16 : i32
      scf.for %parallel_loop3A_240 = %parallel_loop3A_216 to %parallel_loop3A_217 step %parallel_loop3A_218  : i32 {
        %parallel_loop3A_241 = arith.index_cast %parallel_loop3A_240 : i32 to index
        %parallel_loop3A_242 = tpu.vector_load %arg10[%parallel_loop3A_241] {strides = array<i32>} : memref<4096xi32, #tpu.memory_space<vmem>>, vector<16xi32>,
        %parallel_loop3A_243 = tpu.vector_load_idx %arg8[%parallel_loop3A_242] : memref<100000xf32, #tpu.memory_space<vmem>>[vector<16xi32>], vector<16xf32>,
        %parallel_loop3A_244 = arith.index_cast %parallel_loop3A_240 : i32 to index
        %parallel_loop3A_245 = tpu.vector_load %arg14[%parallel_loop3A_244] {strides = array<i32>} : memref<4096xf32, #tpu.memory_space<vmem>>, vector<16xf32>,
        tpu.vector_store %arg14[%parallel_loop3A_244], %parallel_loop3A_243 {strides = array<i32>} : memref<4096xf32, #tpu.memory_space<vmem>>, vector<16xf32>,
      } {sc.loop_unroll_factor = 8 : i64, sc.parallel_access}
      %dma_start3A_219 = arith.constant 49 : i32
      %dma_start3A_220 = arith.constant 0 : i32
      %dma_start3A_221 = tpu.memref_slice %arg6[%dma_start3A_219, %add3A_119, %dma_start3A_220] : memref<50x32x4096xf32, #tpu.memory_space<hbm>> -> memref<1x1x4096xf32, #tpu.memory_space<hbm>>
      %dma_start3A_222 = tpu.memref_squeeze %dma_start3A_221 : memref<1x1x4096xf32, #tpu.memory_space<hbm>> -> memref<4096xf32, #tpu.memory_space<hbm>>
      %dma_start3A_223 = arith.constant 0 : i32
      %dma_start3A_224 = tpu.memref_slice %arg6[%dma_start3A_219, %add3A_119, %dma_start3A_223] : memref<50x32x4096xf32, #tpu.memory_space<hbm>> -> memref<1x1x4096xf32, #tpu.memory_space<hbm>>
      %dma_start3A_225 = tpu.memref_squeeze %dma_start3A_224 : memref<1x1x4096xf32, #tpu.memory_space<hbm>> -> memref<4096xf32, #tpu.memory_space<hbm>>
      tpu.enqueue_dma source(%arg14 : memref<4096xf32, #tpu.memory_space<vmem>>) target(%dma_start3A_225 : memref<4096xf32, #tpu.memory_space<hbm>>) target_semaphore(%arg20 : memref<!tpu.dma_semaphore, #tpu.memory_space<semaphore_mem>>)
      %dma_wait3A_226 = arith.constant 0 : i32
      %dma_wait3A_227 = arith.constant 0 : i32
      %dma_wait3A_228 = tpu.memref_slice %arg6[%dma_wait3A_226, %add3A_119, %dma_wait3A_227] : memref<50x32x4096xf32, #tpu.memory_space<hbm>> -> memref<1x1x4096xf32, #tpu.memory_space<hbm>>
      %dma_wait3A_229 = tpu.memref_squeeze %dma_wait3A_228 : memref<1x1x4096xf32, #tpu.memory_space<hbm>> -> memref<4096xf32, #tpu.memory_space<hbm>>
      %dma_wait3A_230 = arith.constant 0 : i32
      %dma_wait3A_231 = tpu.memref_slice %arg6[%dma_wait3A_226, %add3A_119, %dma_wait3A_230] : memref<50x32x4096xf32, #tpu.memory_space<hbm>> -> memref<1x1x4096xf32, #tpu.memory_space<hbm>>
      %dma_wait3A_232 = tpu.memref_squeeze %dma_wait3A_231 : memref<1x1x4096xf32, #tpu.memory_space<hbm>> -> memref<4096xf32, #tpu.memory_space<hbm>>
      tpu.wait_dma2 semaphore(%arg19 : memref<!tpu.dma_semaphore, #tpu.memory_space<semaphore_mem>>) src(%arg13 : memref<4096xf32, #tpu.memory_space<vmem>>) dst(%dma_wait3A_232 : memref<4096xf32, #tpu.memory_space<hbm>>)
      %dma_wait3A_233 = arith.constant 0 : i32
      %dma_wait3A_234 = arith.constant 0 : i32
      %dma_wait3A_235 = tpu.memref_slice %arg6[%dma_wait3A_233, %add3A_119, %dma_wait3A_234] : memref<50x32x4096xf32, #tpu.memory_space<hbm>> -> memref<1x1x4096xf32, #tpu.memory_space<hbm>>
      %dma_wait3A_236 = tpu.memref_squeeze %dma_wait3A_235 : memref<1x1x4096xf32, #tpu.memory_space<hbm>> -> memref<4096xf32, #tpu.memory_space<hbm>>
      %dma_wait3A_237 = arith.constant 0 : i32
      %dma_wait3A_238 = tpu.memref_slice %arg6[%dma_wait3A_233, %add3A_119, %dma_wait3A_237] : memref<50x32x4096xf32, #tpu.memory_space<hbm>> -> memref<1x1x4096xf32, #tpu.memory_space<hbm>>
      %dma_wait3A_239 = tpu.memref_squeeze %dma_wait3A_238 : memref<1x1x4096xf32, #tpu.memory_space<hbm>> -> memref<4096xf32, #tpu.memory_space<hbm>>
      tpu.wait_dma2 semaphore(%arg20 : memref<!tpu.dma_semaphore, #tpu.memory_space<semaphore_mem>>) src(%arg14 : memref<4096xf32, #tpu.memory_space<vmem>>) dst(%dma_wait3A_239 : memref<4096xf32, #tpu.memory_space<hbm>>)
    } else {
    }
    %eq3A_2 = arith.constant 1 : i32
    %eq3A_3 = arith.cmpi eq, %arg0, %eq3A_2 : i32
    %convert_element_type3A_4 = arith.extui %eq3A_3 : i1 to i32
    %cond3A_5 = arith.constant 0 : i32
    %cond3A_6 = arith.cmpi ne, %convert_element_type3A_4, %cond3A_5 : i32
    scf.if %cond3A_6 {
      %add3A = arith.constant 0 : i32
      %add3A_7 = arith.addi %arg1, %add3A : i32
      %dma_start3A = arith.constant 0 : i32
      %dma_start3A_8 = tpu.memref_slice %arg5[%add3A_7, %dma_start3A] : memref<32x100000xf32, #tpu.memory_space<hbm>> -> memref<1x100000xf32, #tpu.memory_space<hbm>>
      %dma_start3A_9 = tpu.memref_squeeze %dma_start3A_8 : memref<1x100000xf32, #tpu.memory_space<hbm>> -> memref<100000xf32, #tpu.memory_space<hbm>>
      %dma_start3A_10 = arith.constant 0 : i32
      %dma_start3A_11 = tpu.memref_slice %arg5[%add3A_7, %dma_start3A_10] : memref<32x100000xf32, #tpu.memory_space<hbm>> -> memref<1x100000xf32, #tpu.memory_space<hbm>>
      %dma_start3A_12 = tpu.memref_squeeze %dma_start3A_11 : memref<1x100000xf32, #tpu.memory_space<hbm>> -> memref<100000xf32, #tpu.memory_space<hbm>>
      tpu.enqueue_dma source(%dma_start3A_12 : memref<100000xf32, #tpu.memory_space<hbm>>) target(%arg8 : memref<100000xf32, #tpu.memory_space<vmem>>) target_semaphore(%arg21 : memref<!tpu.dma_semaphore, #tpu.memory_space<semaphore_mem>>)
      %dma_start3A_13 = arith.constant 0 : i32
      %dma_start3A_14 = arith.constant 0 : i32
      %dma_start3A_15 = tpu.memref_slice %arg3[%dma_start3A_13, %dma_start3A_14] : memref<50x4096xi32, #tpu.memory_space<hbm>> -> memref<1x4096xi32, #tpu.memory_space<hbm>>
      %dma_start3A_16 = tpu.memref_squeeze %dma_start3A_15 : memref<1x4096xi32, #tpu.memory_space<hbm>> -> memref<4096xi32, #tpu.memory_space<hbm>>
      %dma_start3A_17 = arith.constant 0 : i32
      %dma_start3A_18 = tpu.memref_slice %arg3[%dma_start3A_13, %dma_start3A_17] : memref<50x4096xi32, #tpu.memory_space<hbm>> -> memref<1x4096xi32, #tpu.memory_space<hbm>>
      %dma_start3A_19 = tpu.memref_squeeze %dma_start3A_18 : memref<1x4096xi32, #tpu.memory_space<hbm>> -> memref<4096xi32, #tpu.memory_space<hbm>>
      tpu.enqueue_dma source(%dma_start3A_19 : memref<4096xi32, #tpu.memory_space<hbm>>) target(%arg9 : memref<4096xi32, #tpu.memory_space<vmem>>) target_semaphore(%arg15 : memref<!tpu.dma_semaphore, #tpu.memory_space<semaphore_mem>>)
      %dma_start3A_20 = arith.constant 1 : i32
      %dma_start3A_21 = arith.constant 0 : i32
      %dma_start3A_22 = tpu.memref_slice %arg3[%dma_start3A_20, %dma_start3A_21] : memref<50x4096xi32, #tpu.memory_space<hbm>> -> memref<1x4096xi32, #tpu.memory_space<hbm>>
      %dma_start3A_23 = tpu.memref_squeeze %dma_start3A_22 : memref<1x4096xi32, #tpu.memory_space<hbm>> -> memref<4096xi32, #tpu.memory_space<hbm>>
      %dma_start3A_24 = arith.constant 0 : i32
      %dma_start3A_25 = tpu.memref_slice %arg3[%dma_start3A_20, %dma_start3A_24] : memref<50x4096xi32, #tpu.memory_space<hbm>> -> memref<1x4096xi32, #tpu.memory_space<hbm>>
      %dma_start3A_26 = tpu.memref_squeeze %dma_start3A_25 : memref<1x4096xi32, #tpu.memory_space<hbm>> -> memref<4096xi32, #tpu.memory_space<hbm>>
      tpu.enqueue_dma source(%dma_start3A_26 : memref<4096xi32, #tpu.memory_space<hbm>>) target(%arg10 : memref<4096xi32, #tpu.memory_space<vmem>>) target_semaphore(%arg16 : memref<!tpu.dma_semaphore, #tpu.memory_space<semaphore_mem>>)
      %dma_start3A_27 = arith.constant 2 : i32
      %dma_start3A_28 = arith.constant 0 : i32
      %dma_start3A_29 = tpu.memref_slice %arg3[%dma_start3A_27, %dma_start3A_28] : memref<50x4096xi32, #tpu.memory_space<hbm>> -> memref<1x4096xi32, #tpu.memory_space<hbm>>
      %dma_start3A_30 = tpu.memref_squeeze %dma_start3A_29 : memref<1x4096xi32, #tpu.memory_space<hbm>> -> memref<4096xi32, #tpu.memory_space<hbm>>
      %dma_start3A_31 = arith.constant 0 : i32
      %dma_start3A_32 = tpu.memref_slice %arg3[%dma_start3A_27, %dma_start3A_31] : memref<50x4096xi32, #tpu.memory_space<hbm>> -> memref<1x4096xi32, #tpu.memory_space<hbm>>
      %dma_start3A_33 = tpu.memref_squeeze %dma_start3A_32 : memref<1x4096xi32, #tpu.memory_space<hbm>> -> memref<4096xi32, #tpu.memory_space<hbm>>
      tpu.enqueue_dma source(%dma_start3A_33 : memref<4096xi32, #tpu.memory_space<hbm>>) target(%arg11 : memref<4096xi32, #tpu.memory_space<vmem>>) target_semaphore(%arg17 : memref<!tpu.dma_semaphore, #tpu.memory_space<semaphore_mem>>)
      %dma_start3A_34 = arith.constant 3 : i32
      %dma_start3A_35 = arith.constant 0 : i32
      %dma_start3A_36 = tpu.memref_slice %arg3[%dma_start3A_34, %dma_start3A_35] : memref<50x4096xi32, #tpu.memory_space<hbm>> -> memref<1x4096xi32, #tpu.memory_space<hbm>>
      %dma_start3A_37 = tpu.memref_squeeze %dma_start3A_36 : memref<1x4096xi32, #tpu.memory_space<hbm>> -> memref<4096xi32, #tpu.memory_space<hbm>>
      %dma_start3A_38 = arith.constant 0 : i32
      %dma_start3A_39 = tpu.memref_slice %arg3[%dma_start3A_34, %dma_start3A_38] : memref<50x4096xi32, #tpu.memory_space<hbm>> -> memref<1x4096xi32, #tpu.memory_space<hbm>>
      %dma_start3A_40 = tpu.memref_squeeze %dma_start3A_39 : memref<1x4096xi32, #tpu.memory_space<hbm>> -> memref<4096xi32, #tpu.memory_space<hbm>>
      tpu.enqueue_dma source(%dma_start3A_40 : memref<4096xi32, #tpu.memory_space<hbm>>) target(%arg12 : memref<4096xi32, #tpu.memory_space<vmem>>) target_semaphore(%arg18 : memref<!tpu.dma_semaphore, #tpu.memory_space<semaphore_mem>>)
      %dma_wait3A = arith.constant 0 : i32
      %dma_wait3A_41 = tpu.memref_slice %arg5[%add3A_7, %dma_wait3A] : memref<32x100000xf32, #tpu.memory_space<hbm>> -> memref<1x100000xf32, #tpu.memory_space<hbm>>
      %dma_wait3A_42 = tpu.memref_squeeze %dma_wait3A_41 : memref<1x100000xf32, #tpu.memory_space<hbm>> -> memref<100000xf32, #tpu.memory_space<hbm>>
      %dma_wait3A_43 = arith.constant 0 : i32
      %dma_wait3A_44 = tpu.memref_slice %arg5[%add3A_7, %dma_wait3A_43] : memref<32x100000xf32, #tpu.memory_space<hbm>> -> memref<1x100000xf32, #tpu.memory_space<hbm>>
      %dma_wait3A_45 = tpu.memref_squeeze %dma_wait3A_44 : memref<1x100000xf32, #tpu.memory_space<hbm>> -> memref<100000xf32, #tpu.memory_space<hbm>>
      tpu.wait_dma2 semaphore(%arg21 : memref<!tpu.dma_semaphore, #tpu.memory_space<semaphore_mem>>) src(%dma_wait3A_45 : memref<100000xf32, #tpu.memory_space<hbm>>) dst(%arg8 : memref<100000xf32, #tpu.memory_space<vmem>>)
      %get3A = arith.constant 0 : index
      %get3A_46 = tpu.vector_load %arg8[%get3A] {strides = array<i32>} : memref<100000xf32, #tpu.memory_space<vmem>>, vector<16xf32>,
      %iota3A = tpu.iota {dimensions = array<i32: 0>} : vector<16xi32>
      %eq3A_47 = arith.constant 0 : i32
      %eq3A_48 = vector.broadcast %eq3A_47 : i32 to vector<16xi32>
      %eq3A_49 = arith.cmpi eq, %iota3A, %eq3A_48 : vector<16xi32>
      %jit3A = arith.constant 0.000000e+00 : f32
      %broadcast_in_dim3A = vector.broadcast %jit3A : f32 to vector<16xf32>
      %select_n3A = arith.select %eq3A_49, %broadcast_in_dim3A, %get3A_46 : vector<16xi1>, vector<16xf32>
      %swap3A = arith.constant 0 : index
      %swap3A_50 = tpu.vector_load %arg8[%swap3A] {strides = array<i32>} : memref<100000xf32, #tpu.memory_space<vmem>>, vector<16xf32>,
      tpu.vector_store %arg8[%swap3A], %select_n3A {strides = array<i32>} : memref<100000xf32, #tpu.memory_space<vmem>>, vector<16xf32>,
      %scan3A = arith.constant 0 : i32
      %scan3A_51 = arith.constant 0 : i32
      %scan3A_52 = arith.constant 12 : i32
      %scan3A_53 = arith.addi %scan3A_51, %scan3A_52 : i32
      %scan3A_54 = arith.constant 1 : i32
      %scan3A_55 = scf.for %scan3A_240 = %scan3A_51 to %scan3A_53 step %scan3A_54 iter_args(%scan3A_241 = %scan3A) -> (i32)  : i32 {
        %mul3A = arith.constant 4 : i32
        %mul3A_242 = arith.muli %mul3A, %scan3A_240 : i32
        %add3A_243 = arith.constant 0 : i32
        %add3A_244 = arith.addi %mul3A_242, %add3A_243 : i32
        %dma_wait3A_245 = arith.constant 0 : i32
        %dma_wait3A_246 = arith.constant 0 : i32
        %dma_wait3A_247 = tpu.memref_slice %arg3[%dma_wait3A_245, %dma_wait3A_246] : memref<50x4096xi32, #tpu.memory_space<hbm>> -> memref<1x4096xi32, #tpu.memory_space<hbm>>
        %dma_wait3A_248 = tpu.memref_squeeze %dma_wait3A_247 : memref<1x4096xi32, #tpu.memory_space<hbm>> -> memref<4096xi32, #tpu.memory_space<hbm>>
        %dma_wait3A_249 = arith.constant 0 : i32
        %dma_wait3A_250 = tpu.memref_slice %arg3[%dma_wait3A_245, %dma_wait3A_249] : memref<50x4096xi32, #tpu.memory_space<hbm>> -> memref<1x4096xi32, #tpu.memory_space<hbm>>
        %dma_wait3A_251 = tpu.memref_squeeze %dma_wait3A_250 : memref<1x4096xi32, #tpu.memory_space<hbm>> -> memref<4096xi32, #tpu.memory_space<hbm>>
        tpu.wait_dma2 semaphore(%arg15 : memref<!tpu.dma_semaphore, #tpu.memory_space<semaphore_mem>>) src(%dma_wait3A_251 : memref<4096xi32, #tpu.memory_space<hbm>>) dst(%arg9 : memref<4096xi32, #tpu.memory_space<vmem>>)
        %ge3A = arith.constant 2 : i32
        %ge3A_252 = arith.cmpi sge, %add3A_244, %ge3A : i32
        %convert_element_type3A_253 = arith.extui %ge3A_252 : i1 to i32
        %cond3A_254 = arith.constant 0 : i32
        %cond3A_255 = arith.cmpi ne, %convert_element_type3A_253, %cond3A_254 : i32
        scf.if %cond3A_255 {
          %dma_wait3A_368 = arith.constant 0 : i32
          %dma_wait3A_369 = arith.constant 0 : i32
          %dma_wait3A_370 = tpu.memref_slice %arg7[%dma_wait3A_368, %add3A_7, %dma_wait3A_369] : memref<50x32x4096xf32, #tpu.memory_space<hbm>> -> memref<1x1x4096xf32, #tpu.memory_space<hbm>>
          %dma_wait3A_371 = tpu.memref_squeeze %dma_wait3A_370 : memref<1x1x4096xf32, #tpu.memory_space<hbm>> -> memref<4096xf32, #tpu.memory_space<hbm>>
          %dma_wait3A_372 = arith.constant 0 : i32
          %dma_wait3A_373 = tpu.memref_slice %arg7[%dma_wait3A_368, %add3A_7, %dma_wait3A_372] : memref<50x32x4096xf32, #tpu.memory_space<hbm>> -> memref<1x1x4096xf32, #tpu.memory_space<hbm>>
          %dma_wait3A_374 = tpu.memref_squeeze %dma_wait3A_373 : memref<1x1x4096xf32, #tpu.memory_space<hbm>> -> memref<4096xf32, #tpu.memory_space<hbm>>
          tpu.wait_dma2 semaphore(%arg19 : memref<!tpu.dma_semaphore, #tpu.memory_space<semaphore_mem>>) src(%arg13 : memref<4096xf32, #tpu.memory_space<vmem>>) dst(%dma_wait3A_374 : memref<4096xf32, #tpu.memory_space<hbm>>)
        } else {
        }
        %parallel_loop3A_256 = arith.constant 0 : i32
        %parallel_loop3A_257 = arith.constant 4096 : i32
        %parallel_loop3A_258 = arith.constant 16 : i32
        scf.for %parallel_loop3A_368 = %parallel_loop3A_256 to %parallel_loop3A_257 step %parallel_loop3A_258  : i32 {
          %parallel_loop3A_369 = arith.index_cast %parallel_loop3A_368 : i32 to index
          %parallel_loop3A_370 = tpu.vector_load %arg9[%parallel_loop3A_369] {strides = array<i32>} : memref<4096xi32, #tpu.memory_space<vmem>>, vector<16xi32>,
          %parallel_loop3A_371 = tpu.vector_load_idx %arg8[%parallel_loop3A_370] : memref<100000xf32, #tpu.memory_space<vmem>>[vector<16xi32>], vector<16xf32>,
          %parallel_loop3A_372 = arith.index_cast %parallel_loop3A_368 : i32 to index
          %parallel_loop3A_373 = tpu.vector_load %arg13[%parallel_loop3A_372] {strides = array<i32>} : memref<4096xf32, #tpu.memory_space<vmem>>, vector<16xf32>,
          tpu.vector_store %arg13[%parallel_loop3A_372], %parallel_loop3A_371 {strides = array<i32>} : memref<4096xf32, #tpu.memory_space<vmem>>, vector<16xf32>,
        } {sc.loop_unroll_factor = 8 : i64, sc.parallel_access}
        %add3A_259 = arith.constant 4 : i32
        %add3A_260 = arith.addi %add3A_244, %add3A_259 : i32
        %lt3A = arith.constant 50 : i32
        %lt3A_261 = arith.cmpi slt, %add3A_260, %lt3A : i32
        %convert_element_type3A_262 = arith.extui %lt3A_261 : i1 to i32
        %cond3A_263 = arith.constant 0 : i32
        %cond3A_264 = arith.cmpi ne, %convert_element_type3A_262, %cond3A_263 : i32
        scf.if %cond3A_264 {
          %add3A_368 = arith.constant 4 : i32
          %add3A_369 = arith.addi %add3A_244, %add3A_368 : i32
          %dma_start3A_370 = arith.constant 0 : i32
          %dma_start3A_371 = tpu.memref_slice %arg3[%add3A_369, %dma_start3A_370] : memref<50x4096xi32, #tpu.memory_space<hbm>> -> memref<1x4096xi32, #tpu.memory_space<hbm>>
          %dma_start3A_372 = tpu.memref_squeeze %dma_start3A_371 : memref<1x4096xi32, #tpu.memory_space<hbm>> -> memref<4096xi32, #tpu.memory_space<hbm>>
          %dma_start3A_373 = arith.constant 0 : i32
          %dma_start3A_374 = tpu.memref_slice %arg3[%add3A_369, %dma_start3A_373] : memref<50x4096xi32, #tpu.memory_space<hbm>> -> memref<1x4096xi32, #tpu.memory_space<hbm>>
          %dma_start3A_375 = tpu.memref_squeeze %dma_start3A_374 : memref<1x4096xi32, #tpu.memory_space<hbm>> -> memref<4096xi32, #tpu.memory_space<hbm>>
          tpu.enqueue_dma source(%dma_start3A_375 : memref<4096xi32, #tpu.memory_space<hbm>>) target(%arg9 : memref<4096xi32, #tpu.memory_space<vmem>>) target_semaphore(%arg15 : memref<!tpu.dma_semaphore, #tpu.memory_space<semaphore_mem>>)
        } else {
        }
        %dma_start3A_265 = arith.constant 0 : i32
        %dma_start3A_266 = tpu.memref_slice %arg7[%add3A_244, %add3A_7, %dma_start3A_265] : memref<50x32x4096xf32, #tpu.memory_space<hbm>> -> memref<1x1x4096xf32, #tpu.memory_space<hbm>>
        %dma_start3A_267 = tpu.memref_squeeze %dma_start3A_266 : memref<1x1x4096xf32, #tpu.memory_space<hbm>> -> memref<4096xf32, #tpu.memory_space<hbm>>
        %dma_start3A_268 = arith.constant 0 : i32
        %dma_start3A_269 = tpu.memref_slice %arg7[%add3A_244, %add3A_7, %dma_start3A_268] : memref<50x32x4096xf32, #tpu.memory_space<hbm>> -> memref<1x1x4096xf32, #tpu.memory_space<hbm>>
        %dma_start3A_270 = tpu.memref_squeeze %dma_start3A_269 : memref<1x1x4096xf32, #tpu.memory_space<hbm>> -> memref<4096xf32, #tpu.memory_space<hbm>>
        tpu.enqueue_dma source(%arg13 : memref<4096xf32, #tpu.memory_space<vmem>>) target(%dma_start3A_270 : memref<4096xf32, #tpu.memory_space<hbm>>) target_semaphore(%arg19 : memref<!tpu.dma_semaphore, #tpu.memory_space<semaphore_mem>>)
        %mul3A_271 = arith.constant 4 : i32
        %mul3A_272 = arith.muli %mul3A_271, %scan3A_240 : i32
        %add3A_273 = arith.constant 1 : i32
        %add3A_274 = arith.addi %mul3A_272, %add3A_273 : i32
        %dma_wait3A_275 = arith.constant 0 : i32
        %dma_wait3A_276 = arith.constant 0 : i32
        %dma_wait3A_277 = tpu.memref_slice %arg3[%dma_wait3A_275, %dma_wait3A_276] : memref<50x4096xi32, #tpu.memory_space<hbm>> -> memref<1x4096xi32, #tpu.memory_space<hbm>>
        %dma_wait3A_278 = tpu.memref_squeeze %dma_wait3A_277 : memref<1x4096xi32, #tpu.memory_space<hbm>> -> memref<4096xi32, #tpu.memory_space<hbm>>
        %dma_wait3A_279 = arith.constant 0 : i32
        %dma_wait3A_280 = tpu.memref_slice %arg3[%dma_wait3A_275, %dma_wait3A_279] : memref<50x4096xi32, #tpu.memory_space<hbm>> -> memref<1x4096xi32, #tpu.memory_space<hbm>>
        %dma_wait3A_281 = tpu.memref_squeeze %dma_wait3A_280 : memref<1x4096xi32, #tpu.memory_space<hbm>> -> memref<4096xi32, #tpu.memory_space<hbm>>
        tpu.wait_dma2 semaphore(%arg16 : memref<!tpu.dma_semaphore, #tpu.memory_space<semaphore_mem>>) src(%dma_wait3A_281 : memref<4096xi32, #tpu.memory_space<hbm>>) dst(%arg10 : memref<4096xi32, #tpu.memory_space<vmem>>)
        %ge3A_282 = arith.constant 2 : i32
        %ge3A_283 = arith.cmpi sge, %add3A_274, %ge3A_282 : i32
        %convert_element_type3A_284 = arith.extui %ge3A_283 : i1 to i32
        %cond3A_285 = arith.constant 0 : i32
        %cond3A_286 = arith.cmpi ne, %convert_element_type3A_284, %cond3A_285 : i32
        scf.if %cond3A_286 {
          %dma_wait3A_368 = arith.constant 0 : i32
          %dma_wait3A_369 = arith.constant 0 : i32
          %dma_wait3A_370 = tpu.memref_slice %arg7[%dma_wait3A_368, %add3A_7, %dma_wait3A_369] : memref<50x32x4096xf32, #tpu.memory_space<hbm>> -> memref<1x1x4096xf32, #tpu.memory_space<hbm>>
          %dma_wait3A_371 = tpu.memref_squeeze %dma_wait3A_370 : memref<1x1x4096xf32, #tpu.memory_space<hbm>> -> memref<4096xf32, #tpu.memory_space<hbm>>
          %dma_wait3A_372 = arith.constant 0 : i32
          %dma_wait3A_373 = tpu.memref_slice %arg7[%dma_wait3A_368, %add3A_7, %dma_wait3A_372] : memref<50x32x4096xf32, #tpu.memory_space<hbm>> -> memref<1x1x4096xf32, #tpu.memory_space<hbm>>
          %dma_wait3A_374 = tpu.memref_squeeze %dma_wait3A_373 : memref<1x1x4096xf32, #tpu.memory_space<hbm>> -> memref<4096xf32, #tpu.memory_space<hbm>>
          tpu.wait_dma2 semaphore(%arg20 : memref<!tpu.dma_semaphore, #tpu.memory_space<semaphore_mem>>) src(%arg14 : memref<4096xf32, #tpu.memory_space<vmem>>) dst(%dma_wait3A_374 : memref<4096xf32, #tpu.memory_space<hbm>>)
        } else {
        }
        %parallel_loop3A_287 = arith.constant 0 : i32
        %parallel_loop3A_288 = arith.constant 4096 : i32
        %parallel_loop3A_289 = arith.constant 16 : i32
        scf.for %parallel_loop3A_368 = %parallel_loop3A_287 to %parallel_loop3A_288 step %parallel_loop3A_289  : i32 {
          %parallel_loop3A_369 = arith.index_cast %parallel_loop3A_368 : i32 to index
          %parallel_loop3A_370 = tpu.vector_load %arg10[%parallel_loop3A_369] {strides = array<i32>} : memref<4096xi32, #tpu.memory_space<vmem>>, vector<16xi32>,
          %parallel_loop3A_371 = tpu.vector_load_idx %arg8[%parallel_loop3A_370] : memref<100000xf32, #tpu.memory_space<vmem>>[vector<16xi32>], vector<16xf32>,
          %parallel_loop3A_372 = arith.index_cast %parallel_loop3A_368 : i32 to index
          %parallel_loop3A_373 = tpu.vector_load %arg14[%parallel_loop3A_372] {strides = array<i32>} : memref<4096xf32, #tpu.memory_space<vmem>>, vector<16xf32>,
          tpu.vector_store %arg14[%parallel_loop3A_372], %parallel_loop3A_371 {strides = array<i32>} : memref<4096xf32, #tpu.memory_space<vmem>>, vector<16xf32>,
        } {sc.loop_unroll_factor = 8 : i64, sc.parallel_access}
        %add3A_290 = arith.constant 4 : i32
        %add3A_291 = arith.addi %add3A_274, %add3A_290 : i32
        %lt3A_292 = arith.constant 50 : i32
        %lt3A_293 = arith.cmpi slt, %add3A_291, %lt3A_292 : i32
        %convert_element_type3A_294 = arith.extui %lt3A_293 : i1 to i32
        %cond3A_295 = arith.constant 0 : i32
        %cond3A_296 = arith.cmpi ne, %convert_element_type3A_294, %cond3A_295 : i32
        scf.if %cond3A_296 {
          %add3A_368 = arith.constant 4 : i32
          %add3A_369 = arith.addi %add3A_274, %add3A_368 : i32
          %dma_start3A_370 = arith.constant 0 : i32
          %dma_start3A_371 = tpu.memref_slice %arg3[%add3A_369, %dma_start3A_370] : memref<50x4096xi32, #tpu.memory_space<hbm>> -> memref<1x4096xi32, #tpu.memory_space<hbm>>
          %dma_start3A_372 = tpu.memref_squeeze %dma_start3A_371 : memref<1x4096xi32, #tpu.memory_space<hbm>> -> memref<4096xi32, #tpu.memory_space<hbm>>
          %dma_start3A_373 = arith.constant 0 : i32
          %dma_start3A_374 = tpu.memref_slice %arg3[%add3A_369, %dma_start3A_373] : memref<50x4096xi32, #tpu.memory_space<hbm>> -> memref<1x4096xi32, #tpu.memory_space<hbm>>
          %dma_start3A_375 = tpu.memref_squeeze %dma_start3A_374 : memref<1x4096xi32, #tpu.memory_space<hbm>> -> memref<4096xi32, #tpu.memory_space<hbm>>
          tpu.enqueue_dma source(%dma_start3A_375 : memref<4096xi32, #tpu.memory_space<hbm>>) target(%arg10 : memref<4096xi32, #tpu.memory_space<vmem>>) target_semaphore(%arg16 : memref<!tpu.dma_semaphore, #tpu.memory_space<semaphore_mem>>)
        } else {
        }
        %dma_start3A_297 = arith.constant 0 : i32
        %dma_start3A_298 = tpu.memref_slice %arg7[%add3A_274, %add3A_7, %dma_start3A_297] : memref<50x32x4096xf32, #tpu.memory_space<hbm>> -> memref<1x1x4096xf32, #tpu.memory_space<hbm>>
        %dma_start3A_299 = tpu.memref_squeeze %dma_start3A_298 : memref<1x1x4096xf32, #tpu.memory_space<hbm>> -> memref<4096xf32, #tpu.memory_space<hbm>>
        %dma_start3A_300 = arith.constant 0 : i32
        %dma_start3A_301 = tpu.memref_slice %arg7[%add3A_274, %add3A_7, %dma_start3A_300] : memref<50x32x4096xf32, #tpu.memory_space<hbm>> -> memref<1x1x4096xf32, #tpu.memory_space<hbm>>
        %dma_start3A_302 = tpu.memref_squeeze %dma_start3A_301 : memref<1x1x4096xf32, #tpu.memory_space<hbm>> -> memref<4096xf32, #tpu.memory_space<hbm>>
        tpu.enqueue_dma source(%arg14 : memref<4096xf32, #tpu.memory_space<vmem>>) target(%dma_start3A_302 : memref<4096xf32, #tpu.memory_space<hbm>>) target_semaphore(%arg20 : memref<!tpu.dma_semaphore, #tpu.memory_space<semaphore_mem>>)
        %mul3A_303 = arith.constant 4 : i32
        %mul3A_304 = arith.muli %mul3A_303, %scan3A_240 : i32
        %add3A_305 = arith.constant 2 : i32
        %add3A_306 = arith.addi %mul3A_304, %add3A_305 : i32
        %dma_wait3A_307 = arith.constant 0 : i32
        %dma_wait3A_308 = arith.constant 0 : i32
        %dma_wait3A_309 = tpu.memref_slice %arg3[%dma_wait3A_307, %dma_wait3A_308] : memref<50x4096xi32, #tpu.memory_space<hbm>> -> memref<1x4096xi32, #tpu.memory_space<hbm>>
        %dma_wait3A_310 = tpu.memref_squeeze %dma_wait3A_309 : memref<1x4096xi32, #tpu.memory_space<hbm>> -> memref<4096xi32, #tpu.memory_space<hbm>>
        %dma_wait3A_311 = arith.constant 0 : i32
        %dma_wait3A_312 = tpu.memref_slice %arg3[%dma_wait3A_307, %dma_wait3A_311] : memref<50x4096xi32, #tpu.memory_space<hbm>> -> memref<1x4096xi32, #tpu.memory_space<hbm>>
        %dma_wait3A_313 = tpu.memref_squeeze %dma_wait3A_312 : memref<1x4096xi32, #tpu.memory_space<hbm>> -> memref<4096xi32, #tpu.memory_space<hbm>>
        tpu.wait_dma2 semaphore(%arg17 : memref<!tpu.dma_semaphore, #tpu.memory_space<semaphore_mem>>) src(%dma_wait3A_313 : memref<4096xi32, #tpu.memory_space<hbm>>) dst(%arg11 : memref<4096xi32, #tpu.memory_space<vmem>>)
        %ge3A_314 = arith.constant 2 : i32
        %ge3A_315 = arith.cmpi sge, %add3A_306, %ge3A_314 : i32
        %convert_element_type3A_316 = arith.extui %ge3A_315 : i1 to i32
        %cond3A_317 = arith.constant 0 : i32
        %cond3A_318 = arith.cmpi ne, %convert_element_type3A_316, %cond3A_317 : i32
        scf.if %cond3A_318 {
          %dma_wait3A_368 = arith.constant 0 : i32
          %dma_wait3A_369 = arith.constant 0 : i32
          %dma_wait3A_370 = tpu.memref_slice %arg7[%dma_wait3A_368, %add3A_7, %dma_wait3A_369] : memref<50x32x4096xf32, #tpu.memory_space<hbm>> -> memref<1x1x4096xf32, #tpu.memory_space<hbm>>
          %dma_wait3A_371 = tpu.memref_squeeze %dma_wait3A_370 : memref<1x1x4096xf32, #tpu.memory_space<hbm>> -> memref<4096xf32, #tpu.memory_space<hbm>>
          %dma_wait3A_372 = arith.constant 0 : i32
          %dma_wait3A_373 = tpu.memref_slice %arg7[%dma_wait3A_368, %add3A_7, %dma_wait3A_372] : memref<50x32x4096xf32, #tpu.memory_space<hbm>> -> memref<1x1x4096xf32, #tpu.memory_space<hbm>>
          %dma_wait3A_374 = tpu.memref_squeeze %dma_wait3A_373 : memref<1x1x4096xf32, #tpu.memory_space<hbm>> -> memref<4096xf32, #tpu.memory_space<hbm>>
          tpu.wait_dma2 semaphore(%arg19 : memref<!tpu.dma_semaphore, #tpu.memory_space<semaphore_mem>>) src(%arg13 : memref<4096xf32, #tpu.memory_space<vmem>>) dst(%dma_wait3A_374 : memref<4096xf32, #tpu.memory_space<hbm>>)
        } else {
        }
        %parallel_loop3A_319 = arith.constant 0 : i32
        %parallel_loop3A_320 = arith.constant 4096 : i32
        %parallel_loop3A_321 = arith.constant 16 : i32
        scf.for %parallel_loop3A_368 = %parallel_loop3A_319 to %parallel_loop3A_320 step %parallel_loop3A_321  : i32 {
          %parallel_loop3A_369 = arith.index_cast %parallel_loop3A_368 : i32 to index
          %parallel_loop3A_370 = tpu.vector_load %arg11[%parallel_loop3A_369] {strides = array<i32>} : memref<4096xi32, #tpu.memory_space<vmem>>, vector<16xi32>,
          %parallel_loop3A_371 = tpu.vector_load_idx %arg8[%parallel_loop3A_370] : memref<100000xf32, #tpu.memory_space<vmem>>[vector<16xi32>], vector<16xf32>,
          %parallel_loop3A_372 = arith.index_cast %parallel_loop3A_368 : i32 to index
          %parallel_loop3A_373 = tpu.vector_load %arg13[%parallel_loop3A_372] {strides = array<i32>} : memref<4096xf32, #tpu.memory_space<vmem>>, vector<16xf32>,
          tpu.vector_store %arg13[%parallel_loop3A_372], %parallel_loop3A_371 {strides = array<i32>} : memref<4096xf32, #tpu.memory_space<vmem>>, vector<16xf32>,
        } {sc.loop_unroll_factor = 8 : i64, sc.parallel_access}
        %add3A_322 = arith.constant 4 : i32
        %add3A_323 = arith.addi %add3A_306, %add3A_322 : i32
        %lt3A_324 = arith.constant 50 : i32
        %lt3A_325 = arith.cmpi slt, %add3A_323, %lt3A_324 : i32
        %convert_element_type3A_326 = arith.extui %lt3A_325 : i1 to i32
        %cond3A_327 = arith.constant 0 : i32
        %cond3A_328 = arith.cmpi ne, %convert_element_type3A_326, %cond3A_327 : i32
        scf.if %cond3A_328 {
          %add3A_368 = arith.constant 4 : i32
          %add3A_369 = arith.addi %add3A_306, %add3A_368 : i32
          %dma_start3A_370 = arith.constant 0 : i32
          %dma_start3A_371 = tpu.memref_slice %arg3[%add3A_369, %dma_start3A_370] : memref<50x4096xi32, #tpu.memory_space<hbm>> -> memref<1x4096xi32, #tpu.memory_space<hbm>>
          %dma_start3A_372 = tpu.memref_squeeze %dma_start3A_371 : memref<1x4096xi32, #tpu.memory_space<hbm>> -> memref<4096xi32, #tpu.memory_space<hbm>>
          %dma_start3A_373 = arith.constant 0 : i32
          %dma_start3A_374 = tpu.memref_slice %arg3[%add3A_369, %dma_start3A_373] : memref<50x4096xi32, #tpu.memory_space<hbm>> -> memref<1x4096xi32, #tpu.memory_space<hbm>>
          %dma_start3A_375 = tpu.memref_squeeze %dma_start3A_374 : memref<1x4096xi32, #tpu.memory_space<hbm>> -> memref<4096xi32, #tpu.memory_space<hbm>>
          tpu.enqueue_dma source(%dma_start3A_375 : memref<4096xi32, #tpu.memory_space<hbm>>) target(%arg11 : memref<4096xi32, #tpu.memory_space<vmem>>) target_semaphore(%arg17 : memref<!tpu.dma_semaphore, #tpu.memory_space<semaphore_mem>>)
        } else {
        }
        %dma_start3A_329 = arith.constant 0 : i32
        %dma_start3A_330 = tpu.memref_slice %arg7[%add3A_306, %add3A_7, %dma_start3A_329] : memref<50x32x4096xf32, #tpu.memory_space<hbm>> -> memref<1x1x4096xf32, #tpu.memory_space<hbm>>
        %dma_start3A_331 = tpu.memref_squeeze %dma_start3A_330 : memref<1x1x4096xf32, #tpu.memory_space<hbm>> -> memref<4096xf32, #tpu.memory_space<hbm>>
        %dma_start3A_332 = arith.constant 0 : i32
        %dma_start3A_333 = tpu.memref_slice %arg7[%add3A_306, %add3A_7, %dma_start3A_332] : memref<50x32x4096xf32, #tpu.memory_space<hbm>> -> memref<1x1x4096xf32, #tpu.memory_space<hbm>>
        %dma_start3A_334 = tpu.memref_squeeze %dma_start3A_333 : memref<1x1x4096xf32, #tpu.memory_space<hbm>> -> memref<4096xf32, #tpu.memory_space<hbm>>
        tpu.enqueue_dma source(%arg13 : memref<4096xf32, #tpu.memory_space<vmem>>) target(%dma_start3A_334 : memref<4096xf32, #tpu.memory_space<hbm>>) target_semaphore(%arg19 : memref<!tpu.dma_semaphore, #tpu.memory_space<semaphore_mem>>)
        %mul3A_335 = arith.constant 4 : i32
        %mul3A_336 = arith.muli %mul3A_335, %scan3A_240 : i32
        %add3A_337 = arith.constant 3 : i32
        %add3A_338 = arith.addi %mul3A_336, %add3A_337 : i32
        %dma_wait3A_339 = arith.constant 0 : i32
        %dma_wait3A_340 = arith.constant 0 : i32
        %dma_wait3A_341 = tpu.memref_slice %arg3[%dma_wait3A_339, %dma_wait3A_340] : memref<50x4096xi32, #tpu.memory_space<hbm>> -> memref<1x4096xi32, #tpu.memory_space<hbm>>
        %dma_wait3A_342 = tpu.memref_squeeze %dma_wait3A_341 : memref<1x4096xi32, #tpu.memory_space<hbm>> -> memref<4096xi32, #tpu.memory_space<hbm>>
        %dma_wait3A_343 = arith.constant 0 : i32
        %dma_wait3A_344 = tpu.memref_slice %arg3[%dma_wait3A_339, %dma_wait3A_343] : memref<50x4096xi32, #tpu.memory_space<hbm>> -> memref<1x4096xi32, #tpu.memory_space<hbm>>
        %dma_wait3A_345 = tpu.memref_squeeze %dma_wait3A_344 : memref<1x4096xi32, #tpu.memory_space<hbm>> -> memref<4096xi32, #tpu.memory_space<hbm>>
        tpu.wait_dma2 semaphore(%arg18 : memref<!tpu.dma_semaphore, #tpu.memory_space<semaphore_mem>>) src(%dma_wait3A_345 : memref<4096xi32, #tpu.memory_space<hbm>>) dst(%arg12 : memref<4096xi32, #tpu.memory_space<vmem>>)
        %ge3A_346 = arith.constant 2 : i32
        %ge3A_347 = arith.cmpi sge, %add3A_338, %ge3A_346 : i32
        %convert_element_type3A_348 = arith.extui %ge3A_347 : i1 to i32
        %cond3A_349 = arith.constant 0 : i32
        %cond3A_350 = arith.cmpi ne, %convert_element_type3A_348, %cond3A_349 : i32
        scf.if %cond3A_350 {
          %dma_wait3A_368 = arith.constant 0 : i32
          %dma_wait3A_369 = arith.constant 0 : i32
          %dma_wait3A_370 = tpu.memref_slice %arg7[%dma_wait3A_368, %add3A_7, %dma_wait3A_369] : memref<50x32x4096xf32, #tpu.memory_space<hbm>> -> memref<1x1x4096xf32, #tpu.memory_space<hbm>>
          %dma_wait3A_371 = tpu.memref_squeeze %dma_wait3A_370 : memref<1x1x4096xf32, #tpu.memory_space<hbm>> -> memref<4096xf32, #tpu.memory_space<hbm>>
          %dma_wait3A_372 = arith.constant 0 : i32
          %dma_wait3A_373 = tpu.memref_slice %arg7[%dma_wait3A_368, %add3A_7, %dma_wait3A_372] : memref<50x32x4096xf32, #tpu.memory_space<hbm>> -> memref<1x1x4096xf32, #tpu.memory_space<hbm>>
          %dma_wait3A_374 = tpu.memref_squeeze %dma_wait3A_373 : memref<1x1x4096xf32, #tpu.memory_space<hbm>> -> memref<4096xf32, #tpu.memory_space<hbm>>
          tpu.wait_dma2 semaphore(%arg20 : memref<!tpu.dma_semaphore, #tpu.memory_space<semaphore_mem>>) src(%arg14 : memref<4096xf32, #tpu.memory_space<vmem>>) dst(%dma_wait3A_374 : memref<4096xf32, #tpu.memory_space<hbm>>)
        } else {
        }
        %parallel_loop3A_351 = arith.constant 0 : i32
        %parallel_loop3A_352 = arith.constant 4096 : i32
        %parallel_loop3A_353 = arith.constant 16 : i32
        scf.for %parallel_loop3A_368 = %parallel_loop3A_351 to %parallel_loop3A_352 step %parallel_loop3A_353  : i32 {
          %parallel_loop3A_369 = arith.index_cast %parallel_loop3A_368 : i32 to index
          %parallel_loop3A_370 = tpu.vector_load %arg12[%parallel_loop3A_369] {strides = array<i32>} : memref<4096xi32, #tpu.memory_space<vmem>>, vector<16xi32>,
          %parallel_loop3A_371 = tpu.vector_load_idx %arg8[%parallel_loop3A_370] : memref<100000xf32, #tpu.memory_space<vmem>>[vector<16xi32>], vector<16xf32>,
          %parallel_loop3A_372 = arith.index_cast %parallel_loop3A_368 : i32 to index
          %parallel_loop3A_373 = tpu.vector_load %arg14[%parallel_loop3A_372] {strides = array<i32>} : memref<4096xf32, #tpu.memory_space<vmem>>, vector<16xf32>,
          tpu.vector_store %arg14[%parallel_loop3A_372], %parallel_loop3A_371 {strides = array<i32>} : memref<4096xf32, #tpu.memory_space<vmem>>, vector<16xf32>,
        } {sc.loop_unroll_factor = 8 : i64, sc.parallel_access}
        %add3A_354 = arith.constant 4 : i32
        %add3A_355 = arith.addi %add3A_338, %add3A_354 : i32
        %lt3A_356 = arith.constant 50 : i32
        %lt3A_357 = arith.cmpi slt, %add3A_355, %lt3A_356 : i32
        %convert_element_type3A_358 = arith.extui %lt3A_357 : i1 to i32
        %cond3A_359 = arith.constant 0 : i32
        %cond3A_360 = arith.cmpi ne, %convert_element_type3A_358, %cond3A_359 : i32
        scf.if %cond3A_360 {
          %add3A_368 = arith.constant 4 : i32
          %add3A_369 = arith.addi %add3A_338, %add3A_368 : i32
          %dma_start3A_370 = arith.constant 0 : i32
          %dma_start3A_371 = tpu.memref_slice %arg3[%add3A_369, %dma_start3A_370] : memref<50x4096xi32, #tpu.memory_space<hbm>> -> memref<1x4096xi32, #tpu.memory_space<hbm>>
          %dma_start3A_372 = tpu.memref_squeeze %dma_start3A_371 : memref<1x4096xi32, #tpu.memory_space<hbm>> -> memref<4096xi32, #tpu.memory_space<hbm>>
          %dma_start3A_373 = arith.constant 0 : i32
          %dma_start3A_374 = tpu.memref_slice %arg3[%add3A_369, %dma_start3A_373] : memref<50x4096xi32, #tpu.memory_space<hbm>> -> memref<1x4096xi32, #tpu.memory_space<hbm>>
          %dma_start3A_375 = tpu.memref_squeeze %dma_start3A_374 : memref<1x4096xi32, #tpu.memory_space<hbm>> -> memref<4096xi32, #tpu.memory_space<hbm>>
          tpu.enqueue_dma source(%dma_start3A_375 : memref<4096xi32, #tpu.memory_space<hbm>>) target(%arg12 : memref<4096xi32, #tpu.memory_space<vmem>>) target_semaphore(%arg18 : memref<!tpu.dma_semaphore, #tpu.memory_space<semaphore_mem>>)
        } else {
        }
        %dma_start3A_361 = arith.constant 0 : i32
        %dma_start3A_362 = tpu.memref_slice %arg7[%add3A_338, %add3A_7, %dma_start3A_361] : memref<50x32x4096xf32, #tpu.memory_space<hbm>> -> memref<1x1x4096xf32, #tpu.memory_space<hbm>>
        %dma_start3A_363 = tpu.memref_squeeze %dma_start3A_362 : memref<1x1x4096xf32, #tpu.memory_space<hbm>> -> memref<4096xf32, #tpu.memory_space<hbm>>
        %dma_start3A_364 = arith.constant 0 : i32
        %dma_start3A_365 = tpu.memref_slice %arg7[%add3A_338, %add3A_7, %dma_start3A_364] : memref<50x32x4096xf32, #tpu.memory_space<hbm>> -> memref<1x1x4096xf32, #tpu.memory_space<hbm>>
        %dma_start3A_366 = tpu.memref_squeeze %dma_start3A_365 : memref<1x1x4096xf32, #tpu.memory_space<hbm>> -> memref<4096xf32, #tpu.memory_space<hbm>>
        tpu.enqueue_dma source(%arg14 : memref<4096xf32, #tpu.memory_space<vmem>>) target(%dma_start3A_366 : memref<4096xf32, #tpu.memory_space<hbm>>) target_semaphore(%arg20 : memref<!tpu.dma_semaphore, #tpu.memory_space<semaphore_mem>>)
        %scan3A_367 = arith.constant 0 : i32
        scf.yield %scan3A_367 : i32
      }
      %scan3A_56 = arith.constant 12 : i32
      %dma_wait3A_57 = arith.constant 0 : i32
      %dma_wait3A_58 = arith.constant 0 : i32
      %dma_wait3A_59 = tpu.memref_slice %arg3[%dma_wait3A_57, %dma_wait3A_58] : memref<50x4096xi32, #tpu.memory_space<hbm>> -> memref<1x4096xi32, #tpu.memory_space<hbm>>
      %dma_wait3A_60 = tpu.memref_squeeze %dma_wait3A_59 : memref<1x4096xi32, #tpu.memory_space<hbm>> -> memref<4096xi32, #tpu.memory_space<hbm>>
      %dma_wait3A_61 = arith.constant 0 : i32
      %dma_wait3A_62 = tpu.memref_slice %arg3[%dma_wait3A_57, %dma_wait3A_61] : memref<50x4096xi32, #tpu.memory_space<hbm>> -> memref<1x4096xi32, #tpu.memory_space<hbm>>
      %dma_wait3A_63 = tpu.memref_squeeze %dma_wait3A_62 : memref<1x4096xi32, #tpu.memory_space<hbm>> -> memref<4096xi32, #tpu.memory_space<hbm>>
      tpu.wait_dma2 semaphore(%arg15 : memref<!tpu.dma_semaphore, #tpu.memory_space<semaphore_mem>>) src(%dma_wait3A_63 : memref<4096xi32, #tpu.memory_space<hbm>>) dst(%arg9 : memref<4096xi32, #tpu.memory_space<vmem>>)
      %dma_wait3A_64 = arith.constant 0 : i32
      %dma_wait3A_65 = arith.constant 0 : i32
      %dma_wait3A_66 = tpu.memref_slice %arg7[%dma_wait3A_64, %add3A_7, %dma_wait3A_65] : memref<50x32x4096xf32, #tpu.memory_space<hbm>> -> memref<1x1x4096xf32, #tpu.memory_space<hbm>>
      %dma_wait3A_67 = tpu.memref_squeeze %dma_wait3A_66 : memref<1x1x4096xf32, #tpu.memory_space<hbm>> -> memref<4096xf32, #tpu.memory_space<hbm>>
      %dma_wait3A_68 = arith.constant 0 : i32
      %dma_wait3A_69 = tpu.memref_slice %arg7[%dma_wait3A_64, %add3A_7, %dma_wait3A_68] : memref<50x32x4096xf32, #tpu.memory_space<hbm>> -> memref<1x1x4096xf32, #tpu.memory_space<hbm>>
      %dma_wait3A_70 = tpu.memref_squeeze %dma_wait3A_69 : memref<1x1x4096xf32, #tpu.memory_space<hbm>> -> memref<4096xf32, #tpu.memory_space<hbm>>
      tpu.wait_dma2 semaphore(%arg19 : memref<!tpu.dma_semaphore, #tpu.memory_space<semaphore_mem>>) src(%arg13 : memref<4096xf32, #tpu.memory_space<vmem>>) dst(%dma_wait3A_70 : memref<4096xf32, #tpu.memory_space<hbm>>)
      %parallel_loop3A = arith.constant 0 : i32
      %parallel_loop3A_71 = arith.constant 4096 : i32
      %parallel_loop3A_72 = arith.constant 16 : i32
      scf.for %parallel_loop3A_240 = %parallel_loop3A to %parallel_loop3A_71 step %parallel_loop3A_72  : i32 {
        %parallel_loop3A_241 = arith.index_cast %parallel_loop3A_240 : i32 to index
        %parallel_loop3A_242 = tpu.vector_load %arg9[%parallel_loop3A_241] {strides = array<i32>} : memref<4096xi32, #tpu.memory_space<vmem>>, vector<16xi32>,
        %parallel_loop3A_243 = tpu.vector_load_idx %arg8[%parallel_loop3A_242] : memref<100000xf32, #tpu.memory_space<vmem>>[vector<16xi32>], vector<16xf32>,
        %parallel_loop3A_244 = arith.index_cast %parallel_loop3A_240 : i32 to index
        %parallel_loop3A_245 = tpu.vector_load %arg13[%parallel_loop3A_244] {strides = array<i32>} : memref<4096xf32, #tpu.memory_space<vmem>>, vector<16xf32>,
        tpu.vector_store %arg13[%parallel_loop3A_244], %parallel_loop3A_243 {strides = array<i32>} : memref<4096xf32, #tpu.memory_space<vmem>>, vector<16xf32>,
      } {sc.loop_unroll_factor = 8 : i64, sc.parallel_access}
      %dma_start3A_73 = arith.constant 48 : i32
      %dma_start3A_74 = arith.constant 0 : i32
      %dma_start3A_75 = tpu.memref_slice %arg7[%dma_start3A_73, %add3A_7, %dma_start3A_74] : memref<50x32x4096xf32, #tpu.memory_space<hbm>> -> memref<1x1x4096xf32, #tpu.memory_space<hbm>>
      %dma_start3A_76 = tpu.memref_squeeze %dma_start3A_75 : memref<1x1x4096xf32, #tpu.memory_space<hbm>> -> memref<4096xf32, #tpu.memory_space<hbm>>
      %dma_start3A_77 = arith.constant 0 : i32
      %dma_start3A_78 = tpu.memref_slice %arg7[%dma_start3A_73, %add3A_7, %dma_start3A_77] : memref<50x32x4096xf32, #tpu.memory_space<hbm>> -> memref<1x1x4096xf32, #tpu.memory_space<hbm>>
      %dma_start3A_79 = tpu.memref_squeeze %dma_start3A_78 : memref<1x1x4096xf32, #tpu.memory_space<hbm>> -> memref<4096xf32, #tpu.memory_space<hbm>>
      tpu.enqueue_dma source(%arg13 : memref<4096xf32, #tpu.memory_space<vmem>>) target(%dma_start3A_79 : memref<4096xf32, #tpu.memory_space<hbm>>) target_semaphore(%arg19 : memref<!tpu.dma_semaphore, #tpu.memory_space<semaphore_mem>>)
      %dma_wait3A_80 = arith.constant 0 : i32
      %dma_wait3A_81 = arith.constant 0 : i32
      %dma_wait3A_82 = tpu.memref_slice %arg3[%dma_wait3A_80, %dma_wait3A_81] : memref<50x4096xi32, #tpu.memory_space<hbm>> -> memref<1x4096xi32, #tpu.memory_space<hbm>>
      %dma_wait3A_83 = tpu.memref_squeeze %dma_wait3A_82 : memref<1x4096xi32, #tpu.memory_space<hbm>> -> memref<4096xi32, #tpu.memory_space<hbm>>
      %dma_wait3A_84 = arith.constant 0 : i32
      %dma_wait3A_85 = tpu.memref_slice %arg3[%dma_wait3A_80, %dma_wait3A_84] : memref<50x4096xi32, #tpu.memory_space<hbm>> -> memref<1x4096xi32, #tpu.memory_space<hbm>>
      %dma_wait3A_86 = tpu.memref_squeeze %dma_wait3A_85 : memref<1x4096xi32, #tpu.memory_space<hbm>> -> memref<4096xi32, #tpu.memory_space<hbm>>
      tpu.wait_dma2 semaphore(%arg16 : memref<!tpu.dma_semaphore, #tpu.memory_space<semaphore_mem>>) src(%dma_wait3A_86 : memref<4096xi32, #tpu.memory_space<hbm>>) dst(%arg10 : memref<4096xi32, #tpu.memory_space<vmem>>)
      %dma_wait3A_87 = arith.constant 0 : i32
      %dma_wait3A_88 = arith.constant 0 : i32
      %dma_wait3A_89 = tpu.memref_slice %arg7[%dma_wait3A_87, %add3A_7, %dma_wait3A_88] : memref<50x32x4096xf32, #tpu.memory_space<hbm>> -> memref<1x1x4096xf32, #tpu.memory_space<hbm>>
      %dma_wait3A_90 = tpu.memref_squeeze %dma_wait3A_89 : memref<1x1x4096xf32, #tpu.memory_space<hbm>> -> memref<4096xf32, #tpu.memory_space<hbm>>
      %dma_wait3A_91 = arith.constant 0 : i32
      %dma_wait3A_92 = tpu.memref_slice %arg7[%dma_wait3A_87, %add3A_7, %dma_wait3A_91] : memref<50x32x4096xf32, #tpu.memory_space<hbm>> -> memref<1x1x4096xf32, #tpu.memory_space<hbm>>
      %dma_wait3A_93 = tpu.memref_squeeze %dma_wait3A_92 : memref<1x1x4096xf32, #tpu.memory_space<hbm>> -> memref<4096xf32, #tpu.memory_space<hbm>>
      tpu.wait_dma2 semaphore(%arg20 : memref<!tpu.dma_semaphore, #tpu.memory_space<semaphore_mem>>) src(%arg14 : memref<4096xf32, #tpu.memory_space<vmem>>) dst(%dma_wait3A_93 : memref<4096xf32, #tpu.memory_space<hbm>>)
      %parallel_loop3A_94 = arith.constant 0 : i32
      %parallel_loop3A_95 = arith.constant 4096 : i32
      %parallel_loop3A_96 = arith.constant 16 : i32
      scf.for %parallel_loop3A_240 = %parallel_loop3A_94 to %parallel_loop3A_95 step %parallel_loop3A_96  : i32 {
        %parallel_loop3A_241 = arith.index_cast %parallel_loop3A_240 : i32 to index
        %parallel_loop3A_242 = tpu.vector_load %arg10[%parallel_loop3A_241] {strides = array<i32>} : memref<4096xi32, #tpu.memory_space<vmem>>, vector<16xi32>,
        %parallel_loop3A_243 = tpu.vector_load_idx %arg8[%parallel_loop3A_242] : memref<100000xf32, #tpu.memory_space<vmem>>[vector<16xi32>], vector<16xf32>,
        %parallel_loop3A_244 = arith.index_cast %parallel_loop3A_240 : i32 to index
        %parallel_loop3A_245 = tpu.vector_load %arg14[%parallel_loop3A_244] {strides = array<i32>} : memref<4096xf32, #tpu.memory_space<vmem>>, vector<16xf32>,
        tpu.vector_store %arg14[%parallel_loop3A_244], %parallel_loop3A_243 {strides = array<i32>} : memref<4096xf32, #tpu.memory_space<vmem>>, vector<16xf32>,
      } {sc.loop_unroll_factor = 8 : i64, sc.parallel_access}
      %dma_start3A_97 = arith.constant 49 : i32
      %dma_start3A_98 = arith.constant 0 : i32
      %dma_start3A_99 = tpu.memref_slice %arg7[%dma_start3A_97, %add3A_7, %dma_start3A_98] : memref<50x32x4096xf32, #tpu.memory_space<hbm>> -> memref<1x1x4096xf32, #tpu.memory_space<hbm>>
      %dma_start3A_100 = tpu.memref_squeeze %dma_start3A_99 : memref<1x1x4096xf32, #tpu.memory_space<hbm>> -> memref<4096xf32, #tpu.memory_space<hbm>>
      %dma_start3A_101 = arith.constant 0 : i32
      %dma_start3A_102 = tpu.memref_slice %arg7[%dma_start3A_97, %add3A_7, %dma_start3A_101] : memref<50x32x4096xf32, #tpu.memory_space<hbm>> -> memref<1x1x4096xf32, #tpu.memory_space<hbm>>
      %dma_start3A_103 = tpu.memref_squeeze %dma_start3A_102 : memref<1x1x4096xf32, #tpu.memory_space<hbm>> -> memref<4096xf32, #tpu.memory_space<hbm>>
      tpu.enqueue_dma source(%arg14 : memref<4096xf32, #tpu.memory_space<vmem>>) target(%dma_start3A_103 : memref<4096xf32, #tpu.memory_space<hbm>>) target_semaphore(%arg20 : memref<!tpu.dma_semaphore, #tpu.memory_space<semaphore_mem>>)
      %dma_wait3A_104 = arith.constant 0 : i32
      %dma_wait3A_105 = arith.constant 0 : i32
      %dma_wait3A_106 = tpu.memref_slice %arg7[%dma_wait3A_104, %add3A_7, %dma_wait3A_105] : memref<50x32x4096xf32, #tpu.memory_space<hbm>> -> memref<1x1x4096xf32, #tpu.memory_space<hbm>>
      %dma_wait3A_107 = tpu.memref_squeeze %dma_wait3A_106 : memref<1x1x4096xf32, #tpu.memory_space<hbm>> -> memref<4096xf32, #tpu.memory_space<hbm>>
      %dma_wait3A_108 = arith.constant 0 : i32
      %dma_wait3A_109 = tpu.memref_slice %arg7[%dma_wait3A_104, %add3A_7, %dma_wait3A_108] : memref<50x32x4096xf32, #tpu.memory_space<hbm>> -> memref<1x1x4096xf32, #tpu.memory_space<hbm>>
      %dma_wait3A_110 = tpu.memref_squeeze %dma_wait3A_109 : memref<1x1x4096xf32, #tpu.memory_space<hbm>> -> memref<4096xf32, #tpu.memory_space<hbm>>
      tpu.wait_dma2 semaphore(%arg19 : memref<!tpu.dma_semaphore, #tpu.memory_space<semaphore_mem>>) src(%arg13 : memref<4096xf32, #tpu.memory_space<vmem>>) dst(%dma_wait3A_110 : memref<4096xf32, #tpu.memory_space<hbm>>)
      %dma_wait3A_111 = arith.constant 0 : i32
      %dma_wait3A_112 = arith.constant 0 : i32
      %dma_wait3A_113 = tpu.memref_slice %arg7[%dma_wait3A_111, %add3A_7, %dma_wait3A_112] : memref<50x32x4096xf32, #tpu.memory_space<hbm>> -> memref<1x1x4096xf32, #tpu.memory_space<hbm>>
      %dma_wait3A_114 = tpu.memref_squeeze %dma_wait3A_113 : memref<1x1x4096xf32, #tpu.memory_space<hbm>> -> memref<4096xf32, #tpu.memory_space<hbm>>
      %dma_wait3A_115 = arith.constant 0 : i32
      %dma_wait3A_116 = tpu.memref_slice %arg7[%dma_wait3A_111, %add3A_7, %dma_wait3A_115] : memref<50x32x4096xf32, #tpu.memory_space<hbm>> -> memref<1x1x4096xf32, #tpu.memory_space<hbm>>
      %dma_wait3A_117 = tpu.memref_squeeze %dma_wait3A_116 : memref<1x1x4096xf32, #tpu.memory_space<hbm>> -> memref<4096xf32, #tpu.memory_space<hbm>>
      tpu.wait_dma2 semaphore(%arg20 : memref<!tpu.dma_semaphore, #tpu.memory_space<semaphore_mem>>) src(%arg14 : memref<4096xf32, #tpu.memory_space<vmem>>) dst(%dma_wait3A_117 : memref<4096xf32, #tpu.memory_space<hbm>>)
      %add3A_118 = arith.constant 16 : i32
      %add3A_119 = arith.addi %arg1, %add3A_118 : i32
      %dma_start3A_120 = arith.constant 0 : i32
      %dma_start3A_121 = tpu.memref_slice %arg5[%add3A_119, %dma_start3A_120] : memref<32x100000xf32, #tpu.memory_space<hbm>> -> memref<1x100000xf32, #tpu.memory_space<hbm>>
      %dma_start3A_122 = tpu.memref_squeeze %dma_start3A_121 : memref<1x100000xf32, #tpu.memory_space<hbm>> -> memref<100000xf32, #tpu.memory_space<hbm>>
      %dma_start3A_123 = arith.constant 0 : i32
      %dma_start3A_124 = tpu.memref_slice %arg5[%add3A_119, %dma_start3A_123] : memref<32x100000xf32, #tpu.memory_space<hbm>> -> memref<1x100000xf32, #tpu.memory_space<hbm>>
      %dma_start3A_125 = tpu.memref_squeeze %dma_start3A_124 : memref<1x100000xf32, #tpu.memory_space<hbm>> -> memref<100000xf32, #tpu.memory_space<hbm>>
      tpu.enqueue_dma source(%dma_start3A_125 : memref<100000xf32, #tpu.memory_space<hbm>>) target(%arg8 : memref<100000xf32, #tpu.memory_space<vmem>>) target_semaphore(%arg21 : memref<!tpu.dma_semaphore, #tpu.memory_space<semaphore_mem>>)
      %dma_start3A_126 = arith.constant 0 : i32
      %dma_start3A_127 = arith.constant 0 : i32
      %dma_start3A_128 = tpu.memref_slice %arg3[%dma_start3A_126, %dma_start3A_127] : memref<50x4096xi32, #tpu.memory_space<hbm>> -> memref<1x4096xi32, #tpu.memory_space<hbm>>
      %dma_start3A_129 = tpu.memref_squeeze %dma_start3A_128 : memref<1x4096xi32, #tpu.memory_space<hbm>> -> memref<4096xi32, #tpu.memory_space<hbm>>
      %dma_start3A_130 = arith.constant 0 : i32
      %dma_start3A_131 = tpu.memref_slice %arg3[%dma_start3A_126, %dma_start3A_130] : memref<50x4096xi32, #tpu.memory_space<hbm>> -> memref<1x4096xi32, #tpu.memory_space<hbm>>
      %dma_start3A_132 = tpu.memref_squeeze %dma_start3A_131 : memref<1x4096xi32, #tpu.memory_space<hbm>> -> memref<4096xi32, #tpu.memory_space<hbm>>
      tpu.enqueue_dma source(%dma_start3A_132 : memref<4096xi32, #tpu.memory_space<hbm>>) target(%arg9 : memref<4096xi32, #tpu.memory_space<vmem>>) target_semaphore(%arg15 : memref<!tpu.dma_semaphore, #tpu.memory_space<semaphore_mem>>)
      %dma_start3A_133 = arith.constant 1 : i32
      %dma_start3A_134 = arith.constant 0 : i32
      %dma_start3A_135 = tpu.memref_slice %arg3[%dma_start3A_133, %dma_start3A_134] : memref<50x4096xi32, #tpu.memory_space<hbm>> -> memref<1x4096xi32, #tpu.memory_space<hbm>>
      %dma_start3A_136 = tpu.memref_squeeze %dma_start3A_135 : memref<1x4096xi32, #tpu.memory_space<hbm>> -> memref<4096xi32, #tpu.memory_space<hbm>>
      %dma_start3A_137 = arith.constant 0 : i32
      %dma_start3A_138 = tpu.memref_slice %arg3[%dma_start3A_133, %dma_start3A_137] : memref<50x4096xi32, #tpu.memory_space<hbm>> -> memref<1x4096xi32, #tpu.memory_space<hbm>>
      %dma_start3A_139 = tpu.memref_squeeze %dma_start3A_138 : memref<1x4096xi32, #tpu.memory_space<hbm>> -> memref<4096xi32, #tpu.memory_space<hbm>>
      tpu.enqueue_dma source(%dma_start3A_139 : memref<4096xi32, #tpu.memory_space<hbm>>) target(%arg10 : memref<4096xi32, #tpu.memory_space<vmem>>) target_semaphore(%arg16 : memref<!tpu.dma_semaphore, #tpu.memory_space<semaphore_mem>>)
      %dma_start3A_140 = arith.constant 2 : i32
      %dma_start3A_141 = arith.constant 0 : i32
      %dma_start3A_142 = tpu.memref_slice %arg3[%dma_start3A_140, %dma_start3A_141] : memref<50x4096xi32, #tpu.memory_space<hbm>> -> memref<1x4096xi32, #tpu.memory_space<hbm>>
      %dma_start3A_143 = tpu.memref_squeeze %dma_start3A_142 : memref<1x4096xi32, #tpu.memory_space<hbm>> -> memref<4096xi32, #tpu.memory_space<hbm>>
      %dma_start3A_144 = arith.constant 0 : i32
      %dma_start3A_145 = tpu.memref_slice %arg3[%dma_start3A_140, %dma_start3A_144] : memref<50x4096xi32, #tpu.memory_space<hbm>> -> memref<1x4096xi32, #tpu.memory_space<hbm>>
      %dma_start3A_146 = tpu.memref_squeeze %dma_start3A_145 : memref<1x4096xi32, #tpu.memory_space<hbm>> -> memref<4096xi32, #tpu.memory_space<hbm>>
      tpu.enqueue_dma source(%dma_start3A_146 : memref<4096xi32, #tpu.memory_space<hbm>>) target(%arg11 : memref<4096xi32, #tpu.memory_space<vmem>>) target_semaphore(%arg17 : memref<!tpu.dma_semaphore, #tpu.memory_space<semaphore_mem>>)
      %dma_start3A_147 = arith.constant 3 : i32
      %dma_start3A_148 = arith.constant 0 : i32
      %dma_start3A_149 = tpu.memref_slice %arg3[%dma_start3A_147, %dma_start3A_148] : memref<50x4096xi32, #tpu.memory_space<hbm>> -> memref<1x4096xi32, #tpu.memory_space<hbm>>
      %dma_start3A_150 = tpu.memref_squeeze %dma_start3A_149 : memref<1x4096xi32, #tpu.memory_space<hbm>> -> memref<4096xi32, #tpu.memory_space<hbm>>
      %dma_start3A_151 = arith.constant 0 : i32
      %dma_start3A_152 = tpu.memref_slice %arg3[%dma_start3A_147, %dma_start3A_151] : memref<50x4096xi32, #tpu.memory_space<hbm>> -> memref<1x4096xi32, #tpu.memory_space<hbm>>
      %dma_start3A_153 = tpu.memref_squeeze %dma_start3A_152 : memref<1x4096xi32, #tpu.memory_space<hbm>> -> memref<4096xi32, #tpu.memory_space<hbm>>
      tpu.enqueue_dma source(%dma_start3A_153 : memref<4096xi32, #tpu.memory_space<hbm>>) target(%arg12 : memref<4096xi32, #tpu.memory_space<vmem>>) target_semaphore(%arg18 : memref<!tpu.dma_semaphore, #tpu.memory_space<semaphore_mem>>)
      %dma_wait3A_154 = arith.constant 0 : i32
      %dma_wait3A_155 = tpu.memref_slice %arg5[%add3A_119, %dma_wait3A_154] : memref<32x100000xf32, #tpu.memory_space<hbm>> -> memref<1x100000xf32, #tpu.memory_space<hbm>>
      %dma_wait3A_156 = tpu.memref_squeeze %dma_wait3A_155 : memref<1x100000xf32, #tpu.memory_space<hbm>> -> memref<100000xf32, #tpu.memory_space<hbm>>
      %dma_wait3A_157 = arith.constant 0 : i32
      %dma_wait3A_158 = tpu.memref_slice %arg5[%add3A_119, %dma_wait3A_157] : memref<32x100000xf32, #tpu.memory_space<hbm>> -> memref<1x100000xf32, #tpu.memory_space<hbm>>
      %dma_wait3A_159 = tpu.memref_squeeze %dma_wait3A_158 : memref<1x100000xf32, #tpu.memory_space<hbm>> -> memref<100000xf32, #tpu.memory_space<hbm>>
      tpu.wait_dma2 semaphore(%arg21 : memref<!tpu.dma_semaphore, #tpu.memory_space<semaphore_mem>>) src(%dma_wait3A_159 : memref<100000xf32, #tpu.memory_space<hbm>>) dst(%arg8 : memref<100000xf32, #tpu.memory_space<vmem>>)
      %get3A_160 = arith.constant 0 : index
      %get3A_161 = tpu.vector_load %arg8[%get3A_160] {strides = array<i32>} : memref<100000xf32, #tpu.memory_space<vmem>>, vector<16xf32>,
      %iota3A_162 = tpu.iota {dimensions = array<i32: 0>} : vector<16xi32>
      %eq3A_163 = arith.constant 0 : i32
      %eq3A_164 = vector.broadcast %eq3A_163 : i32 to vector<16xi32>
      %eq3A_165 = arith.cmpi eq, %iota3A_162, %eq3A_164 : vector<16xi32>
      %jit3A_166 = arith.constant 0.000000e+00 : f32
      %broadcast_in_dim3A_167 = vector.broadcast %jit3A_166 : f32 to vector<16xf32>
      %select_n3A_168 = arith.select %eq3A_165, %broadcast_in_dim3A_167, %get3A_161 : vector<16xi1>, vector<16xf32>
      %swap3A_169 = arith.constant 0 : index
      %swap3A_170 = tpu.vector_load %arg8[%swap3A_169] {strides = array<i32>} : memref<100000xf32, #tpu.memory_space<vmem>>, vector<16xf32>,
      tpu.vector_store %arg8[%swap3A_169], %select_n3A_168 {strides = array<i32>} : memref<100000xf32, #tpu.memory_space<vmem>>, vector<16xf32>,
      %scan3A_171 = arith.constant 0 : i32
      %scan3A_172 = arith.constant 0 : i32
      %scan3A_173 = arith.constant 12 : i32
      %scan3A_174 = arith.addi %scan3A_172, %scan3A_173 : i32
      %scan3A_175 = arith.constant 1 : i32
      %scan3A_176 = scf.for %scan3A_240 = %scan3A_172 to %scan3A_174 step %scan3A_175 iter_args(%scan3A_241 = %scan3A_171) -> (i32)  : i32 {
        %mul3A = arith.constant 4 : i32
        %mul3A_242 = arith.muli %mul3A, %scan3A_240 : i32
        %add3A_243 = arith.constant 0 : i32
        %add3A_244 = arith.addi %mul3A_242, %add3A_243 : i32
        %dma_wait3A_245 = arith.constant 0 : i32
        %dma_wait3A_246 = arith.constant 0 : i32
        %dma_wait3A_247 = tpu.memref_slice %arg3[%dma_wait3A_245, %dma_wait3A_246] : memref<50x4096xi32, #tpu.memory_space<hbm>> -> memref<1x4096xi32, #tpu.memory_space<hbm>>
        %dma_wait3A_248 = tpu.memref_squeeze %dma_wait3A_247 : memref<1x4096xi32, #tpu.memory_space<hbm>> -> memref<4096xi32, #tpu.memory_space<hbm>>
        %dma_wait3A_249 = arith.constant 0 : i32
        %dma_wait3A_250 = tpu.memref_slice %arg3[%dma_wait3A_245, %dma_wait3A_249] : memref<50x4096xi32, #tpu.memory_space<hbm>> -> memref<1x4096xi32, #tpu.memory_space<hbm>>
        %dma_wait3A_251 = tpu.memref_squeeze %dma_wait3A_250 : memref<1x4096xi32, #tpu.memory_space<hbm>> -> memref<4096xi32, #tpu.memory_space<hbm>>
        tpu.wait_dma2 semaphore(%arg15 : memref<!tpu.dma_semaphore, #tpu.memory_space<semaphore_mem>>) src(%dma_wait3A_251 : memref<4096xi32, #tpu.memory_space<hbm>>) dst(%arg9 : memref<4096xi32, #tpu.memory_space<vmem>>)
        %ge3A = arith.constant 2 : i32
        %ge3A_252 = arith.cmpi sge, %add3A_244, %ge3A : i32
        %convert_element_type3A_253 = arith.extui %ge3A_252 : i1 to i32
        %cond3A_254 = arith.constant 0 : i32
        %cond3A_255 = arith.cmpi ne, %convert_element_type3A_253, %cond3A_254 : i32
        scf.if %cond3A_255 {
          %dma_wait3A_368 = arith.constant 0 : i32
          %dma_wait3A_369 = arith.constant 0 : i32
          %dma_wait3A_370 = tpu.memref_slice %arg7[%dma_wait3A_368, %add3A_119, %dma_wait3A_369] : memref<50x32x4096xf32, #tpu.memory_space<hbm>> -> memref<1x1x4096xf32, #tpu.memory_space<hbm>>
          %dma_wait3A_371 = tpu.memref_squeeze %dma_wait3A_370 : memref<1x1x4096xf32, #tpu.memory_space<hbm>> -> memref<4096xf32, #tpu.memory_space<hbm>>
          %dma_wait3A_372 = arith.constant 0 : i32
          %dma_wait3A_373 = tpu.memref_slice %arg7[%dma_wait3A_368, %add3A_119, %dma_wait3A_372] : memref<50x32x4096xf32, #tpu.memory_space<hbm>> -> memref<1x1x4096xf32, #tpu.memory_space<hbm>>
          %dma_wait3A_374 = tpu.memref_squeeze %dma_wait3A_373 : memref<1x1x4096xf32, #tpu.memory_space<hbm>> -> memref<4096xf32, #tpu.memory_space<hbm>>
          tpu.wait_dma2 semaphore(%arg19 : memref<!tpu.dma_semaphore, #tpu.memory_space<semaphore_mem>>) src(%arg13 : memref<4096xf32, #tpu.memory_space<vmem>>) dst(%dma_wait3A_374 : memref<4096xf32, #tpu.memory_space<hbm>>)
        } else {
        }
        %parallel_loop3A_256 = arith.constant 0 : i32
        %parallel_loop3A_257 = arith.constant 4096 : i32
        %parallel_loop3A_258 = arith.constant 16 : i32
        scf.for %parallel_loop3A_368 = %parallel_loop3A_256 to %parallel_loop3A_257 step %parallel_loop3A_258  : i32 {
          %parallel_loop3A_369 = arith.index_cast %parallel_loop3A_368 : i32 to index
          %parallel_loop3A_370 = tpu.vector_load %arg9[%parallel_loop3A_369] {strides = array<i32>} : memref<4096xi32, #tpu.memory_space<vmem>>, vector<16xi32>,
          %parallel_loop3A_371 = tpu.vector_load_idx %arg8[%parallel_loop3A_370] : memref<100000xf32, #tpu.memory_space<vmem>>[vector<16xi32>], vector<16xf32>,
          %parallel_loop3A_372 = arith.index_cast %parallel_loop3A_368 : i32 to index
          %parallel_loop3A_373 = tpu.vector_load %arg13[%parallel_loop3A_372] {strides = array<i32>} : memref<4096xf32, #tpu.memory_space<vmem>>, vector<16xf32>,
          tpu.vector_store %arg13[%parallel_loop3A_372], %parallel_loop3A_371 {strides = array<i32>} : memref<4096xf32, #tpu.memory_space<vmem>>, vector<16xf32>,
        } {sc.loop_unroll_factor = 8 : i64, sc.parallel_access}
        %add3A_259 = arith.constant 4 : i32
        %add3A_260 = arith.addi %add3A_244, %add3A_259 : i32
        %lt3A = arith.constant 50 : i32
        %lt3A_261 = arith.cmpi slt, %add3A_260, %lt3A : i32
        %convert_element_type3A_262 = arith.extui %lt3A_261 : i1 to i32
        %cond3A_263 = arith.constant 0 : i32
        %cond3A_264 = arith.cmpi ne, %convert_element_type3A_262, %cond3A_263 : i32
        scf.if %cond3A_264 {
          %add3A_368 = arith.constant 4 : i32
          %add3A_369 = arith.addi %add3A_244, %add3A_368 : i32
          %dma_start3A_370 = arith.constant 0 : i32
          %dma_start3A_371 = tpu.memref_slice %arg3[%add3A_369, %dma_start3A_370] : memref<50x4096xi32, #tpu.memory_space<hbm>> -> memref<1x4096xi32, #tpu.memory_space<hbm>>
          %dma_start3A_372 = tpu.memref_squeeze %dma_start3A_371 : memref<1x4096xi32, #tpu.memory_space<hbm>> -> memref<4096xi32, #tpu.memory_space<hbm>>
          %dma_start3A_373 = arith.constant 0 : i32
          %dma_start3A_374 = tpu.memref_slice %arg3[%add3A_369, %dma_start3A_373] : memref<50x4096xi32, #tpu.memory_space<hbm>> -> memref<1x4096xi32, #tpu.memory_space<hbm>>
          %dma_start3A_375 = tpu.memref_squeeze %dma_start3A_374 : memref<1x4096xi32, #tpu.memory_space<hbm>> -> memref<4096xi32, #tpu.memory_space<hbm>>
          tpu.enqueue_dma source(%dma_start3A_375 : memref<4096xi32, #tpu.memory_space<hbm>>) target(%arg9 : memref<4096xi32, #tpu.memory_space<vmem>>) target_semaphore(%arg15 : memref<!tpu.dma_semaphore, #tpu.memory_space<semaphore_mem>>)
        } else {
        }
        %dma_start3A_265 = arith.constant 0 : i32
        %dma_start3A_266 = tpu.memref_slice %arg7[%add3A_244, %add3A_119, %dma_start3A_265] : memref<50x32x4096xf32, #tpu.memory_space<hbm>> -> memref<1x1x4096xf32, #tpu.memory_space<hbm>>
        %dma_start3A_267 = tpu.memref_squeeze %dma_start3A_266 : memref<1x1x4096xf32, #tpu.memory_space<hbm>> -> memref<4096xf32, #tpu.memory_space<hbm>>
        %dma_start3A_268 = arith.constant 0 : i32
        %dma_start3A_269 = tpu.memref_slice %arg7[%add3A_244, %add3A_119, %dma_start3A_268] : memref<50x32x4096xf32, #tpu.memory_space<hbm>> -> memref<1x1x4096xf32, #tpu.memory_space<hbm>>
        %dma_start3A_270 = tpu.memref_squeeze %dma_start3A_269 : memref<1x1x4096xf32, #tpu.memory_space<hbm>> -> memref<4096xf32, #tpu.memory_space<hbm>>
        tpu.enqueue_dma source(%arg13 : memref<4096xf32, #tpu.memory_space<vmem>>) target(%dma_start3A_270 : memref<4096xf32, #tpu.memory_space<hbm>>) target_semaphore(%arg19 : memref<!tpu.dma_semaphore, #tpu.memory_space<semaphore_mem>>)
        %mul3A_271 = arith.constant 4 : i32
        %mul3A_272 = arith.muli %mul3A_271, %scan3A_240 : i32
        %add3A_273 = arith.constant 1 : i32
        %add3A_274 = arith.addi %mul3A_272, %add3A_273 : i32
        %dma_wait3A_275 = arith.constant 0 : i32
        %dma_wait3A_276 = arith.constant 0 : i32
        %dma_wait3A_277 = tpu.memref_slice %arg3[%dma_wait3A_275, %dma_wait3A_276] : memref<50x4096xi32, #tpu.memory_space<hbm>> -> memref<1x4096xi32, #tpu.memory_space<hbm>>
        %dma_wait3A_278 = tpu.memref_squeeze %dma_wait3A_277 : memref<1x4096xi32, #tpu.memory_space<hbm>> -> memref<4096xi32, #tpu.memory_space<hbm>>
        %dma_wait3A_279 = arith.constant 0 : i32
        %dma_wait3A_280 = tpu.memref_slice %arg3[%dma_wait3A_275, %dma_wait3A_279] : memref<50x4096xi32, #tpu.memory_space<hbm>> -> memref<1x4096xi32, #tpu.memory_space<hbm>>
        %dma_wait3A_281 = tpu.memref_squeeze %dma_wait3A_280 : memref<1x4096xi32, #tpu.memory_space<hbm>> -> memref<4096xi32, #tpu.memory_space<hbm>>
        tpu.wait_dma2 semaphore(%arg16 : memref<!tpu.dma_semaphore, #tpu.memory_space<semaphore_mem>>) src(%dma_wait3A_281 : memref<4096xi32, #tpu.memory_space<hbm>>) dst(%arg10 : memref<4096xi32, #tpu.memory_space<vmem>>)
        %ge3A_282 = arith.constant 2 : i32
        %ge3A_283 = arith.cmpi sge, %add3A_274, %ge3A_282 : i32
        %convert_element_type3A_284 = arith.extui %ge3A_283 : i1 to i32
        %cond3A_285 = arith.constant 0 : i32
        %cond3A_286 = arith.cmpi ne, %convert_element_type3A_284, %cond3A_285 : i32
        scf.if %cond3A_286 {
          %dma_wait3A_368 = arith.constant 0 : i32
          %dma_wait3A_369 = arith.constant 0 : i32
          %dma_wait3A_370 = tpu.memref_slice %arg7[%dma_wait3A_368, %add3A_119, %dma_wait3A_369] : memref<50x32x4096xf32, #tpu.memory_space<hbm>> -> memref<1x1x4096xf32, #tpu.memory_space<hbm>>
          %dma_wait3A_371 = tpu.memref_squeeze %dma_wait3A_370 : memref<1x1x4096xf32, #tpu.memory_space<hbm>> -> memref<4096xf32, #tpu.memory_space<hbm>>
          %dma_wait3A_372 = arith.constant 0 : i32
          %dma_wait3A_373 = tpu.memref_slice %arg7[%dma_wait3A_368, %add3A_119, %dma_wait3A_372] : memref<50x32x4096xf32, #tpu.memory_space<hbm>> -> memref<1x1x4096xf32, #tpu.memory_space<hbm>>
          %dma_wait3A_374 = tpu.memref_squeeze %dma_wait3A_373 : memref<1x1x4096xf32, #tpu.memory_space<hbm>> -> memref<4096xf32, #tpu.memory_space<hbm>>
          tpu.wait_dma2 semaphore(%arg20 : memref<!tpu.dma_semaphore, #tpu.memory_space<semaphore_mem>>) src(%arg14 : memref<4096xf32, #tpu.memory_space<vmem>>) dst(%dma_wait3A_374 : memref<4096xf32, #tpu.memory_space<hbm>>)
        } else {
        }
        %parallel_loop3A_287 = arith.constant 0 : i32
        %parallel_loop3A_288 = arith.constant 4096 : i32
        %parallel_loop3A_289 = arith.constant 16 : i32
        scf.for %parallel_loop3A_368 = %parallel_loop3A_287 to %parallel_loop3A_288 step %parallel_loop3A_289  : i32 {
          %parallel_loop3A_369 = arith.index_cast %parallel_loop3A_368 : i32 to index
          %parallel_loop3A_370 = tpu.vector_load %arg10[%parallel_loop3A_369] {strides = array<i32>} : memref<4096xi32, #tpu.memory_space<vmem>>, vector<16xi32>,
          %parallel_loop3A_371 = tpu.vector_load_idx %arg8[%parallel_loop3A_370] : memref<100000xf32, #tpu.memory_space<vmem>>[vector<16xi32>], vector<16xf32>,
          %parallel_loop3A_372 = arith.index_cast %parallel_loop3A_368 : i32 to index
          %parallel_loop3A_373 = tpu.vector_load %arg14[%parallel_loop3A_372] {strides = array<i32>} : memref<4096xf32, #tpu.memory_space<vmem>>, vector<16xf32>,
          tpu.vector_store %arg14[%parallel_loop3A_372], %parallel_loop3A_371 {strides = array<i32>} : memref<4096xf32, #tpu.memory_space<vmem>>, vector<16xf32>,
        } {sc.loop_unroll_factor = 8 : i64, sc.parallel_access}
        %add3A_290 = arith.constant 4 : i32
        %add3A_291 = arith.addi %add3A_274, %add3A_290 : i32
        %lt3A_292 = arith.constant 50 : i32
        %lt3A_293 = arith.cmpi slt, %add3A_291, %lt3A_292 : i32
        %convert_element_type3A_294 = arith.extui %lt3A_293 : i1 to i32
        %cond3A_295 = arith.constant 0 : i32
        %cond3A_296 = arith.cmpi ne, %convert_element_type3A_294, %cond3A_295 : i32
        scf.if %cond3A_296 {
          %add3A_368 = arith.constant 4 : i32
          %add3A_369 = arith.addi %add3A_274, %add3A_368 : i32
          %dma_start3A_370 = arith.constant 0 : i32
          %dma_start3A_371 = tpu.memref_slice %arg3[%add3A_369, %dma_start3A_370] : memref<50x4096xi32, #tpu.memory_space<hbm>> -> memref<1x4096xi32, #tpu.memory_space<hbm>>
          %dma_start3A_372 = tpu.memref_squeeze %dma_start3A_371 : memref<1x4096xi32, #tpu.memory_space<hbm>> -> memref<4096xi32, #tpu.memory_space<hbm>>
          %dma_start3A_373 = arith.constant 0 : i32
          %dma_start3A_374 = tpu.memref_slice %arg3[%add3A_369, %dma_start3A_373] : memref<50x4096xi32, #tpu.memory_space<hbm>> -> memref<1x4096xi32, #tpu.memory_space<hbm>>
          %dma_start3A_375 = tpu.memref_squeeze %dma_start3A_374 : memref<1x4096xi32, #tpu.memory_space<hbm>> -> memref<4096xi32, #tpu.memory_space<hbm>>
          tpu.enqueue_dma source(%dma_start3A_375 : memref<4096xi32, #tpu.memory_space<hbm>>) target(%arg10 : memref<4096xi32, #tpu.memory_space<vmem>>) target_semaphore(%arg16 : memref<!tpu.dma_semaphore, #tpu.memory_space<semaphore_mem>>)
        } else {
        }
        %dma_start3A_297 = arith.constant 0 : i32
        %dma_start3A_298 = tpu.memref_slice %arg7[%add3A_274, %add3A_119, %dma_start3A_297] : memref<50x32x4096xf32, #tpu.memory_space<hbm>> -> memref<1x1x4096xf32, #tpu.memory_space<hbm>>
        %dma_start3A_299 = tpu.memref_squeeze %dma_start3A_298 : memref<1x1x4096xf32, #tpu.memory_space<hbm>> -> memref<4096xf32, #tpu.memory_space<hbm>>
        %dma_start3A_300 = arith.constant 0 : i32
        %dma_start3A_301 = tpu.memref_slice %arg7[%add3A_274, %add3A_119, %dma_start3A_300] : memref<50x32x4096xf32, #tpu.memory_space<hbm>> -> memref<1x1x4096xf32, #tpu.memory_space<hbm>>
        %dma_start3A_302 = tpu.memref_squeeze %dma_start3A_301 : memref<1x1x4096xf32, #tpu.memory_space<hbm>> -> memref<4096xf32, #tpu.memory_space<hbm>>
        tpu.enqueue_dma source(%arg14 : memref<4096xf32, #tpu.memory_space<vmem>>) target(%dma_start3A_302 : memref<4096xf32, #tpu.memory_space<hbm>>) target_semaphore(%arg20 : memref<!tpu.dma_semaphore, #tpu.memory_space<semaphore_mem>>)
        %mul3A_303 = arith.constant 4 : i32
        %mul3A_304 = arith.muli %mul3A_303, %scan3A_240 : i32
        %add3A_305 = arith.constant 2 : i32
        %add3A_306 = arith.addi %mul3A_304, %add3A_305 : i32
        %dma_wait3A_307 = arith.constant 0 : i32
        %dma_wait3A_308 = arith.constant 0 : i32
        %dma_wait3A_309 = tpu.memref_slice %arg3[%dma_wait3A_307, %dma_wait3A_308] : memref<50x4096xi32, #tpu.memory_space<hbm>> -> memref<1x4096xi32, #tpu.memory_space<hbm>>
        %dma_wait3A_310 = tpu.memref_squeeze %dma_wait3A_309 : memref<1x4096xi32, #tpu.memory_space<hbm>> -> memref<4096xi32, #tpu.memory_space<hbm>>
        %dma_wait3A_311 = arith.constant 0 : i32
        %dma_wait3A_312 = tpu.memref_slice %arg3[%dma_wait3A_307, %dma_wait3A_311] : memref<50x4096xi32, #tpu.memory_space<hbm>> -> memref<1x4096xi32, #tpu.memory_space<hbm>>
        %dma_wait3A_313 = tpu.memref_squeeze %dma_wait3A_312 : memref<1x4096xi32, #tpu.memory_space<hbm>> -> memref<4096xi32, #tpu.memory_space<hbm>>
        tpu.wait_dma2 semaphore(%arg17 : memref<!tpu.dma_semaphore, #tpu.memory_space<semaphore_mem>>) src(%dma_wait3A_313 : memref<4096xi32, #tpu.memory_space<hbm>>) dst(%arg11 : memref<4096xi32, #tpu.memory_space<vmem>>)
        %ge3A_314 = arith.constant 2 : i32
        %ge3A_315 = arith.cmpi sge, %add3A_306, %ge3A_314 : i32
        %convert_element_type3A_316 = arith.extui %ge3A_315 : i1 to i32
        %cond3A_317 = arith.constant 0 : i32
        %cond3A_318 = arith.cmpi ne, %convert_element_type3A_316, %cond3A_317 : i32
        scf.if %cond3A_318 {
          %dma_wait3A_368 = arith.constant 0 : i32
          %dma_wait3A_369 = arith.constant 0 : i32
          %dma_wait3A_370 = tpu.memref_slice %arg7[%dma_wait3A_368, %add3A_119, %dma_wait3A_369] : memref<50x32x4096xf32, #tpu.memory_space<hbm>> -> memref<1x1x4096xf32, #tpu.memory_space<hbm>>
          %dma_wait3A_371 = tpu.memref_squeeze %dma_wait3A_370 : memref<1x1x4096xf32, #tpu.memory_space<hbm>> -> memref<4096xf32, #tpu.memory_space<hbm>>
          %dma_wait3A_372 = arith.constant 0 : i32
          %dma_wait3A_373 = tpu.memref_slice %arg7[%dma_wait3A_368, %add3A_119, %dma_wait3A_372] : memref<50x32x4096xf32, #tpu.memory_space<hbm>> -> memref<1x1x4096xf32, #tpu.memory_space<hbm>>
          %dma_wait3A_374 = tpu.memref_squeeze %dma_wait3A_373 : memref<1x1x4096xf32, #tpu.memory_space<hbm>> -> memref<4096xf32, #tpu.memory_space<hbm>>
          tpu.wait_dma2 semaphore(%arg19 : memref<!tpu.dma_semaphore, #tpu.memory_space<semaphore_mem>>) src(%arg13 : memref<4096xf32, #tpu.memory_space<vmem>>) dst(%dma_wait3A_374 : memref<4096xf32, #tpu.memory_space<hbm>>)
        } else {
        }
        %parallel_loop3A_319 = arith.constant 0 : i32
        %parallel_loop3A_320 = arith.constant 4096 : i32
        %parallel_loop3A_321 = arith.constant 16 : i32
        scf.for %parallel_loop3A_368 = %parallel_loop3A_319 to %parallel_loop3A_320 step %parallel_loop3A_321  : i32 {
          %parallel_loop3A_369 = arith.index_cast %parallel_loop3A_368 : i32 to index
          %parallel_loop3A_370 = tpu.vector_load %arg11[%parallel_loop3A_369] {strides = array<i32>} : memref<4096xi32, #tpu.memory_space<vmem>>, vector<16xi32>,
          %parallel_loop3A_371 = tpu.vector_load_idx %arg8[%parallel_loop3A_370] : memref<100000xf32, #tpu.memory_space<vmem>>[vector<16xi32>], vector<16xf32>,
          %parallel_loop3A_372 = arith.index_cast %parallel_loop3A_368 : i32 to index
          %parallel_loop3A_373 = tpu.vector_load %arg13[%parallel_loop3A_372] {strides = array<i32>} : memref<4096xf32, #tpu.memory_space<vmem>>, vector<16xf32>,
          tpu.vector_store %arg13[%parallel_loop3A_372], %parallel_loop3A_371 {strides = array<i32>} : memref<4096xf32, #tpu.memory_space<vmem>>, vector<16xf32>,
        } {sc.loop_unroll_factor = 8 : i64, sc.parallel_access}
        %add3A_322 = arith.constant 4 : i32
        %add3A_323 = arith.addi %add3A_306, %add3A_322 : i32
        %lt3A_324 = arith.constant 50 : i32
        %lt3A_325 = arith.cmpi slt, %add3A_323, %lt3A_324 : i32
        %convert_element_type3A_326 = arith.extui %lt3A_325 : i1 to i32
        %cond3A_327 = arith.constant 0 : i32
        %cond3A_328 = arith.cmpi ne, %convert_element_type3A_326, %cond3A_327 : i32
        scf.if %cond3A_328 {
          %add3A_368 = arith.constant 4 : i32
          %add3A_369 = arith.addi %add3A_306, %add3A_368 : i32
          %dma_start3A_370 = arith.constant 0 : i32
          %dma_start3A_371 = tpu.memref_slice %arg3[%add3A_369, %dma_start3A_370] : memref<50x4096xi32, #tpu.memory_space<hbm>> -> memref<1x4096xi32, #tpu.memory_space<hbm>>
          %dma_start3A_372 = tpu.memref_squeeze %dma_start3A_371 : memref<1x4096xi32, #tpu.memory_space<hbm>> -> memref<4096xi32, #tpu.memory_space<hbm>>
          %dma_start3A_373 = arith.constant 0 : i32
          %dma_start3A_374 = tpu.memref_slice %arg3[%add3A_369, %dma_start3A_373] : memref<50x4096xi32, #tpu.memory_space<hbm>> -> memref<1x4096xi32, #tpu.memory_space<hbm>>
          %dma_start3A_375 = tpu.memref_squeeze %dma_start3A_374 : memref<1x4096xi32, #tpu.memory_space<hbm>> -> memref<4096xi32, #tpu.memory_space<hbm>>
          tpu.enqueue_dma source(%dma_start3A_375 : memref<4096xi32, #tpu.memory_space<hbm>>) target(%arg11 : memref<4096xi32, #tpu.memory_space<vmem>>) target_semaphore(%arg17 : memref<!tpu.dma_semaphore, #tpu.memory_space<semaphore_mem>>)
        } else {
        }
        %dma_start3A_329 = arith.constant 0 : i32
        %dma_start3A_330 = tpu.memref_slice %arg7[%add3A_306, %add3A_119, %dma_start3A_329] : memref<50x32x4096xf32, #tpu.memory_space<hbm>> -> memref<1x1x4096xf32, #tpu.memory_space<hbm>>
        %dma_start3A_331 = tpu.memref_squeeze %dma_start3A_330 : memref<1x1x4096xf32, #tpu.memory_space<hbm>> -> memref<4096xf32, #tpu.memory_space<hbm>>
        %dma_start3A_332 = arith.constant 0 : i32
        %dma_start3A_333 = tpu.memref_slice %arg7[%add3A_306, %add3A_119, %dma_start3A_332] : memref<50x32x4096xf32, #tpu.memory_space<hbm>> -> memref<1x1x4096xf32, #tpu.memory_space<hbm>>
        %dma_start3A_334 = tpu.memref_squeeze %dma_start3A_333 : memref<1x1x4096xf32, #tpu.memory_space<hbm>> -> memref<4096xf32, #tpu.memory_space<hbm>>
        tpu.enqueue_dma source(%arg13 : memref<4096xf32, #tpu.memory_space<vmem>>) target(%dma_start3A_334 : memref<4096xf32, #tpu.memory_space<hbm>>) target_semaphore(%arg19 : memref<!tpu.dma_semaphore, #tpu.memory_space<semaphore_mem>>)
        %mul3A_335 = arith.constant 4 : i32
        %mul3A_336 = arith.muli %mul3A_335, %scan3A_240 : i32
        %add3A_337 = arith.constant 3 : i32
        %add3A_338 = arith.addi %mul3A_336, %add3A_337 : i32
        %dma_wait3A_339 = arith.constant 0 : i32
        %dma_wait3A_340 = arith.constant 0 : i32
        %dma_wait3A_341 = tpu.memref_slice %arg3[%dma_wait3A_339, %dma_wait3A_340] : memref<50x4096xi32, #tpu.memory_space<hbm>> -> memref<1x4096xi32, #tpu.memory_space<hbm>>
        %dma_wait3A_342 = tpu.memref_squeeze %dma_wait3A_341 : memref<1x4096xi32, #tpu.memory_space<hbm>> -> memref<4096xi32, #tpu.memory_space<hbm>>
        %dma_wait3A_343 = arith.constant 0 : i32
        %dma_wait3A_344 = tpu.memref_slice %arg3[%dma_wait3A_339, %dma_wait3A_343] : memref<50x4096xi32, #tpu.memory_space<hbm>> -> memref<1x4096xi32, #tpu.memory_space<hbm>>
        %dma_wait3A_345 = tpu.memref_squeeze %dma_wait3A_344 : memref<1x4096xi32, #tpu.memory_space<hbm>> -> memref<4096xi32, #tpu.memory_space<hbm>>
        tpu.wait_dma2 semaphore(%arg18 : memref<!tpu.dma_semaphore, #tpu.memory_space<semaphore_mem>>) src(%dma_wait3A_345 : memref<4096xi32, #tpu.memory_space<hbm>>) dst(%arg12 : memref<4096xi32, #tpu.memory_space<vmem>>)
        %ge3A_346 = arith.constant 2 : i32
        %ge3A_347 = arith.cmpi sge, %add3A_338, %ge3A_346 : i32
        %convert_element_type3A_348 = arith.extui %ge3A_347 : i1 to i32
        %cond3A_349 = arith.constant 0 : i32
        %cond3A_350 = arith.cmpi ne, %convert_element_type3A_348, %cond3A_349 : i32
        scf.if %cond3A_350 {
          %dma_wait3A_368 = arith.constant 0 : i32
          %dma_wait3A_369 = arith.constant 0 : i32
          %dma_wait3A_370 = tpu.memref_slice %arg7[%dma_wait3A_368, %add3A_119, %dma_wait3A_369] : memref<50x32x4096xf32, #tpu.memory_space<hbm>> -> memref<1x1x4096xf32, #tpu.memory_space<hbm>>
          %dma_wait3A_371 = tpu.memref_squeeze %dma_wait3A_370 : memref<1x1x4096xf32, #tpu.memory_space<hbm>> -> memref<4096xf32, #tpu.memory_space<hbm>>
          %dma_wait3A_372 = arith.constant 0 : i32
          %dma_wait3A_373 = tpu.memref_slice %arg7[%dma_wait3A_368, %add3A_119, %dma_wait3A_372] : memref<50x32x4096xf32, #tpu.memory_space<hbm>> -> memref<1x1x4096xf32, #tpu.memory_space<hbm>>
          %dma_wait3A_374 = tpu.memref_squeeze %dma_wait3A_373 : memref<1x1x4096xf32, #tpu.memory_space<hbm>> -> memref<4096xf32, #tpu.memory_space<hbm>>
          tpu.wait_dma2 semaphore(%arg20 : memref<!tpu.dma_semaphore, #tpu.memory_space<semaphore_mem>>) src(%arg14 : memref<4096xf32, #tpu.memory_space<vmem>>) dst(%dma_wait3A_374 : memref<4096xf32, #tpu.memory_space<hbm>>)
        } else {
        }
        %parallel_loop3A_351 = arith.constant 0 : i32
        %parallel_loop3A_352 = arith.constant 4096 : i32
        %parallel_loop3A_353 = arith.constant 16 : i32
        scf.for %parallel_loop3A_368 = %parallel_loop3A_351 to %parallel_loop3A_352 step %parallel_loop3A_353  : i32 {
          %parallel_loop3A_369 = arith.index_cast %parallel_loop3A_368 : i32 to index
          %parallel_loop3A_370 = tpu.vector_load %arg12[%parallel_loop3A_369] {strides = array<i32>} : memref<4096xi32, #tpu.memory_space<vmem>>, vector<16xi32>,
          %parallel_loop3A_371 = tpu.vector_load_idx %arg8[%parallel_loop3A_370] : memref<100000xf32, #tpu.memory_space<vmem>>[vector<16xi32>], vector<16xf32>,
          %parallel_loop3A_372 = arith.index_cast %parallel_loop3A_368 : i32 to index
          %parallel_loop3A_373 = tpu.vector_load %arg14[%parallel_loop3A_372] {strides = array<i32>} : memref<4096xf32, #tpu.memory_space<vmem>>, vector<16xf32>,
          tpu.vector_store %arg14[%parallel_loop3A_372], %parallel_loop3A_371 {strides = array<i32>} : memref<4096xf32, #tpu.memory_space<vmem>>, vector<16xf32>,
        } {sc.loop_unroll_factor = 8 : i64, sc.parallel_access}
        %add3A_354 = arith.constant 4 : i32
        %add3A_355 = arith.addi %add3A_338, %add3A_354 : i32
        %lt3A_356 = arith.constant 50 : i32
        %lt3A_357 = arith.cmpi slt, %add3A_355, %lt3A_356 : i32
        %convert_element_type3A_358 = arith.extui %lt3A_357 : i1 to i32
        %cond3A_359 = arith.constant 0 : i32
        %cond3A_360 = arith.cmpi ne, %convert_element_type3A_358, %cond3A_359 : i32
        scf.if %cond3A_360 {
          %add3A_368 = arith.constant 4 : i32
          %add3A_369 = arith.addi %add3A_338, %add3A_368 : i32
          %dma_start3A_370 = arith.constant 0 : i32
          %dma_start3A_371 = tpu.memref_slice %arg3[%add3A_369, %dma_start3A_370] : memref<50x4096xi32, #tpu.memory_space<hbm>> -> memref<1x4096xi32, #tpu.memory_space<hbm>>
          %dma_start3A_372 = tpu.memref_squeeze %dma_start3A_371 : memref<1x4096xi32, #tpu.memory_space<hbm>> -> memref<4096xi32, #tpu.memory_space<hbm>>
          %dma_start3A_373 = arith.constant 0 : i32
          %dma_start3A_374 = tpu.memref_slice %arg3[%add3A_369, %dma_start3A_373] : memref<50x4096xi32, #tpu.memory_space<hbm>> -> memref<1x4096xi32, #tpu.memory_space<hbm>>
          %dma_start3A_375 = tpu.memref_squeeze %dma_start3A_374 : memref<1x4096xi32, #tpu.memory_space<hbm>> -> memref<4096xi32, #tpu.memory_space<hbm>>
          tpu.enqueue_dma source(%dma_start3A_375 : memref<4096xi32, #tpu.memory_space<hbm>>) target(%arg12 : memref<4096xi32, #tpu.memory_space<vmem>>) target_semaphore(%arg18 : memref<!tpu.dma_semaphore, #tpu.memory_space<semaphore_mem>>)
        } else {
        }
        %dma_start3A_361 = arith.constant 0 : i32
        %dma_start3A_362 = tpu.memref_slice %arg7[%add3A_338, %add3A_119, %dma_start3A_361] : memref<50x32x4096xf32, #tpu.memory_space<hbm>> -> memref<1x1x4096xf32, #tpu.memory_space<hbm>>
        %dma_start3A_363 = tpu.memref_squeeze %dma_start3A_362 : memref<1x1x4096xf32, #tpu.memory_space<hbm>> -> memref<4096xf32, #tpu.memory_space<hbm>>
        %dma_start3A_364 = arith.constant 0 : i32
        %dma_start3A_365 = tpu.memref_slice %arg7[%add3A_338, %add3A_119, %dma_start3A_364] : memref<50x32x4096xf32, #tpu.memory_space<hbm>> -> memref<1x1x4096xf32, #tpu.memory_space<hbm>>
        %dma_start3A_366 = tpu.memref_squeeze %dma_start3A_365 : memref<1x1x4096xf32, #tpu.memory_space<hbm>> -> memref<4096xf32, #tpu.memory_space<hbm>>
        tpu.enqueue_dma source(%arg14 : memref<4096xf32, #tpu.memory_space<vmem>>) target(%dma_start3A_366 : memref<4096xf32, #tpu.memory_space<hbm>>) target_semaphore(%arg20 : memref<!tpu.dma_semaphore, #tpu.memory_space<semaphore_mem>>)
        %scan3A_367 = arith.constant 0 : i32
        scf.yield %scan3A_367 : i32
      }
      %scan3A_177 = arith.constant 12 : i32
      %dma_wait3A_178 = arith.constant 0 : i32
      %dma_wait3A_179 = arith.constant 0 : i32
      %dma_wait3A_180 = tpu.memref_slice %arg3[%dma_wait3A_178, %dma_wait3A_179] : memref<50x4096xi32, #tpu.memory_space<hbm>> -> memref<1x4096xi32, #tpu.memory_space<hbm>>
      %dma_wait3A_181 = tpu.memref_squeeze %dma_wait3A_180 : memref<1x4096xi32, #tpu.memory_space<hbm>> -> memref<4096xi32, #tpu.memory_space<hbm>>
      %dma_wait3A_182 = arith.constant 0 : i32
      %dma_wait3A_183 = tpu.memref_slice %arg3[%dma_wait3A_178, %dma_wait3A_182] : memref<50x4096xi32, #tpu.memory_space<hbm>> -> memref<1x4096xi32, #tpu.memory_space<hbm>>
      %dma_wait3A_184 = tpu.memref_squeeze %dma_wait3A_183 : memref<1x4096xi32, #tpu.memory_space<hbm>> -> memref<4096xi32, #tpu.memory_space<hbm>>
      tpu.wait_dma2 semaphore(%arg15 : memref<!tpu.dma_semaphore, #tpu.memory_space<semaphore_mem>>) src(%dma_wait3A_184 : memref<4096xi32, #tpu.memory_space<hbm>>) dst(%arg9 : memref<4096xi32, #tpu.memory_space<vmem>>)
      %dma_wait3A_185 = arith.constant 0 : i32
      %dma_wait3A_186 = arith.constant 0 : i32
      %dma_wait3A_187 = tpu.memref_slice %arg7[%dma_wait3A_185, %add3A_119, %dma_wait3A_186] : memref<50x32x4096xf32, #tpu.memory_space<hbm>> -> memref<1x1x4096xf32, #tpu.memory_space<hbm>>
      %dma_wait3A_188 = tpu.memref_squeeze %dma_wait3A_187 : memref<1x1x4096xf32, #tpu.memory_space<hbm>> -> memref<4096xf32, #tpu.memory_space<hbm>>
      %dma_wait3A_189 = arith.constant 0 : i32
      %dma_wait3A_190 = tpu.memref_slice %arg7[%dma_wait3A_185, %add3A_119, %dma_wait3A_189] : memref<50x32x4096xf32, #tpu.memory_space<hbm>> -> memref<1x1x4096xf32, #tpu.memory_space<hbm>>
      %dma_wait3A_191 = tpu.memref_squeeze %dma_wait3A_190 : memref<1x1x4096xf32, #tpu.memory_space<hbm>> -> memref<4096xf32, #tpu.memory_space<hbm>>
      tpu.wait_dma2 semaphore(%arg19 : memref<!tpu.dma_semaphore, #tpu.memory_space<semaphore_mem>>) src(%arg13 : memref<4096xf32, #tpu.memory_space<vmem>>) dst(%dma_wait3A_191 : memref<4096xf32, #tpu.memory_space<hbm>>)
      %parallel_loop3A_192 = arith.constant 0 : i32
      %parallel_loop3A_193 = arith.constant 4096 : i32
      %parallel_loop3A_194 = arith.constant 16 : i32
      scf.for %parallel_loop3A_240 = %parallel_loop3A_192 to %parallel_loop3A_193 step %parallel_loop3A_194  : i32 {
        %parallel_loop3A_241 = arith.index_cast %parallel_loop3A_240 : i32 to index
        %parallel_loop3A_242 = tpu.vector_load %arg9[%parallel_loop3A_241] {strides = array<i32>} : memref<4096xi32, #tpu.memory_space<vmem>>, vector<16xi32>,
        %parallel_loop3A_243 = tpu.vector_load_idx %arg8[%parallel_loop3A_242] : memref<100000xf32, #tpu.memory_space<vmem>>[vector<16xi32>], vector<16xf32>,
        %parallel_loop3A_244 = arith.index_cast %parallel_loop3A_240 : i32 to index
        %parallel_loop3A_245 = tpu.vector_load %arg13[%parallel_loop3A_244] {strides = array<i32>} : memref<4096xf32, #tpu.memory_space<vmem>>, vector<16xf32>,
        tpu.vector_store %arg13[%parallel_loop3A_244], %parallel_loop3A_243 {strides = array<i32>} : memref<4096xf32, #tpu.memory_space<vmem>>, vector<16xf32>,
      } {sc.loop_unroll_factor = 8 : i64, sc.parallel_access}
      %dma_start3A_195 = arith.constant 48 : i32
      %dma_start3A_196 = arith.constant 0 : i32
      %dma_start3A_197 = tpu.memref_slice %arg7[%dma_start3A_195, %add3A_119, %dma_start3A_196] : memref<50x32x4096xf32, #tpu.memory_space<hbm>> -> memref<1x1x4096xf32, #tpu.memory_space<hbm>>
      %dma_start3A_198 = tpu.memref_squeeze %dma_start3A_197 : memref<1x1x4096xf32, #tpu.memory_space<hbm>> -> memref<4096xf32, #tpu.memory_space<hbm>>
      %dma_start3A_199 = arith.constant 0 : i32
      %dma_start3A_200 = tpu.memref_slice %arg7[%dma_start3A_195, %add3A_119, %dma_start3A_199] : memref<50x32x4096xf32, #tpu.memory_space<hbm>> -> memref<1x1x4096xf32, #tpu.memory_space<hbm>>
      %dma_start3A_201 = tpu.memref_squeeze %dma_start3A_200 : memref<1x1x4096xf32, #tpu.memory_space<hbm>> -> memref<4096xf32, #tpu.memory_space<hbm>>
      tpu.enqueue_dma source(%arg13 : memref<4096xf32, #tpu.memory_space<vmem>>) target(%dma_start3A_201 : memref<4096xf32, #tpu.memory_space<hbm>>) target_semaphore(%arg19 : memref<!tpu.dma_semaphore, #tpu.memory_space<semaphore_mem>>)
      %dma_wait3A_202 = arith.constant 0 : i32
      %dma_wait3A_203 = arith.constant 0 : i32
      %dma_wait3A_204 = tpu.memref_slice %arg3[%dma_wait3A_202, %dma_wait3A_203] : memref<50x4096xi32, #tpu.memory_space<hbm>> -> memref<1x4096xi32, #tpu.memory_space<hbm>>
      %dma_wait3A_205 = tpu.memref_squeeze %dma_wait3A_204 : memref<1x4096xi32, #tpu.memory_space<hbm>> -> memref<4096xi32, #tpu.memory_space<hbm>>
      %dma_wait3A_206 = arith.constant 0 : i32
      %dma_wait3A_207 = tpu.memref_slice %arg3[%dma_wait3A_202, %dma_wait3A_206] : memref<50x4096xi32, #tpu.memory_space<hbm>> -> memref<1x4096xi32, #tpu.memory_space<hbm>>
      %dma_wait3A_208 = tpu.memref_squeeze %dma_wait3A_207 : memref<1x4096xi32, #tpu.memory_space<hbm>> -> memref<4096xi32, #tpu.memory_space<hbm>>
      tpu.wait_dma2 semaphore(%arg16 : memref<!tpu.dma_semaphore, #tpu.memory_space<semaphore_mem>>) src(%dma_wait3A_208 : memref<4096xi32, #tpu.memory_space<hbm>>) dst(%arg10 : memref<4096xi32, #tpu.memory_space<vmem>>)
      %dma_wait3A_209 = arith.constant 0 : i32
      %dma_wait3A_210 = arith.constant 0 : i32
      %dma_wait3A_211 = tpu.memref_slice %arg7[%dma_wait3A_209, %add3A_119, %dma_wait3A_210] : memref<50x32x4096xf32, #tpu.memory_space<hbm>> -> memref<1x1x4096xf32, #tpu.memory_space<hbm>>
      %dma_wait3A_212 = tpu.memref_squeeze %dma_wait3A_211 : memref<1x1x4096xf32, #tpu.memory_space<hbm>> -> memref<4096xf32, #tpu.memory_space<hbm>>
      %dma_wait3A_213 = arith.constant 0 : i32
      %dma_wait3A_214 = tpu.memref_slice %arg7[%dma_wait3A_209, %add3A_119, %dma_wait3A_213] : memref<50x32x4096xf32, #tpu.memory_space<hbm>> -> memref<1x1x4096xf32, #tpu.memory_space<hbm>>
      %dma_wait3A_215 = tpu.memref_squeeze %dma_wait3A_214 : memref<1x1x4096xf32, #tpu.memory_space<hbm>> -> memref<4096xf32, #tpu.memory_space<hbm>>
      tpu.wait_dma2 semaphore(%arg20 : memref<!tpu.dma_semaphore, #tpu.memory_space<semaphore_mem>>) src(%arg14 : memref<4096xf32, #tpu.memory_space<vmem>>) dst(%dma_wait3A_215 : memref<4096xf32, #tpu.memory_space<hbm>>)
      %parallel_loop3A_216 = arith.constant 0 : i32
      %parallel_loop3A_217 = arith.constant 4096 : i32
      %parallel_loop3A_218 = arith.constant 16 : i32
      scf.for %parallel_loop3A_240 = %parallel_loop3A_216 to %parallel_loop3A_217 step %parallel_loop3A_218  : i32 {
        %parallel_loop3A_241 = arith.index_cast %parallel_loop3A_240 : i32 to index
        %parallel_loop3A_242 = tpu.vector_load %arg10[%parallel_loop3A_241] {strides = array<i32>} : memref<4096xi32, #tpu.memory_space<vmem>>, vector<16xi32>,
        %parallel_loop3A_243 = tpu.vector_load_idx %arg8[%parallel_loop3A_242] : memref<100000xf32, #tpu.memory_space<vmem>>[vector<16xi32>], vector<16xf32>,
        %parallel_loop3A_244 = arith.index_cast %parallel_loop3A_240 : i32 to index
        %parallel_loop3A_245 = tpu.vector_load %arg14[%parallel_loop3A_244] {strides = array<i32>} : memref<4096xf32, #tpu.memory_space<vmem>>, vector<16xf32>,
        tpu.vector_store %arg14[%parallel_loop3A_244], %parallel_loop3A_243 {strides = array<i32>} : memref<4096xf32, #tpu.memory_space<vmem>>, vector<16xf32>,
      } {sc.loop_unroll_factor = 8 : i64, sc.parallel_access}
      %dma_start3A_219 = arith.constant 49 : i32
      %dma_start3A_220 = arith.constant 0 : i32
      %dma_start3A_221 = tpu.memref_slice %arg7[%dma_start3A_219, %add3A_119, %dma_start3A_220] : memref<50x32x4096xf32, #tpu.memory_space<hbm>> -> memref<1x1x4096xf32, #tpu.memory_space<hbm>>
      %dma_start3A_222 = tpu.memref_squeeze %dma_start3A_221 : memref<1x1x4096xf32, #tpu.memory_space<hbm>> -> memref<4096xf32, #tpu.memory_space<hbm>>
      %dma_start3A_223 = arith.constant 0 : i32
      %dma_start3A_224 = tpu.memref_slice %arg7[%dma_start3A_219, %add3A_119, %dma_start3A_223] : memref<50x32x4096xf32, #tpu.memory_space<hbm>> -> memref<1x1x4096xf32, #tpu.memory_space<hbm>>
      %dma_start3A_225 = tpu.memref_squeeze %dma_start3A_224 : memref<1x1x4096xf32, #tpu.memory_space<hbm>> -> memref<4096xf32, #tpu.memory_space<hbm>>
      tpu.enqueue_dma source(%arg14 : memref<4096xf32, #tpu.memory_space<vmem>>) target(%dma_start3A_225 : memref<4096xf32, #tpu.memory_space<hbm>>) target_semaphore(%arg20 : memref<!tpu.dma_semaphore, #tpu.memory_space<semaphore_mem>>)
      %dma_wait3A_226 = arith.constant 0 : i32
      %dma_wait3A_227 = arith.constant 0 : i32
      %dma_wait3A_228 = tpu.memref_slice %arg7[%dma_wait3A_226, %add3A_119, %dma_wait3A_227] : memref<50x32x4096xf32, #tpu.memory_space<hbm>> -> memref<1x1x4096xf32, #tpu.memory_space<hbm>>
      %dma_wait3A_229 = tpu.memref_squeeze %dma_wait3A_228 : memref<1x1x4096xf32, #tpu.memory_space<hbm>> -> memref<4096xf32, #tpu.memory_space<hbm>>
      %dma_wait3A_230 = arith.constant 0 : i32
      %dma_wait3A_231 = tpu.memref_slice %arg7[%dma_wait3A_226, %add3A_119, %dma_wait3A_230] : memref<50x32x4096xf32, #tpu.memory_space<hbm>> -> memref<1x1x4096xf32, #tpu.memory_space<hbm>>
      %dma_wait3A_232 = tpu.memref_squeeze %dma_wait3A_231 : memref<1x1x4096xf32, #tpu.memory_space<hbm>> -> memref<4096xf32, #tpu.memory_space<hbm>>
      tpu.wait_dma2 semaphore(%arg19 : memref<!tpu.dma_semaphore, #tpu.memory_space<semaphore_mem>>) src(%arg13 : memref<4096xf32, #tpu.memory_space<vmem>>) dst(%dma_wait3A_232 : memref<4096xf32, #tpu.memory_space<hbm>>)
      %dma_wait3A_233 = arith.constant 0 : i32
      %dma_wait3A_234 = arith.constant 0 : i32
      %dma_wait3A_235 = tpu.memref_slice %arg7[%dma_wait3A_233, %add3A_119, %dma_wait3A_234] : memref<50x32x4096xf32, #tpu.memory_space<hbm>> -> memref<1x1x4096xf32, #tpu.memory_space<hbm>>
      %dma_wait3A_236 = tpu.memref_squeeze %dma_wait3A_235 : memref<1x1x4096xf32, #tpu.memory_space<hbm>> -> memref<4096xf32, #tpu.memory_space<hbm>>
      %dma_wait3A_237 = arith.constant 0 : i32
      %dma_wait3A_238 = tpu.memref_slice %arg7[%dma_wait3A_233, %add3A_119, %dma_wait3A_237] : memref<50x32x4096xf32, #tpu.memory_space<hbm>> -> memref<1x1x4096xf32, #tpu.memory_space<hbm>>
      %dma_wait3A_239 = tpu.memref_squeeze %dma_wait3A_238 : memref<1x1x4096xf32, #tpu.memory_space<hbm>> -> memref<4096xf32, #tpu.memory_space<hbm>>
      tpu.wait_dma2 semaphore(%arg20 : memref<!tpu.dma_semaphore, #tpu.memory_space<semaphore_mem>>) src(%arg14 : memref<4096xf32, #tpu.memory_space<vmem>>) dst(%dma_wait3A_239 : memref<4096xf32, #tpu.memory_space<hbm>>)
    } else {
    }
    return
  }
}

</mosaic_0001>

<sc_bundles>
// kernel: kernel.3.cloned.1.call-start
scs
__scs_entry_jumppad:
0x0: {  	(pc) =	sbr.rel $0x88, $3  }
0x1: {  	(tag) =	ssettag $0x0;
	lr =	simm.s32 $0x1  }
0x2: {  	[smem:$0x3F9D] =	sst lr;
	_ =	strace $0xD0000000  }
0x3: {  	_ = 	snop  }
0x4: {  	_ = 	snop  }
0x5: {  	_ = 	snop  }
0x6: {  	_ = 	snop  }
0x7: {  	_ = 	snop  }
__scs_overlays_trampoline_lowered:
0x8: {  	[smem:$0x3FAC] =	sst s0  }
0x9: {  	[smem:$0x3FAD] =	sst s1  }
0xa: {  	[smem:$0x3FAE] =	sst s2  }
0xb: {  	[smem:$0x3FAF] =	sst s3  }
0xc: {  	[smem:$0x3FB0] =	sst s4  }
0xd: {  	[smem:$0x3FB1] =	sst s5  }
0xe: {  	[smem:$0x3FB2] =	sst s6  }
0xf: {  	[smem:$0x3FB3] =	sst s7  }
0x10: {  	[smem:$0x3FB4] =	sst s8  }
0x11: {  	[smem:$0x3FB5] =	sst s9;
	s0 =	simm.s32 @!p0 $0x0  }
0x12: {  	s1 =	sld [smem:$0x3F9B];
	s0 =	simm.s32 @p0 $0x1  }
0x13: {  	[smem:$0x3FB6] =	sst s0;
	s0 =	simm.s32 @!p1 $0x0  }
0x14: {  	s2 =	sld [smem:$0x3F9A];
	s0 =	simm.s32 @p1 $0x1  }
0x15: {  	[smem:$0x3FB7] =	sst s0;
	s0 =	simm.s32 @!p2 $0x0  }
0x16: {  	s3 =	sld [smem:$0x3FDB];
	s0 =	simm.s32 @p2 $0x1  }
0x17: {  	s4 =	simm.s32 $0x1BF5;
	[smem:$0x3FB9] =	sst s0  }
0x18: {  	s0 =	sld [smem:$0x3F9C];
	_ =	swait.ge [sflag:s4], $0x0  }
0x19: {  	s7 =	sld [smem:$0x3F9D]  }
0x1a: {  	s8 =	sadd.s32 $0xFFFFE003, lr  }
0x1b: {  	s9 =	sadd.s32 $0xFFFFFEF7, lr;
	s5 =	simm.s32 $0xFFFFFFFF;
	p2 =	slt.u32 s8, $0xFFFFF086  }
0x1c: {  	p1 =	slt.u32 s9, $0xF7A;
	s5 =	simm.s32 @!p2 $0x0  }
0x1d: {  	s5 =	simm.s32 @p1 $0x1;
	p0 =	seq.s32 s7, s2  }
0x1e: {  	s7 =	smul.u32 @!p0 $0xF7A, s2;
	p2 =	seq.s32 @!p0 s5, $0x0  }
0x1f: {  	s9 =	smul.u32 $0xF7A, s1;
	s8 =	simm.s32 @!p0 $0x1BF5;
	p2 =	por !p2, p0  }
0x20: {  	[sflag:s8] =	ssyncset.s32 @!p0 $0xFFFFF086;
	s6 =	sadd.s32 @!p0 s3, s7;
	s7 =	simm.s32 @!p0 $0x108  }
0x21: {  	s3 =	sadd.s32 s3, s9;
	s6 =	sadd.s32 @!p0 $0x88, s6;
	s7 =	simm.s32 @p2 $0x1082  }
0x22: {  	[simem:s7], [sflag:s8] =	dma.local @!p0 [hbm:s6], $0xF7A  }
0x23: {  	s9 =	sor.u32 $0xD0000000, s2;
	s6 =	simm.s32 $0x108;
	_ =	swait.ge @!p0 [sflag:s8], $0x0  }
0x24: {  	s3 =	sadd.s32 $0x88, s3;
	s6 =	simm.s32 @!p1 $0x1082;
	[sflag:s4] =	ssyncset.s32 $0xFFFFF086  }
0x25: {  	[simem:s6], [sflag:s4] =	dma.local [hbm:s3], $0xF7A  }
0x26: {  	[smem:$0x3F9D] =	sst s1;
	(tag) =	ssettag s2;
	_ =	strace s9  }
0x27: {  	s1 =	sld [smem:$0x3FAD]  }
0x28: {  	s2 =	sld [smem:$0x3FAE]  }
0x29: {  	s4 =	sld [smem:$0x3FB0]  }
0x2a: {  	p0 =	seq.s32 s5, $0x0;
	s5 =	sld [smem:$0x3FB1]  }
0x2b: {  	s6 =	sld [smem:$0x3FB2]  }
0x2c: {  	s7 =	sld [smem:$0x3FB3]  }
0x2d: {  	s3 =	simm.s32 $0x108;
	s8 =	sld [smem:$0x3FB4]  }
0x2e: {  	s3 =	simm.s32 @!p0 $0x1082;
	s9 =	sld [smem:$0x3FB5]  }
0x2f: {  	lr =	sadd.s32 s0, s3;
	s0 =	sld [smem:$0x3FAC]  }
0x30: {  	s3 =	sld [smem:$0x3FAF]  }
0x31: {  	[smem:$0x3FB8] =	sst s10  }
0x32: {  	s10 =	sld [smem:$0x3FB6];
	_ =	sdelay $0x3  }
0x33: {  	p0 =	seq.s32 s10, $0x1;
	s10 =	sld [smem:$0x3FB8];
	_ =	sdelay $0x3  }
0x34: {  	[smem:$0x3FB8] =	sst s10  }
0x35: {  	s10 =	sld [smem:$0x3FB7];
	_ =	sdelay $0x3  }
0x36: {  	p1 =	seq.s32 s10, $0x1;
	s10 =	sld [smem:$0x3FB8];
	_ =	sdelay $0x3  }
0x37: {  	[smem:$0x3FB8] =	sst s10  }
0x38: {  	s10 =	sld [smem:$0x3FB9]  }
0x39: {  	_ = 	snop;
	(pc) =	sbr.ind lr, $3  }
0x3a: {  	_ = 	snop  }
0x3b: {  	_ = 	snop  }
0x3c: {  	p2 =	seq.s32 s10, $0x1;
	s10 =	sld [smem:$0x3FB8]  }
0x3d: {  	_ =	shalt  }
0x3e: {  	_ =	shalt  }
0x3f: {  	_ =	shalt  }
0x40: {  	_ =	shalt  }
0x41: {  	_ =	shalt  }
0x42: {  	_ =	shalt  }
0x43: {  	_ =	shalt  }
0x44: {  	_ =	shalt  }
0x45: {  	_ =	shalt  }
0x46: {  	_ =	shalt  }
0x47: {  	_ =	shalt  }
0x48: {  	_ =	shalt  }
0x49: {  	_ =	shalt  }
0x4a: {  	_ =	shalt  }
0x4b: {  	_ =	shalt  }
0x4c: {  	_ =	shalt  }
0x4d: {  	_ =	shalt  }
0x4e: {  	_ =	shalt  }
0x4f: {  	_ =	shalt  }
0x50: {  	_ =	shalt  }
0x51: {  	_ =	shalt  }
0x52: {  	_ =	shalt  }
0x53: {  	_ =	shalt  }
0x54: {  	_ =	shalt  }
0x55: {  	_ =	shalt  }
0x56: {  	_ =	shalt  }
0x57: {  	_ =	shalt  }
0x58: {  	_ =	shalt  }
0x59: {  	_ =	shalt  }
0x5a: {  	_ =	shalt  }
0x5b: {  	_ =	shalt  }
0x5c: {  	_ =	shalt  }
0x5d: {  	_ =	shalt  }
0x5e: {  	_ =	shalt  }
0x5f: {  	_ =	shalt  }
0x60: {  	_ =	shalt  }
0x61: {  	_ =	shalt  }
0x62: {  	_ =	shalt  }
0x63: {  	_ =	shalt  }
0x64: {  	_ =	shalt  }
0x65: {  	_ =	shalt  }
0x66: {  	_ =	shalt  }
0x67: {  	_ =	shalt  }
0x68: {  	_ =	shalt  }
0x69: {  	_ =	shalt  }
0x6a: {  	_ =	shalt  }
0x6b: {  	_ =	shalt  }
0x6c: {  	_ =	shalt  }
0x6d: {  	_ =	shalt  }
0x6e: {  	_ =	shalt  }
0x6f: {  	_ =	shalt  }
0x70: {  	_ =	shalt  }
0x71: {  	_ =	shalt  }
0x72: {  	_ =	shalt  }
0x73: {  	_ =	shalt  }
0x74: {  	_ =	shalt  }
0x75: {  	_ =	shalt  }
0x76: {  	_ =	shalt  }
0x77: {  	_ =	shalt  }
0x78: {  	_ =	shalt  }
0x79: {  	_ =	shalt  }
0x7a: {  	_ =	shalt  }
0x7b: {  	_ =	shalt  }
0x7c: {  	_ =	shalt  }
0x7d: {  	_ =	shalt  }
0x7e: {  	_ =	shalt  }
0x7f: {  	_ =	shalt  }
0x80: {  	_ =	shalt  }
0x81: {  	_ =	shalt  }
0x82: {  	_ =	shalt  }
0x83: {  	_ =	shalt  }
0x84: {  	_ =	shalt  }
0x85: {  	_ =	shalt  }
0x86: {  	_ =	shalt  }
0x87: {  	_ =	shalt  }
.Lfunc_end0:
.L_simem_size_0:
called_computation_lowered:
.L_overlay_start_0:
0x88: {  	s2 =	sld [smem:$0x3FD9]  }
0x89: {  	s3 =	sld [smem:$0x3FFE];
	_ =	sdelay $0x1  }
0x8a: {  	s1 =	srdreg.scid  }
0x8b: {  	s0 =	sand.u32 $0x1, s1  }
0x8c: {  	s15 =	sshll.u32 s0, $0xA;
	s2 =	sadd.s32 s3, s2  }
0x8d: {  	s2 =	sadd.s32 s2, s15  }
0x8e: {  	[smem:$0x3FC4] =	sst s2  }
0x8f: {  	_ = 	snop  }
0x90: {  	s2 =	sld [smem:$0x3FC9]  }
0x91: {  	s16 =	sld [smem:$0x3FD0]  }
0x92: {  	s4 =	sld [smem:$0x3FC8]  }
0x93: {  	s5 =	sld [smem:$0x3FC7]  }
0x94: {  	s7 =	simm.s32 $0xA;
	s8 =	simm.s32 $0x10;
	s6 =	sld [smem:$0x3FC6]  }
0x95: {  	[smem:s8], [sflag:s7] =	dma.local [hbm:s16], $0x1  }
0x96: {  	_ =	swait.eq [sflag:s7], $0x1  }
0x97: {  	[sflag:s7] =	ssyncset.done $0x0  }
0x98: {  	s17 =	sld [smem:$0x10];
	[sflag:s7] =	ssyncadd.s32 $0xFFFFFFFF  }
0x99: {  	s18 =	sld [smem:$0x11];
	(tm) =	ssettm $0x1  }
0x9a: {  	s19 =	sld [smem:$0x3FFB];
	_ =	sdelay $0x3  }
0x9b: {  	_ =	strace s19  }
0x9c: {  	s8 =	sld [smem:$0x3FFC];
	_ =	sdelay $0x3  }
0x9d: {  	_ =	strace s8  }
0x9e: {  	s8 =	sld [smem:$0x3FFD];
	_ =	sdelay $0x3  }
0x9f: {  	_ =	strace s8  }
0xa0: {  	_ =	strace $0x8FFFFFFF  }
0xa1: {  	s20 =	sld [smem:$0x3FDB];
	_ =	sdelay $0x1  }
0xa2: {  	s9 =	simm.s32 $_scs_section_size  }
0xa3: {  	s10 =	simm.s32 $_size__tile_overlayer_lowered;
	s11 =	simm.s32 $_tile_overlayer_lowered  }
0xa4: {  	s23 =	simm.s32 $0x1BFF;
	s22 =	sshll.u32 s11, $0x1;
	s8 =	sadd.s32 s9, s20  }
0xa5: {  	s12 =	simm.s32 $0x0;
	s21 =	sshll.u32 s10, $0x1;
	s10 =	sadd.s32 s22, s8  }
0xa6: {  	[timem:s12], [sflag:s23] =	dma.local [hbm:s10], s21  }
0xa7: {  	_ =	swait.ge [sflag:s23], s21  }
0xa8: {  	s9 =	ssub.s32 $0x0, s21;
	[sflag:s23] =	ssyncset.done $0x0  }
0xa9: {  	[sflag:s23] =	ssyncadd.s32 s9;
	_ =	sdelay $0x1  }
0xaa: {  	s24 =	simm.s32 $0x1B8B  }
0xab: {  	_ =	swait.ge [sflag:s24], $0x1  }
0xac: {  	[sflag:s24] =	ssyncset.done $0x0  }
0xad: {  	s25 =	simm.s32 $0x1B8E;
	[sflag:s24] =	ssyncadd.s32 $0xFFFFFFFF  }
0xae: {  	s26 =	simm.s32 $execute0_lowered;
	[smem:$0x3FD2] =	sst s25  }
0xaf: {  	s9 =	sshll.u32 s26, $0x1;
	_ =	strace $0x80000046;
	[dreg:$0x1] =	wrdreg $0xFFFFFFFF  }
0xb0: {  	s28 =	simm.s32 $_size_execute0_lowered;
	s8 =	sadd.s32 s8, s9;
	[dreg:$0x0] =	wrdreg $0x0  }
0xb1: {  	s9 =	sshll.u32 s28, $0x1;
	[dreg:$0x2] =	wrdreg s8  }
0xb2: {  	[dreg:$0x3] =	wrdreg s9  }
0xb3: {  	[dreg:$0x4] =	wrdreg $0xC0  }
0xb4: {  	_ =	task [dreg:s12], $0x5FFFF  }
0xb5: {  	[dreg:$0x1] =	wrdreg $0xFFFFFFFF  }
0xb6: {  	[dreg:$0x0] =	wrdreg $0x60  }
0xb7: {  	[dreg:$0x2] =	wrdreg s2  }
0xb8: {  	[dreg:$0x3] =	wrdreg s4  }
0xb9: {  	[dreg:$0x4] =	wrdreg s5  }
0xba: {  	[dreg:$0x5] =	wrdreg s6  }
0xbb: {  	[dreg:$0x6] =	wrdreg s17  }
0xbc: {  	[dreg:$0x7] =	wrdreg s18  }
0xbd: {  	[dreg:$0x8] =	wrdreg $0x9  }
0xbe: {  	_ =	task.clear_ibuf [dreg:s12], $0x9FFFF;
	_ =	strace $0x90000046  }
0xbf: {  	s29 =	simm.s32 $0x9;
	_ =	strace $0x80000048  }
0xc0: {  	_ =	swait.ge [sflag:s29], $0x1  }
0xc1: {  	[sflag:s29] =	ssyncadd.s32 $0xFFFFFFFF  }
0xc2: {  	_ =	strace $0x90000048  }
0xc3: {  	_ =	sfence  }
0xc4: {  	s30 =	sld [smem:$0x0];
	_ =	sdelay $0x2  }
0xc5: {  	s31 =	sshll.u32 s1, $0xD;
	s1 =	sshrl.u32 s1, $0x2  }
0xc6: {  	s3 =	sand.u32 $0x4000, s31;
	s1 =	sadd.s32 s1, s30  }
0xc7: {  	s0 =	sor.u32 s3, s0;
	s1 =	sshll.u32 s1, $0x11  }
0xc8: {  	s0 =	sor.u32 s1, s0  }
0xc9: {  	s0 =	sadd.s32 $0x8F2B, s0  }
0xca: {  	[sflag:s0] =	ssyncadd.remote.s32 $0x1  }
0xcb: {  	_ =	sfence.sel $0xFFFF  }
0xcc: {  	[dreg:$0x0] =	wrdreg $0xFFFFFFFF;
	(pc) =	sbr.abs _section_cstart, $3  }
0xcd: {  	[dreg:$0x1] =	wrdreg $0xFFFFFFFF  }
0xce: {  	_ =	task.clear_ibuf [dreg:s12], $0x2FFFF;
	_ =	strace $0x9FFFFFFF  }
0xcf: {  	(tm) =	ssettm $0x7FFFFFFF  }
tec
execute0_lowered:
.L_overlay_start_1:
0x0: {  	(tag) =	ssettag $0x1  }
0x1: {  	s0 =	rddreg [dreg:$0x0]  }
0x2: {  	s2 =	rddreg [dreg:$0x1]  }
0x3: {  	s1 =	rddreg [dreg:$0x2]  }
0x4: {  	s3 =	rddreg [dreg:$0x3]  }
0x5: {  	s4 =	rddreg [dreg:$0x4]  }
0x6: {  	s9 =	stileid.u32;
	s6 =	srdreg.scid  }
0x7: {  	s5 =	rddreg [dreg:$0x5];
	s7 =	sshrl.u32 s9, $0x3;
	s8 =	sand.u32 $0x1, s6  }
0x8: {  	s9 =	sshll.u32 s9, $0x7;
	s6 =	simm.s32 $0x0;
	s24 =	sadd.s32 $0x10, s0  }
0x9: {  	s25 =	sadd.s32 $0x20, s0;
	s30 =	sadd.s32 $0x30, s0;
	s15 =	sadd.s32 $0xC0000, s4  }
0xa: {  	s20 =	sadd.s32 $0xC0000, s5;
	s21 =	sadd.s32 $0xC4000, s5;
	s28 =	sadd.s32 $0x8000, s4  }
0xb: {  	s29 =	sadd.s32 $0xC000, s4;
	s10 =	smul.u32 $0xC3800, s7;
	s11 =	ssub.s32 $0x2, s8  }
0xc: {  	s9 =	sand.u32 $0x380, s9;
	[smem:$0x7FF] =	sst s6;
	p0 =	seq.s32 s8, $0x1  }
0xd: {  	s26 =	sshll.u32 s7, $0xF;
	_ =	strace $0x80000047;
	[dreg:$0x8] =	wrdreg s24  }
0xe: {  	s7 =	sor.u32 $0x2, s7;
	s12 =	sshrl.u32 s11, $0x1;
	[dreg:$0x9] =	wrdreg s25  }
0xf: {  	[dreg:$0xa] =	wrdreg s30;
	s31 =	smul.u32 $0xC3800, s7;
	s7 =	sshll.u32 s7, $0xF  }
0x10: {  	[dreg:$0x12] =	wrdreg s21;
	s25 =	sadd.s32 $0x4000, s4;
	s30 =	sadd.s32 $0x20, s2  }
0x11: {  	s10 =	sor.u32 s9, s10;
	s12 =	ssub.s32 s11, s12;
	[dreg:$0x18] =	wrdreg s25  }
0x12: {  	s11 =	sor.u32 s9, s26;
	s26 =	sadd.s32 $0x10, s2;
	[dreg:$0x1a] =	wrdreg s30  }
0x13: {  	s10 =	sshrl.u32 s10, $0x3;
	s14 =	sshrl.u32 s11, $0x3;
	s8 =	sor.u32 s9, s31  }
0x14: {  	s24 =	smax.u32 s12, $0x1;
	[dreg:$0x19] =	wrdreg s26;
	s31 =	sadd.s32 $0x30, s2  }
0x15: {  	s12 =	sadd.s32 $0xC000, s5;
	s23 =	sadd.s32 s1, s10;
	[dreg:$0x17] =	wrdreg s24  }
0x16: {  	s13 =	sadd.s32 s14, s15;
	s16 =	sshrl.u32 s8, $0x3;
	[dreg:$0x1b] =	wrdreg s31  }
0x17: {  	s19 =	sadd.s32 s3, s10;
	s22 =	sadd.s32 s14, s20;
	[dreg:$0x7] =	wrdreg s23  }
0x18: {  	s24 =	simm.s32 $0x1;
	s8 =	simm.s32 $0x1D700;
	[dreg:$0xb] =	wrdreg s13  }
0x19: {  	s10 =	simm.s32 $0x4;
	s13 =	sor.u32 s9, s7;
	[dreg:$0x11] =	wrdreg s19  }
0x1a: {  	s7 =	sadd.s32 $0xC4000, s4;
	s1 =	sadd.s32 s1, s16;
	[dreg:$0x14] =	wrdreg s22  }
0x1b: {  	s3 =	sadd.s32 s3, s16;
	s23 =	sadd.s32 s14, s21;
	[dreg:$0xc] =	wrdreg s7  }
0x1c: {  	s16 =	simm.s32 $0x80;
	s19 =	simm.s32 $0x19700;
	[dreg:$0xf] =	wrdreg s1  }
0x1d: {  	s21 =	simm.s32 $0x5;
	s22 =	simm.s32 $0x6;
	[dreg:$0x13] =	wrdreg s3  }
0x1e: {  	s17 =	sshrl.u32 s13, $0x3;
	s9 =	sadd.s32 s14, s7;
	[dreg:$0x15] =	wrdreg s23  }
.Ltmp0:
0x1f: {  	s3 =	sadd.s32 $0x4000, s5;
	s7 =	sadd.s32 $0x8000, s5;
	(pc) =	sbr.rel .LBB2_1-.Ltmp0, $4  }
0x20: {  	s14 =	simm.s32 $0x1C700;
	s23 =	simm.s32 $0x0;
	[dreg:$0xe] =	wrdreg s9  }
0x21: {  	s18 =	sadd.s32 s17, s15;
	[dreg:$0xd] =	wrdreg s17;
	s1 =	sadd.s32 s17, s20  }
0x22: {  	s17 =	simm.s32 $0x400;
	s20 =	simm.s32 $0x2;
	[dreg:$0x10] =	wrdreg s18  }
0x23: {  	v0 =	vlaneseq.u32;
	s9 =	simm.s32 $0x3;
	[dreg:$0x16] =	wrdreg s1;
	s18 =	simm.s32 $0x18700  }
.LBB2_60:
0x24: {  	s15 =	rddreg [dreg:$0xd]  }
0x25: {  	s1 =	sadd.s32 s15, s1  }
0x26: {  	[hbm4b:s1+s16] =	stream.strided.scatter [tilespmem:s8], [sflag:$0x6], $0x1000, s17, s16, $0x38;
	[tilespmem:$0x1E700] =	vst v63  }
0x27: {  	_ =	swait.ge [sflag:s21], $0x1000  }
0x28: {  	[sflag:s21] =	ssyncset.done $0x0  }
0x29: {  	[sflag:s21] =	ssyncadd.s32 $0xFFFFF000  }
0x2a: {  	_ =	swait.ge [sflag:s22], $0x1000  }
0x2b: {  	s23 =	sadd.s32 $0x1, s23;
	s31 =	rddreg [dreg:$0x17]  }
0x2c: {  	p1 =	sne.s32 s23, s31  }
.Ltmp1:
0x2d: {  	_ = 	snop;
	(pc) =	sbr.rel @!p1 .LBB2_61-.Ltmp1, $3  }
0x2e: {  	_ =	sdelay $0x1  }
0x2f: {  	[sflag:s22] =	ssyncset.done $0x0  }
0x30: {  	[sflag:s22] =	ssyncadd.s32 $0xFFFFF000  }
.LBB2_1:
.Ltmp2:
0x31: {  	(pc) =	sbr.rel @!p0 .LBB2_2-.Ltmp2, $2  }
0x32: {  	_ =	sdelay $0x2  }
0x33: {  	[dreg:$0x1c] =	wrdreg s23;
	s30 =	simm.s32 $0x0  }
0x34: {  	s1 =	rddreg [dreg:$0x11]  }
0x35: {  	[tilespmem:s30], [sflag:$0x7] =	stream.strided.gather [hbm4b:s1+s16], $0x18700, s17, s16, $0x38;
	[tilespmem:$0x1E700] =	vst v63  }
0x36: {  	_ = 	snop  }
0x37: {  	[tilespmem:s18], [sflag:$0x1] =	stream.strided.gather [hbm4b:s2+s16], $0x1000, s17, s16, $0x38;
	[tilespmem:$0x1E700] =	vst v63  }
0x38: {  	s15 =	rddreg [dreg:$0x19]  }
0x39: {  	[tilespmem:s19], [sflag:$0x2] =	stream.strided.gather [hbm4b:s15+s16], $0x1000, s17, s16, $0x38;
	[tilespmem:$0x1E700] =	vst v63  }
0x3a: {  	s23 =	rddreg [dreg:$0x1a];
	s15 =	simm.s32 $0x1A700  }
0x3b: {  	[tilespmem:s15], [sflag:$0x3] =	stream.strided.gather [hbm4b:s23+s16], $0x1000, s17, s16, $0x38;
	[tilespmem:$0x1E700] =	vst v63  }
0x3c: {  	s25 =	rddreg [dreg:$0x1b];
	s26 =	simm.s32 $0x1B700;
	s31 =	simm.s32 $0x7  }
0x3d: {  	[tilespmem:s26], [sflag:$0x4] =	stream.strided.gather [hbm4b:s25+s16], $0x1000, s17, s16, $0x38;
	[tilespmem:$0x1E700] =	vst v63  }
0x3e: {  	_ =	swait.ge [sflag:s31], $0x18700  }
0x3f: {  	[sflag:s31] =	ssyncset.done $0x0  }
0x40: {  	[sflag:s31] =	ssyncadd.s32 $0xFFFE7900  }
0x41: {  	v1 =	vld [tilespmem:$0x0];
	_ =	sdelay $0x3  }
0x42: {  	vm0 =	veq.s32 v0, $0x0  }
0x43: {  	v1 =	vsel vm0, $0x0, v1  }
0x44: {  	[tilespmem:$0x0] =	vst v1  }
.LBB2_32:
0x45: {  	_ =	swait.ge [sflag:s24], $0x1000  }
0x46: {  	p1 =	seq.s32 s30, $0x0;
	[sflag:s24] =	ssyncset.done $0x0  }
0x47: {  	s1 =	simm.s32 @!p1 $0x5;
	[sflag:s24] =	ssyncadd.s32 $0xFFFFF000  }
0x48: {  	_ =	swait.ge @!p1 [sflag:s1], $0x1000  }
0x49: {  	[sflag:s1] =	ssyncset.done @!p1 $0x0  }
0x4a: {  	s26 =	simm.s32 $0x18740;
	[sflag:s1] =	ssyncadd.s32 @!p1 $0xFFFFF000  }
0x4b: {  	v1 =	vld [tilespmem:s26+$0x30]  }
0x4c: {  	v2 =	vld [tilespmem:s26+$0xFFFFFFD0]  }
0x4d: {  	v3 =	vld [tilespmem:s26+$0xFFFFFFE0]  }
0x4e: {  	v4 =	vld [tilespmem:s26+$0xFFFFFFF0]  }
0x4f: {  	v7 =	vld [tilespmem:s26+$0x0]  }
0x50: {  	v8 =	vld [tilespmem:s26+$0x10]  }
0x51: {  	v9 =	vld [tilespmem:s26+$0x20]  }
0x52: {  	v10 =	vld [tilespmem:s26+$0xFFFFFFC0]  }
0x53: {  	v11 =	vld.idx.msk [tilespmem:v1+s6+$0x0], $0xffff  }
0x54: {  	v12 =	vld.idx.msk [tilespmem:v2+s6+$0x0], $0xffff  }
0x55: {  	v6 =	vld.idx.msk [tilespmem:v3+s6+$0x0], $0xffff  }
0x56: {  	v5 =	vld.idx.msk [tilespmem:v4+s6+$0x0], $0xffff  }
0x57: {  	v4 =	vld.idx.msk [tilespmem:v7+s6+$0x0], $0xffff  }
0x58: {  	s1 =	simm.s32 $0x1C740;
	v3 =	vld.idx.msk [tilespmem:v8+s6+$0x0], $0xffff  }
0x59: {  	v1 =	vld.idx.msk [tilespmem:v9+s6+$0x0], $0xffff;
	[tilespmem:s1+$0x30] =	vst v11  }
0x5a: {  	s31 =	sshll.u32 s30, $0x2;
	s15 =	simm.s32 $0x0;
	s23 =	simm.s32 $0x187C0;
	v2 =	vld.idx.msk [tilespmem:v10+s6+$0x0], $0xffff;
	[tilespmem:s1+$0xFFFFFFD0] =	vst v12  }
.LBB2_33:
0x5b: {  	v7 =	vld [tilespmem:s23+$0x30];
	s15 =	sadd.s32 $0x80, s15;
	[tilespmem:s1+$0xFFFFFFE0] =	vst v6  }
0x5c: {  	v6 =	vld [tilespmem:s23+$0xFFFFFFD0];
	p2 =	slt.u32 s15, $0xF80;
	[tilespmem:s1+$0xFFFFFFF0] =	vst v5  }
0x5d: {  	v5 =	vld [tilespmem:s23+$0xFFFFFFE0];
	[tilespmem:s1+$0x0] =	vst v4  }
0x5e: {  	v4 =	vld [tilespmem:s23+$0xFFFFFFF0];
	[tilespmem:s1+$0x10] =	vst v3  }
0x5f: {  	v3 =	vld [tilespmem:s23+$0x0];
	[tilespmem:s1+$0x20] =	vst v1  }
0x60: {  	v1 =	vld [tilespmem:s23+$0x10];
	[tilespmem:s1+$0xFFFFFFC0] =	vst v2  }
0x61: {  	v2 =	vld [tilespmem:s23+$0x20]  }
0x62: {  	v8 =	vld [tilespmem:s23+$0xFFFFFFC0]  }
0x63: {  	v7 =	vld.idx.msk [tilespmem:v7+s6+$0x0], $0xffff  }
0x64: {  	v9 =	vld.idx.msk [tilespmem:v6+s6+$0x0], $0xffff  }
0x65: {  	v6 =	vld.idx.msk [tilespmem:v5+s6+$0x0], $0xffff  }
.Ltmp3:
0x66: {  	v5 =	vld.idx.msk [tilespmem:v4+s6+$0x0], $0xffff;
	(pc) =	sbr.rel @p2 .LBB2_33-.Ltmp3, $4  }
0x67: {  	v4 =	vld.idx.msk [tilespmem:v3+s6+$0x0], $0xffff  }
0x68: {  	s1 =	sadd.s32 $0x80, s1;
	v3 =	vld.idx.msk [tilespmem:v1+s6+$0x0], $0xffff  }
0x69: {  	v1 =	vld.idx.msk [tilespmem:v2+s6+$0x0], $0xffff;
	[tilespmem:s1+$0x30] =	vst v7  }
0x6a: {  	s23 =	sadd.s32 $0x80, s23;
	v2 =	vld.idx.msk [tilespmem:v8+s6+$0x0], $0xffff;
	[tilespmem:s1+$0xFFFFFFD0] =	vst v9  }
0x6b: {  	[tilespmem:s1+$0xFFFFFFE0] =	vst v6  }
0x6c: {  	[tilespmem:s1+$0xFFFFFFF0] =	vst v5;
	s15 =	sadd.s32 $0x4, s31  }
0x6d: {  	[tilespmem:s1+$0x0] =	vst v4;
	s23 =	sshll.u32 s15, $0x4  }
0x6e: {  	s15 =	sshll.u32 s15, $0x9;
	[tilespmem:s1+$0x10] =	vst v3;
	s23 =	sand.u32 $0x40, s23  }
0x6f: {  	s15 =	sand.u32 $0xF000, s15;
	[tilespmem:s1+$0x20] =	vst v1;
	s23 =	sadd.s32 s2, s23  }
0x70: {  	[tilespmem:s1+$0xFFFFFFC0] =	vst v2;
	s15 =	sadd.s32 s15, s23;
	s23 =	sshll.u32 s30, $0x13  }
0x71: {  	[tilespmem:s18], [sflag:$0x1] =	stream.strided.gather [hbm4b:s15+s16], $0x1000, s17, s16, $0x38;
	[tilespmem:$0x1E700] =	vst v63  }
0x72: {  	s1 =	sor.u32 s23, s11  }
0x73: {  	s1 =	sshrl.u32 s1, $0x3  }
0x74: {  	s25 =	sadd.s32 s5, s1  }
0x75: {  	[hbm4b:s25+s16] =	stream.strided.scatter [tilespmem:s14], [sflag:$0x5], $0x1000, s17, s16, $0x38;
	[tilespmem:$0x1E700] =	vst v63  }
0x76: {  	_ =	swait.ge [sflag:s20], $0x1000  }
0x77: {  	[sflag:s20] =	ssyncset.done $0x0  }
0x78: {  	s15 =	simm.s32 @!p1 $0x6;
	[sflag:s20] =	ssyncadd.s32 $0xFFFFF000  }
0x79: {  	_ =	swait.ge @!p1 [sflag:s15], $0x1000  }
0x7a: {  	[sflag:s15] =	ssyncset.done @!p1 $0x0  }
0x7b: {  	s26 =	simm.s32 $0x19740;
	[sflag:s15] =	ssyncadd.s32 @!p1 $0xFFFFF000  }
0x7c: {  	v1 =	vld [tilespmem:s26+$0x30]  }
0x7d: {  	v2 =	vld [tilespmem:s26+$0xFFFFFFD0]  }
0x7e: {  	v3 =	vld [tilespmem:s26+$0xFFFFFFE0]  }
0x7f: {  	v4 =	vld [tilespmem:s26+$0xFFFFFFF0]  }
0x80: {  	v7 =	vld [tilespmem:s26+$0x0]  }
0x81: {  	v8 =	vld [tilespmem:s26+$0x10]  }
0x82: {  	v9 =	vld [tilespmem:s26+$0x20]  }
0x83: {  	v10 =	vld [tilespmem:s26+$0xFFFFFFC0]  }
0x84: {  	v11 =	vld.idx.msk [tilespmem:v1+s6+$0x0], $0xffff  }
0x85: {  	v12 =	vld.idx.msk [tilespmem:v2+s6+$0x0], $0xffff  }
0x86: {  	v6 =	vld.idx.msk [tilespmem:v3+s6+$0x0], $0xffff  }
0x87: {  	v5 =	vld.idx.msk [tilespmem:v4+s6+$0x0], $0xffff  }
0x88: {  	v4 =	vld.idx.msk [tilespmem:v7+s6+$0x0], $0xffff  }
0x89: {  	s15 =	simm.s32 $0x1D740;
	v3 =	vld.idx.msk [tilespmem:v8+s6+$0x0], $0xffff  }
0x8a: {  	v1 =	vld.idx.msk [tilespmem:v9+s6+$0x0], $0xffff;
	[tilespmem:s15+$0x30] =	vst v11  }
0x8b: {  	s23 =	simm.s32 $0x0;
	s25 =	simm.s32 $0x197C0;
	v2 =	vld.idx.msk [tilespmem:v10+s6+$0x0], $0xffff;
	[tilespmem:s15+$0xFFFFFFD0] =	vst v12  }
.LBB2_35:
0x8c: {  	v7 =	vld [tilespmem:s25+$0x30];
	s23 =	sadd.s32 $0x80, s23;
	[tilespmem:s15+$0xFFFFFFE0] =	vst v6  }
0x8d: {  	v6 =	vld [tilespmem:s25+$0xFFFFFFD0];
	p1 =	slt.u32 s23, $0xF80;
	[tilespmem:s15+$0xFFFFFFF0] =	vst v5  }
0x8e: {  	v5 =	vld [tilespmem:s25+$0xFFFFFFE0];
	[tilespmem:s15+$0x0] =	vst v4  }
0x8f: {  	v4 =	vld [tilespmem:s25+$0xFFFFFFF0];
	[tilespmem:s15+$0x10] =	vst v3  }
0x90: {  	v3 =	vld [tilespmem:s25+$0x0];
	[tilespmem:s15+$0x20] =	vst v1  }
0x91: {  	v1 =	vld [tilespmem:s25+$0x10];
	[tilespmem:s15+$0xFFFFFFC0] =	vst v2  }
0x92: {  	v2 =	vld [tilespmem:s25+$0x20]  }
0x93: {  	v8 =	vld [tilespmem:s25+$0xFFFFFFC0]  }
0x94: {  	v7 =	vld.idx.msk [tilespmem:v7+s6+$0x0], $0xffff  }
0x95: {  	v9 =	vld.idx.msk [tilespmem:v6+s6+$0x0], $0xffff  }
0x96: {  	v6 =	vld.idx.msk [tilespmem:v5+s6+$0x0], $0xffff  }
.Ltmp4:
0x97: {  	v5 =	vld.idx.msk [tilespmem:v4+s6+$0x0], $0xffff;
	(pc) =	sbr.rel @p1 .LBB2_35-.Ltmp4, $4  }
0x98: {  	v4 =	vld.idx.msk [tilespmem:v3+s6+$0x0], $0xffff  }
0x99: {  	s15 =	sadd.s32 $0x80, s15;
	v3 =	vld.idx.msk [tilespmem:v1+s6+$0x0], $0xffff  }
0x9a: {  	v1 =	vld.idx.msk [tilespmem:v2+s6+$0x0], $0xffff;
	[tilespmem:s15+$0x30] =	vst v7  }
0x9b: {  	s25 =	sadd.s32 $0x80, s25;
	v2 =	vld.idx.msk [tilespmem:v8+s6+$0x0], $0xffff;
	[tilespmem:s15+$0xFFFFFFD0] =	vst v9  }
0x9c: {  	[tilespmem:s15+$0xFFFFFFE0] =	vst v6  }
0x9d: {  	[tilespmem:s15+$0xFFFFFFF0] =	vst v5;
	s23 =	sadd.s32 $0x5, s31  }
0x9e: {  	[tilespmem:s15+$0x0] =	vst v4;
	s25 =	sshll.u32 s23, $0x4  }
0x9f: {  	s23 =	sshll.u32 s23, $0x9;
	[tilespmem:s15+$0x10] =	vst v3;
	s25 =	sand.u32 $0x50, s25  }
0xa0: {  	s23 =	sand.u32 $0xF000, s23;
	[tilespmem:s15+$0x20] =	vst v1;
	s25 =	sadd.s32 s2, s25  }
0xa1: {  	[tilespmem:s15+$0xFFFFFFC0] =	vst v2;
	s23 =	sadd.s32 s23, s25  }
0xa2: {  	[tilespmem:s19], [sflag:$0x2] =	stream.strided.gather [hbm4b:s23+s16], $0x1000, s17, s16, $0x38;
	[tilespmem:$0x1E700] =	vst v63  }
0xa3: {  	s25 =	sadd.s32 s1, s3  }
0xa4: {  	[hbm4b:s25+s16] =	stream.strided.scatter [tilespmem:s8], [sflag:$0x6], $0x1000, s17, s16, $0x38;
	[tilespmem:$0x1E700] =	vst v63  }
0xa5: {  	_ =	swait.ge [sflag:s9], $0x1000  }
0xa6: {  	[sflag:s9] =	ssyncset.done $0x0  }
0xa7: {  	[sflag:s9] =	ssyncadd.s32 $0xFFFFF000  }
0xa8: {  	_ =	swait.ge [sflag:s21], $0x1000  }
0xa9: {  	[sflag:s21] =	ssyncset.done $0x0  }
0xaa: {  	s26 =	simm.s32 $0x1A740;
	[sflag:s21] =	ssyncadd.s32 $0xFFFFF000  }
0xab: {  	v1 =	vld [tilespmem:s26+$0x30]  }
0xac: {  	v2 =	vld [tilespmem:s26+$0xFFFFFFD0]  }
0xad: {  	v3 =	vld [tilespmem:s26+$0xFFFFFFE0]  }
0xae: {  	v4 =	vld [tilespmem:s26+$0xFFFFFFF0]  }
0xaf: {  	v7 =	vld [tilespmem:s26+$0x0]  }
0xb0: {  	v8 =	vld [tilespmem:s26+$0x10]  }
0xb1: {  	v9 =	vld [tilespmem:s26+$0x20]  }
0xb2: {  	v10 =	vld [tilespmem:s26+$0xFFFFFFC0]  }
0xb3: {  	v11 =	vld.idx.msk [tilespmem:v1+s6+$0x0], $0xffff  }
0xb4: {  	v12 =	vld.idx.msk [tilespmem:v2+s6+$0x0], $0xffff  }
0xb5: {  	v6 =	vld.idx.msk [tilespmem:v3+s6+$0x0], $0xffff  }
0xb6: {  	v5 =	vld.idx.msk [tilespmem:v4+s6+$0x0], $0xffff  }
0xb7: {  	v4 =	vld.idx.msk [tilespmem:v7+s6+$0x0], $0xffff  }
0xb8: {  	s15 =	simm.s32 $0x1C740;
	v3 =	vld.idx.msk [tilespmem:v8+s6+$0x0], $0xffff  }
0xb9: {  	v1 =	vld.idx.msk [tilespmem:v9+s6+$0x0], $0xffff;
	[tilespmem:s15+$0x30] =	vst v11  }
0xba: {  	s23 =	simm.s32 $0x0;
	s25 =	simm.s32 $0x1A7C0;
	v2 =	vld.idx.msk [tilespmem:v10+s6+$0x0], $0xffff;
	[tilespmem:s15+$0xFFFFFFD0] =	vst v12  }
.LBB2_37:
0xbb: {  	v7 =	vld [tilespmem:s25+$0x30];
	s23 =	sadd.s32 $0x80, s23;
	[tilespmem:s15+$0xFFFFFFE0] =	vst v6  }
0xbc: {  	v6 =	vld [tilespmem:s25+$0xFFFFFFD0];
	p1 =	slt.u32 s23, $0xF80;
	[tilespmem:s15+$0xFFFFFFF0] =	vst v5  }
0xbd: {  	v5 =	vld [tilespmem:s25+$0xFFFFFFE0];
	[tilespmem:s15+$0x0] =	vst v4  }
0xbe: {  	v4 =	vld [tilespmem:s25+$0xFFFFFFF0];
	[tilespmem:s15+$0x10] =	vst v3  }
0xbf: {  	v3 =	vld [tilespmem:s25+$0x0];
	[tilespmem:s15+$0x20] =	vst v1  }
0xc0: {  	v1 =	vld [tilespmem:s25+$0x10];
	[tilespmem:s15+$0xFFFFFFC0] =	vst v2  }
0xc1: {  	v2 =	vld [tilespmem:s25+$0x20]  }
0xc2: {  	v8 =	vld [tilespmem:s25+$0xFFFFFFC0]  }
0xc3: {  	v7 =	vld.idx.msk [tilespmem:v7+s6+$0x0], $0xffff  }
0xc4: {  	v9 =	vld.idx.msk [tilespmem:v6+s6+$0x0], $0xffff  }
0xc5: {  	v6 =	vld.idx.msk [tilespmem:v5+s6+$0x0], $0xffff  }
.Ltmp5:
0xc6: {  	v5 =	vld.idx.msk [tilespmem:v4+s6+$0x0], $0xffff;
	(pc) =	sbr.rel @p1 .LBB2_37-.Ltmp5, $4  }
0xc7: {  	v4 =	vld.idx.msk [tilespmem:v3+s6+$0x0], $0xffff  }
0xc8: {  	s15 =	sadd.s32 $0x80, s15;
	v3 =	vld.idx.msk [tilespmem:v1+s6+$0x0], $0xffff  }
0xc9: {  	v1 =	vld.idx.msk [tilespmem:v2+s6+$0x0], $0xffff;
	[tilespmem:s15+$0x30] =	vst v7  }
0xca: {  	s25 =	sadd.s32 $0x80, s25;
	v2 =	vld.idx.msk [tilespmem:v8+s6+$0x0], $0xffff;
	[tilespmem:s15+$0xFFFFFFD0] =	vst v9  }
0xcb: {  	p1 =	seq.s32 s30, $0xB;
	[tilespmem:s15+$0xFFFFFFE0] =	vst v6  }
0xcc: {  	[tilespmem:s15+$0xFFFFFFF0] =	vst v5;
	s23 =	sadd.s32 @!p1 $0x6, s31  }
0xcd: {  	[tilespmem:s15+$0x0] =	vst v4;
	s25 =	sshll.u32 @!p1 s23, $0x4  }
0xce: {  	s23 =	sshll.u32 @!p1 s23, $0x9;
	[tilespmem:s15+$0x10] =	vst v3;
	s25 =	sand.u32 @!p1 $0x60, s25  }
0xcf: {  	s26 =	simm.s32 @!p1 $0x1A700;
	s23 =	sand.u32 @!p1 $0xF000, s23;
	[tilespmem:s15+$0x20] =	vst v1;
	s25 =	sadd.s32 @!p1 s2, s25  }
0xd0: {  	[tilespmem:s15+$0xFFFFFFC0] =	vst v2;
	s15 =	simm.s32 @!p1 $0x80;
	s23 =	sadd.s32 @!p1 s23, s25;
	s25 =	simm.s32 @!p1 $0x400  }
0xd1: {  	[tilespmem:s26], [sflag:$0x3] =	stream.strided.gather @!p1 [hbm4b:s23+s15], $0x1000, s25, s15, $0x38;
	[tilespmem:$0x1E700] =	vst v63  }
0xd2: {  	s25 =	sadd.s32 s1, s7  }
0xd3: {  	[hbm4b:s25+s16] =	stream.strided.scatter [tilespmem:s14], [sflag:$0x5], $0x1000, s17, s16, $0x38;
	[tilespmem:$0x1E700] =	vst v63  }
0xd4: {  	_ =	swait.ge [sflag:s10], $0x1000  }
0xd5: {  	[sflag:s10] =	ssyncset.done $0x0  }
0xd6: {  	[sflag:s10] =	ssyncadd.s32 $0xFFFFF000  }
0xd7: {  	_ =	swait.ge [sflag:s22], $0x1000  }
0xd8: {  	[sflag:s22] =	ssyncset.done $0x0  }
0xd9: {  	s26 =	simm.s32 $0x1B740;
	[sflag:s22] =	ssyncadd.s32 $0xFFFFF000  }
0xda: {  	v1 =	vld [tilespmem:s26+$0x30]  }
0xdb: {  	v2 =	vld [tilespmem:s26+$0xFFFFFFD0]  }
0xdc: {  	v3 =	vld [tilespmem:s26+$0xFFFFFFE0]  }
0xdd: {  	v4 =	vld [tilespmem:s26+$0xFFFFFFF0]  }
0xde: {  	v7 =	vld [tilespmem:s26+$0x0]  }
0xdf: {  	v8 =	vld [tilespmem:s26+$0x10]  }
0xe0: {  	v9 =	vld [tilespmem:s26+$0x20]  }
0xe1: {  	v10 =	vld [tilespmem:s26+$0xFFFFFFC0]  }
0xe2: {  	v11 =	vld.idx.msk [tilespmem:v1+s6+$0x0], $0xffff  }
0xe3: {  	v12 =	vld.idx.msk [tilespmem:v2+s6+$0x0], $0xffff  }
0xe4: {  	v6 =	vld.idx.msk [tilespmem:v3+s6+$0x0], $0xffff  }
0xe5: {  	v5 =	vld.idx.msk [tilespmem:v4+s6+$0x0], $0xffff  }
0xe6: {  	v4 =	vld.idx.msk [tilespmem:v7+s6+$0x0], $0xffff  }
0xe7: {  	s15 =	simm.s32 $0x1D740;
	v3 =	vld.idx.msk [tilespmem:v8+s6+$0x0], $0xffff  }
0xe8: {  	v1 =	vld.idx.msk [tilespmem:v9+s6+$0x0], $0xffff;
	[tilespmem:s15+$0x30] =	vst v11  }
0xe9: {  	s23 =	simm.s32 $0x0;
	s25 =	simm.s32 $0x1B7C0;
	v2 =	vld.idx.msk [tilespmem:v10+s6+$0x0], $0xffff;
	[tilespmem:s15+$0xFFFFFFD0] =	vst v12  }
.LBB2_39:
0xea: {  	v7 =	vld [tilespmem:s25+$0x30];
	s23 =	sadd.s32 $0x80, s23;
	[tilespmem:s15+$0xFFFFFFE0] =	vst v6  }
0xeb: {  	v6 =	vld [tilespmem:s25+$0xFFFFFFD0];
	p2 =	slt.u32 s23, $0xF80;
	[tilespmem:s15+$0xFFFFFFF0] =	vst v5  }
0xec: {  	v5 =	vld [tilespmem:s25+$0xFFFFFFE0];
	[tilespmem:s15+$0x0] =	vst v4  }
0xed: {  	v4 =	vld [tilespmem:s25+$0xFFFFFFF0];
	[tilespmem:s15+$0x10] =	vst v3  }
0xee: {  	v3 =	vld [tilespmem:s25+$0x0];
	[tilespmem:s15+$0x20] =	vst v1  }
0xef: {  	v1 =	vld [tilespmem:s25+$0x10];
	[tilespmem:s15+$0xFFFFFFC0] =	vst v2  }
0xf0: {  	v2 =	vld [tilespmem:s25+$0x20]  }
0xf1: {  	v8 =	vld [tilespmem:s25+$0xFFFFFFC0]  }
0xf2: {  	v7 =	vld.idx.msk [tilespmem:v7+s6+$0x0], $0xffff  }
0xf3: {  	v9 =	vld.idx.msk [tilespmem:v6+s6+$0x0], $0xffff  }
0xf4: {  	v6 =	vld.idx.msk [tilespmem:v5+s6+$0x0], $0xffff  }
.Ltmp6:
0xf5: {  	v5 =	vld.idx.msk [tilespmem:v4+s6+$0x0], $0xffff;
	(pc) =	sbr.rel @p2 .LBB2_39-.Ltmp6, $4  }
0xf6: {  	v4 =	vld.idx.msk [tilespmem:v3+s6+$0x0], $0xffff  }
0xf7: {  	s15 =	sadd.s32 $0x80, s15;
	v3 =	vld.idx.msk [tilespmem:v1+s6+$0x0], $0xffff  }
0xf8: {  	v1 =	vld.idx.msk [tilespmem:v2+s6+$0x0], $0xffff;
	[tilespmem:s15+$0x30] =	vst v7  }
0xf9: {  	s25 =	sadd.s32 $0x80, s25;
	v2 =	vld.idx.msk [tilespmem:v8+s6+$0x0], $0xffff;
	[tilespmem:s15+$0xFFFFFFD0] =	vst v9  }
0xfa: {  	[tilespmem:s15+$0xFFFFFFE0] =	vst v6  }
0xfb: {  	s23 =	sadd.s32 @!p1 $0x7, s31;
	[tilespmem:s15+$0xFFFFFFF0] =	vst v5  }
0xfc: {  	s25 =	sshll.u32 @!p1 s23, $0x4;
	[tilespmem:s15+$0x0] =	vst v4  }
0xfd: {  	s26 =	simm.s32 @!p1 $0x1B700;
	s23 =	sshll.u32 @!p1 s23, $0x9;
	s25 =	sand.u32 @!p1 $0x70, s25;
	[tilespmem:s15+$0x10] =	vst v3  }
0xfe: {  	s30 =	sadd.s32 $0x1, s30;
	s23 =	sand.u32 @!p1 $0xF000, s23;
	s25 =	sadd.s32 @!p1 s2, s25;
	[tilespmem:s15+$0x20] =	vst v1  }
0xff: {  	s23 =	sadd.s32 @!p1 s23, s25;
	[tilespmem:s15+$0xFFFFFFC0] =	vst v2;
	s15 =	simm.s32 @!p1 $0x80;
	s25 =	simm.s32 @!p1 $0x400  }
0x100: {  	[tilespmem:s26], [sflag:$0x4] =	stream.strided.gather @!p1 [hbm4b:s23+s15], $0x1000, s25, s15, $0x38;
	[tilespmem:$0x1E700] =	vst v63  }
0x101: {  	p1 =	sne.s32 s30, $0xC  }
.Ltmp7:
0x102: {  	_ = 	snop;
	(pc) =	sbr.rel @p1 .LBB2_32-.Ltmp7, $3  }
0x103: {  	_ =	sdelay $0x1  }
0x104: {  	s1 =	sadd.s32 s1, s12  }
0x105: {  	[hbm4b:s1+s16] =	stream.strided.scatter [tilespmem:s8], [sflag:$0x6], $0x1000, s17, s16, $0x38;
	[tilespmem:$0x1E700] =	vst v63  }
0x106: {  	_ =	swait.ge [sflag:s24], $0x1000  }
0x107: {  	[sflag:s24] =	ssyncset.done $0x0  }
0x108: {  	[sflag:s24] =	ssyncadd.s32 $0xFFFFF000  }
0x109: {  	_ =	swait.ge [sflag:s21], $0x1000  }
0x10a: {  	[sflag:s21] =	ssyncset.done $0x0  }
0x10b: {  	s1 =	simm.s32 $0x18740;
	[sflag:s21] =	ssyncadd.s32 $0xFFFFF000  }
0x10c: {  	v1 =	vld [tilespmem:s1+$0x30]  }
0x10d: {  	v2 =	vld [tilespmem:s1+$0xFFFFFFD0]  }
0x10e: {  	v3 =	vld [tilespmem:s1+$0xFFFFFFE0]  }
0x10f: {  	v4 =	vld [tilespmem:s1+$0xFFFFFFF0]  }
0x110: {  	v5 =	vld [tilespmem:s1+$0x0]  }
0x111: {  	v7 =	vld [tilespmem:s1+$0x10]  }
0x112: {  	v8 =	vld [tilespmem:s1+$0x20]  }
0x113: {  	v9 =	vld [tilespmem:s1+$0xFFFFFFC0]  }
0x114: {  	v10 =	vld.idx.msk [tilespmem:v1+s6+$0x0], $0xffff  }
0x115: {  	v11 =	vld.idx.msk [tilespmem:v2+s6+$0x0], $0xffff  }
0x116: {  	v6 =	vld.idx.msk [tilespmem:v3+s6+$0x0], $0xffff  }
0x117: {  	v4 =	vld.idx.msk [tilespmem:v4+s6+$0x0], $0xffff  }
0x118: {  	v1 =	vld.idx.msk [tilespmem:v5+s6+$0x0], $0xffff  }
0x119: {  	s1 =	simm.s32 $0x1C740;
	v2 =	vld.idx.msk [tilespmem:v7+s6+$0x0], $0xffff  }
0x11a: {  	v3 =	vld.idx.msk [tilespmem:v8+s6+$0x0], $0xffff;
	[tilespmem:s1+$0x30] =	vst v10  }
0x11b: {  	s15 =	simm.s32 $0x0;
	s23 =	simm.s32 $0x187C0;
	v5 =	vld.idx.msk [tilespmem:v9+s6+$0x0], $0xffff;
	[tilespmem:s1+$0xFFFFFFD0] =	vst v11  }
.LBB2_42:
0x11c: {  	v7 =	vld [tilespmem:s23+$0x30];
	s15 =	sadd.s32 $0x80, s15;
	[tilespmem:s1+$0xFFFFFFE0] =	vst v6  }
0x11d: {  	v6 =	vld [tilespmem:s23+$0xFFFFFFD0];
	p1 =	slt.u32 s15, $0xF80;
	[tilespmem:s1+$0xFFFFFFF0] =	vst v4  }
0x11e: {  	v4 =	vld [tilespmem:s23+$0xFFFFFFE0];
	[tilespmem:s1+$0x0] =	vst v1  }
0x11f: {  	v1 =	vld [tilespmem:s23+$0xFFFFFFF0];
	[tilespmem:s1+$0x10] =	vst v2  }
0x120: {  	v2 =	vld [tilespmem:s23+$0x0];
	[tilespmem:s1+$0x20] =	vst v3  }
0x121: {  	v3 =	vld [tilespmem:s23+$0x10];
	[tilespmem:s1+$0xFFFFFFC0] =	vst v5  }
0x122: {  	v5 =	vld [tilespmem:s23+$0x20]  }
0x123: {  	v8 =	vld [tilespmem:s23+$0xFFFFFFC0]  }
0x124: {  	v7 =	vld.idx.msk [tilespmem:v7+s6+$0x0], $0xffff  }
0x125: {  	v9 =	vld.idx.msk [tilespmem:v6+s6+$0x0], $0xffff  }
0x126: {  	v6 =	vld.idx.msk [tilespmem:v4+s6+$0x0], $0xffff  }
.Ltmp8:
0x127: {  	v4 =	vld.idx.msk [tilespmem:v1+s6+$0x0], $0xffff;
	(pc) =	sbr.rel @p1 .LBB2_42-.Ltmp8, $4  }
0x128: {  	v1 =	vld.idx.msk [tilespmem:v2+s6+$0x0], $0xffff  }
0x129: {  	s1 =	sadd.s32 $0x80, s1;
	v2 =	vld.idx.msk [tilespmem:v3+s6+$0x0], $0xffff  }
0x12a: {  	v3 =	vld.idx.msk [tilespmem:v5+s6+$0x0], $0xffff;
	[tilespmem:s1+$0x30] =	vst v7  }
0x12b: {  	s23 =	sadd.s32 $0x80, s23;
	v5 =	vld.idx.msk [tilespmem:v8+s6+$0x0], $0xffff;
	[tilespmem:s1+$0xFFFFFFD0] =	vst v9  }
0x12c: {  	[tilespmem:s1+$0xFFFFFFE0] =	vst v6  }
0x12d: {  	[tilespmem:s1+$0xFFFFFFF0] =	vst v4  }
0x12e: {  	[tilespmem:s1+$0x0] =	vst v1  }
0x12f: {  	[tilespmem:s1+$0x10] =	vst v2  }
0x130: {  	[tilespmem:s1+$0x20] =	vst v3  }
0x131: {  	[tilespmem:s1+$0xFFFFFFC0] =	vst v5  }
0x132: {  	s1 =	rddreg [dreg:$0x14]  }
0x133: {  	[hbm4b:s1+s16] =	stream.strided.scatter [tilespmem:s14], [sflag:$0x5], $0x1000, s17, s16, $0x38;
	[tilespmem:$0x1E700] =	vst v63  }
0x134: {  	_ =	swait.ge [sflag:s20], $0x1000  }
0x135: {  	[sflag:s20] =	ssyncset.done $0x0  }
0x136: {  	[sflag:s20] =	ssyncadd.s32 $0xFFFFF000  }
0x137: {  	_ =	swait.ge [sflag:s22], $0x1000  }
0x138: {  	[sflag:s22] =	ssyncset.done $0x0  }
0x139: {  	s31 =	simm.s32 $0x19740;
	[sflag:s22] =	ssyncadd.s32 $0xFFFFF000  }
0x13a: {  	v1 =	vld [tilespmem:s31+$0x30]  }
0x13b: {  	v2 =	vld [tilespmem:s31+$0xFFFFFFD0]  }
0x13c: {  	v3 =	vld [tilespmem:s31+$0xFFFFFFE0]  }
0x13d: {  	v4 =	vld [tilespmem:s31+$0xFFFFFFF0]  }
0x13e: {  	v5 =	vld [tilespmem:s31+$0x0]  }
0x13f: {  	v7 =	vld [tilespmem:s31+$0x10]  }
0x140: {  	v8 =	vld [tilespmem:s31+$0x20]  }
0x141: {  	v9 =	vld [tilespmem:s31+$0xFFFFFFC0]  }
0x142: {  	v10 =	vld.idx.msk [tilespmem:v1+s6+$0x0], $0xffff  }
0x143: {  	v11 =	vld.idx.msk [tilespmem:v2+s6+$0x0], $0xffff  }
0x144: {  	v6 =	vld.idx.msk [tilespmem:v3+s6+$0x0], $0xffff  }
0x145: {  	v4 =	vld.idx.msk [tilespmem:v4+s6+$0x0], $0xffff  }
0x146: {  	v1 =	vld.idx.msk [tilespmem:v5+s6+$0x0], $0xffff  }
0x147: {  	s1 =	simm.s32 $0x1D740;
	v2 =	vld.idx.msk [tilespmem:v7+s6+$0x0], $0xffff  }
0x148: {  	v3 =	vld.idx.msk [tilespmem:v8+s6+$0x0], $0xffff;
	[tilespmem:s1+$0x30] =	vst v10  }
0x149: {  	s15 =	simm.s32 $0x0;
	s23 =	simm.s32 $0x197C0;
	v5 =	vld.idx.msk [tilespmem:v9+s6+$0x0], $0xffff;
	[tilespmem:s1+$0xFFFFFFD0] =	vst v11  }
.LBB2_44:
0x14a: {  	v7 =	vld [tilespmem:s23+$0x30];
	s15 =	sadd.s32 $0x80, s15;
	[tilespmem:s1+$0xFFFFFFE0] =	vst v6  }
0x14b: {  	v6 =	vld [tilespmem:s23+$0xFFFFFFD0];
	p1 =	slt.u32 s15, $0xF80;
	[tilespmem:s1+$0xFFFFFFF0] =	vst v4  }
0x14c: {  	v4 =	vld [tilespmem:s23+$0xFFFFFFE0];
	[tilespmem:s1+$0x0] =	vst v1  }
0x14d: {  	v1 =	vld [tilespmem:s23+$0xFFFFFFF0];
	[tilespmem:s1+$0x10] =	vst v2  }
0x14e: {  	v2 =	vld [tilespmem:s23+$0x0];
	[tilespmem:s1+$0x20] =	vst v3  }
0x14f: {  	v3 =	vld [tilespmem:s23+$0x10];
	[tilespmem:s1+$0xFFFFFFC0] =	vst v5  }
0x150: {  	v5 =	vld [tilespmem:s23+$0x20]  }
0x151: {  	v8 =	vld [tilespmem:s23+$0xFFFFFFC0]  }
0x152: {  	v7 =	vld.idx.msk [tilespmem:v7+s6+$0x0], $0xffff  }
0x153: {  	v9 =	vld.idx.msk [tilespmem:v6+s6+$0x0], $0xffff  }
0x154: {  	v6 =	vld.idx.msk [tilespmem:v4+s6+$0x0], $0xffff  }
.Ltmp9:
0x155: {  	v4 =	vld.idx.msk [tilespmem:v1+s6+$0x0], $0xffff;
	(pc) =	sbr.rel @p1 .LBB2_44-.Ltmp9, $4  }
0x156: {  	v1 =	vld.idx.msk [tilespmem:v2+s6+$0x0], $0xffff  }
0x157: {  	s1 =	sadd.s32 $0x80, s1;
	v2 =	vld.idx.msk [tilespmem:v3+s6+$0x0], $0xffff  }
0x158: {  	v3 =	vld.idx.msk [tilespmem:v5+s6+$0x0], $0xffff;
	[tilespmem:s1+$0x30] =	vst v7  }
0x159: {  	s23 =	sadd.s32 $0x80, s23;
	v5 =	vld.idx.msk [tilespmem:v8+s6+$0x0], $0xffff;
	[tilespmem:s1+$0xFFFFFFD0] =	vst v9  }
0x15a: {  	[tilespmem:s1+$0xFFFFFFE0] =	vst v6  }
0x15b: {  	[tilespmem:s1+$0xFFFFFFF0] =	vst v4  }
0x15c: {  	[tilespmem:s1+$0x0] =	vst v1  }
0x15d: {  	[tilespmem:s1+$0x10] =	vst v2  }
0x15e: {  	[tilespmem:s1+$0x20] =	vst v3  }
0x15f: {  	[tilespmem:s1+$0xFFFFFFC0] =	vst v5  }
0x160: {  	s1 =	rddreg [dreg:$0x15]  }
0x161: {  	[hbm4b:s1+s16] =	stream.strided.scatter [tilespmem:s8], [sflag:$0x6], $0x1000, s17, s16, $0x38;
	[tilespmem:$0x1E700] =	vst v63  }
0x162: {  	_ =	swait.ge [sflag:s21], $0x1000  }
0x163: {  	[sflag:s21] =	ssyncset.done $0x0  }
0x164: {  	[sflag:s21] =	ssyncadd.s32 $0xFFFFF000  }
0x165: {  	_ =	swait.ge [sflag:s22], $0x1000  }
0x166: {  	[sflag:s22] =	ssyncset.done $0x0  }
0x167: {  	s30 =	simm.s32 $0x0;
	s31 =	rddreg [dreg:$0x13];
	[sflag:s22] =	ssyncadd.s32 $0xFFFFF000  }
0x168: {  	[tilespmem:s30], [sflag:$0x7] =	stream.strided.gather [hbm4b:s31+s16], $0x18700, s17, s16, $0x38;
	[tilespmem:$0x1E700] =	vst v63  }
0x169: {  	_ = 	snop  }
0x16a: {  	[tilespmem:s18], [sflag:$0x1] =	stream.strided.gather [hbm4b:s2+s16], $0x1000, s17, s16, $0x38;
	[tilespmem:$0x1E700] =	vst v63  }
0x16b: {  	s15 =	rddreg [dreg:$0x19]  }
0x16c: {  	[tilespmem:s19], [sflag:$0x2] =	stream.strided.gather [hbm4b:s15+s16], $0x1000, s17, s16, $0x38;
	[tilespmem:$0x1E700] =	vst v63  }
0x16d: {  	s23 =	rddreg [dreg:$0x1a];
	s15 =	simm.s32 $0x1A700  }
0x16e: {  	[tilespmem:s15], [sflag:$0x3] =	stream.strided.gather [hbm4b:s23+s16], $0x1000, s17, s16, $0x38;
	[tilespmem:$0x1E700] =	vst v63  }
0x16f: {  	s26 =	simm.s32 $0x1B700;
	s25 =	rddreg [dreg:$0x1b];
	s31 =	simm.s32 $0x7  }
0x170: {  	[tilespmem:s26], [sflag:$0x4] =	stream.strided.gather [hbm4b:s25+s16], $0x1000, s17, s16, $0x38;
	[tilespmem:$0x1E700] =	vst v63  }
0x171: {  	_ =	swait.ge [sflag:s31], $0x18700  }
0x172: {  	[sflag:s31] =	ssyncset.done $0x0  }
0x173: {  	[sflag:s31] =	ssyncadd.s32 $0xFFFE7900  }
0x174: {  	v1 =	vld [tilespmem:$0x0];
	_ =	sdelay $0x3  }
0x175: {  	vm0 =	veq.s32 v0, $0x0  }
0x176: {  	v1 =	vsel vm0, $0x0, v1  }
0x177: {  	[tilespmem:$0x0] =	vst v1  }
.LBB2_46:
0x178: {  	_ =	swait.ge [sflag:s24], $0x1000  }
0x179: {  	p1 =	seq.s32 s30, $0x0;
	[sflag:s24] =	ssyncset.done $0x0  }
0x17a: {  	s1 =	simm.s32 @!p1 $0x5;
	[sflag:s24] =	ssyncadd.s32 $0xFFFFF000  }
0x17b: {  	_ =	swait.ge @!p1 [sflag:s1], $0x1000  }
0x17c: {  	[sflag:s1] =	ssyncset.done @!p1 $0x0  }
0x17d: {  	s26 =	simm.s32 $0x18740;
	[sflag:s1] =	ssyncadd.s32 @!p1 $0xFFFFF000  }
0x17e: {  	v1 =	vld [tilespmem:s26+$0x30]  }
0x17f: {  	v2 =	vld [tilespmem:s26+$0xFFFFFFD0]  }
0x180: {  	v3 =	vld [tilespmem:s26+$0xFFFFFFE0]  }
0x181: {  	v4 =	vld [tilespmem:s26+$0xFFFFFFF0]  }
0x182: {  	v7 =	vld [tilespmem:s26+$0x0]  }
0x183: {  	v8 =	vld [tilespmem:s26+$0x10]  }
0x184: {  	v9 =	vld [tilespmem:s26+$0x20]  }
0x185: {  	v10 =	vld [tilespmem:s26+$0xFFFFFFC0]  }
0x186: {  	v11 =	vld.idx.msk [tilespmem:v1+s6+$0x0], $0xffff  }
0x187: {  	v12 =	vld.idx.msk [tilespmem:v2+s6+$0x0], $0xffff  }
0x188: {  	v6 =	vld.idx.msk [tilespmem:v3+s6+$0x0], $0xffff  }
0x189: {  	v5 =	vld.idx.msk [tilespmem:v4+s6+$0x0], $0xffff  }
0x18a: {  	v4 =	vld.idx.msk [tilespmem:v7+s6+$0x0], $0xffff  }
0x18b: {  	s1 =	simm.s32 $0x1C740;
	v3 =	vld.idx.msk [tilespmem:v8+s6+$0x0], $0xffff  }
0x18c: {  	v1 =	vld.idx.msk [tilespmem:v9+s6+$0x0], $0xffff;
	[tilespmem:s1+$0x30] =	vst v11  }
0x18d: {  	s31 =	sshll.u32 s30, $0x2;
	s15 =	simm.s32 $0x0;
	s23 =	simm.s32 $0x187C0;
	v2 =	vld.idx.msk [tilespmem:v10+s6+$0x0], $0xffff;
	[tilespmem:s1+$0xFFFFFFD0] =	vst v12  }
.LBB2_47:
0x18e: {  	v7 =	vld [tilespmem:s23+$0x30];
	s15 =	sadd.s32 $0x80, s15;
	[tilespmem:s1+$0xFFFFFFE0] =	vst v6  }
0x18f: {  	v6 =	vld [tilespmem:s23+$0xFFFFFFD0];
	p2 =	slt.u32 s15, $0xF80;
	[tilespmem:s1+$0xFFFFFFF0] =	vst v5  }
0x190: {  	v5 =	vld [tilespmem:s23+$0xFFFFFFE0];
	[tilespmem:s1+$0x0] =	vst v4  }
0x191: {  	v4 =	vld [tilespmem:s23+$0xFFFFFFF0];
	[tilespmem:s1+$0x10] =	vst v3  }
0x192: {  	v3 =	vld [tilespmem:s23+$0x0];
	[tilespmem:s1+$0x20] =	vst v1  }
0x193: {  	v1 =	vld [tilespmem:s23+$0x10];
	[tilespmem:s1+$0xFFFFFFC0] =	vst v2  }
0x194: {  	v2 =	vld [tilespmem:s23+$0x20]  }
0x195: {  	v8 =	vld [tilespmem:s23+$0xFFFFFFC0]  }
0x196: {  	v7 =	vld.idx.msk [tilespmem:v7+s6+$0x0], $0xffff  }
0x197: {  	v9 =	vld.idx.msk [tilespmem:v6+s6+$0x0], $0xffff  }
0x198: {  	v6 =	vld.idx.msk [tilespmem:v5+s6+$0x0], $0xffff  }
.Ltmp10:
0x199: {  	v5 =	vld.idx.msk [tilespmem:v4+s6+$0x0], $0xffff;
	(pc) =	sbr.rel @p2 .LBB2_47-.Ltmp10, $4  }
0x19a: {  	v4 =	vld.idx.msk [tilespmem:v3+s6+$0x0], $0xffff  }
0x19b: {  	s1 =	sadd.s32 $0x80, s1;
	v3 =	vld.idx.msk [tilespmem:v1+s6+$0x0], $0xffff  }
0x19c: {  	v1 =	vld.idx.msk [tilespmem:v2+s6+$0x0], $0xffff;
	[tilespmem:s1+$0x30] =	vst v7  }
0x19d: {  	s23 =	sadd.s32 $0x80, s23;
	v2 =	vld.idx.msk [tilespmem:v8+s6+$0x0], $0xffff;
	[tilespmem:s1+$0xFFFFFFD0] =	vst v9  }
0x19e: {  	[tilespmem:s1+$0xFFFFFFE0] =	vst v6  }
0x19f: {  	[tilespmem:s1+$0xFFFFFFF0] =	vst v5;
	s15 =	sadd.s32 $0x4, s31  }
0x1a0: {  	[tilespmem:s1+$0x0] =	vst v4;
	s23 =	sshll.u32 s15, $0x4  }
0x1a1: {  	s15 =	sshll.u32 s15, $0x9;
	[tilespmem:s1+$0x10] =	vst v3;
	s23 =	sand.u32 $0x40, s23  }
0x1a2: {  	s15 =	sand.u32 $0xF000, s15;
	[tilespmem:s1+$0x20] =	vst v1;
	s23 =	sadd.s32 s2, s23  }
0x1a3: {  	[tilespmem:s1+$0xFFFFFFC0] =	vst v2;
	s15 =	sadd.s32 s15, s23;
	s23 =	sshll.u32 s30, $0x13  }
0x1a4: {  	[tilespmem:s18], [sflag:$0x1] =	stream.strided.gather [hbm4b:s15+s16], $0x1000, s17, s16, $0x38;
	[tilespmem:$0x1E700] =	vst v63  }
0x1a5: {  	s1 =	sor.u32 s23, s13  }
0x1a6: {  	s1 =	sshrl.u32 s1, $0x3  }
0x1a7: {  	s25 =	sadd.s32 s5, s1  }
0x1a8: {  	[hbm4b:s25+s16] =	stream.strided.scatter [tilespmem:s14], [sflag:$0x5], $0x1000, s17, s16, $0x38;
	[tilespmem:$0x1E700] =	vst v63  }
0x1a9: {  	_ =	swait.ge [sflag:s20], $0x1000  }
0x1aa: {  	[sflag:s20] =	ssyncset.done $0x0  }
0x1ab: {  	s15 =	simm.s32 @!p1 $0x6;
	[sflag:s20] =	ssyncadd.s32 $0xFFFFF000  }
0x1ac: {  	_ =	swait.ge @!p1 [sflag:s15], $0x1000  }
0x1ad: {  	[sflag:s15] =	ssyncset.done @!p1 $0x0  }
0x1ae: {  	s26 =	simm.s32 $0x19740;
	[sflag:s15] =	ssyncadd.s32 @!p1 $0xFFFFF000  }
0x1af: {  	v1 =	vld [tilespmem:s26+$0x30]  }
0x1b0: {  	v2 =	vld [tilespmem:s26+$0xFFFFFFD0]  }
0x1b1: {  	v3 =	vld [tilespmem:s26+$0xFFFFFFE0]  }
0x1b2: {  	v4 =	vld [tilespmem:s26+$0xFFFFFFF0]  }
0x1b3: {  	v7 =	vld [tilespmem:s26+$0x0]  }
0x1b4: {  	v8 =	vld [tilespmem:s26+$0x10]  }
0x1b5: {  	v9 =	vld [tilespmem:s26+$0x20]  }
0x1b6: {  	v10 =	vld [tilespmem:s26+$0xFFFFFFC0]  }
0x1b7: {  	v11 =	vld.idx.msk [tilespmem:v1+s6+$0x0], $0xffff  }
0x1b8: {  	v12 =	vld.idx.msk [tilespmem:v2+s6+$0x0], $0xffff  }
0x1b9: {  	v6 =	vld.idx.msk [tilespmem:v3+s6+$0x0], $0xffff  }
0x1ba: {  	v5 =	vld.idx.msk [tilespmem:v4+s6+$0x0], $0xffff  }
0x1bb: {  	v4 =	vld.idx.msk [tilespmem:v7+s6+$0x0], $0xffff  }
0x1bc: {  	s15 =	simm.s32 $0x1D740;
	v3 =	vld.idx.msk [tilespmem:v8+s6+$0x0], $0xffff  }
0x1bd: {  	v1 =	vld.idx.msk [tilespmem:v9+s6+$0x0], $0xffff;
	[tilespmem:s15+$0x30] =	vst v11  }
0x1be: {  	s23 =	simm.s32 $0x0;
	s25 =	simm.s32 $0x197C0;
	v2 =	vld.idx.msk [tilespmem:v10+s6+$0x0], $0xffff;
	[tilespmem:s15+$0xFFFFFFD0] =	vst v12  }
.LBB2_49:
0x1bf: {  	v7 =	vld [tilespmem:s25+$0x30];
	s23 =	sadd.s32 $0x80, s23;
	[tilespmem:s15+$0xFFFFFFE0] =	vst v6  }
0x1c0: {  	v6 =	vld [tilespmem:s25+$0xFFFFFFD0];
	p1 =	slt.u32 s23, $0xF80;
	[tilespmem:s15+$0xFFFFFFF0] =	vst v5  }
0x1c1: {  	v5 =	vld [tilespmem:s25+$0xFFFFFFE0];
	[tilespmem:s15+$0x0] =	vst v4  }
0x1c2: {  	v4 =	vld [tilespmem:s25+$0xFFFFFFF0];
	[tilespmem:s15+$0x10] =	vst v3  }
0x1c3: {  	v3 =	vld [tilespmem:s25+$0x0];
	[tilespmem:s15+$0x20] =	vst v1  }
0x1c4: {  	v1 =	vld [tilespmem:s25+$0x10];
	[tilespmem:s15+$0xFFFFFFC0] =	vst v2  }
0x1c5: {  	v2 =	vld [tilespmem:s25+$0x20]  }
0x1c6: {  	v8 =	vld [tilespmem:s25+$0xFFFFFFC0]  }
0x1c7: {  	v7 =	vld.idx.msk [tilespmem:v7+s6+$0x0], $0xffff  }
0x1c8: {  	v9 =	vld.idx.msk [tilespmem:v6+s6+$0x0], $0xffff  }
0x1c9: {  	v6 =	vld.idx.msk [tilespmem:v5+s6+$0x0], $0xffff  }
.Ltmp11:
0x1ca: {  	v5 =	vld.idx.msk [tilespmem:v4+s6+$0x0], $0xffff;
	(pc) =	sbr.rel @p1 .LBB2_49-.Ltmp11, $4  }
0x1cb: {  	v4 =	vld.idx.msk [tilespmem:v3+s6+$0x0], $0xffff  }
0x1cc: {  	s15 =	sadd.s32 $0x80, s15;
	v3 =	vld.idx.msk [tilespmem:v1+s6+$0x0], $0xffff  }
0x1cd: {  	v1 =	vld.idx.msk [tilespmem:v2+s6+$0x0], $0xffff;
	[tilespmem:s15+$0x30] =	vst v7  }
0x1ce: {  	s25 =	sadd.s32 $0x80, s25;
	v2 =	vld.idx.msk [tilespmem:v8+s6+$0x0], $0xffff;
	[tilespmem:s15+$0xFFFFFFD0] =	vst v9  }
0x1cf: {  	[tilespmem:s15+$0xFFFFFFE0] =	vst v6  }
0x1d0: {  	[tilespmem:s15+$0xFFFFFFF0] =	vst v5;
	s23 =	sadd.s32 $0x5, s31  }
0x1d1: {  	[tilespmem:s15+$0x0] =	vst v4;
	s25 =	sshll.u32 s23, $0x4  }
0x1d2: {  	s23 =	sshll.u32 s23, $0x9;
	[tilespmem:s15+$0x10] =	vst v3;
	s25 =	sand.u32 $0x50, s25  }
0x1d3: {  	s23 =	sand.u32 $0xF000, s23;
	[tilespmem:s15+$0x20] =	vst v1;
	s25 =	sadd.s32 s2, s25  }
0x1d4: {  	[tilespmem:s15+$0xFFFFFFC0] =	vst v2;
	s23 =	sadd.s32 s23, s25;
	s25 =	sor.u32 $0x4000, s1  }
0x1d5: {  	[tilespmem:s19], [sflag:$0x2] =	stream.strided.gather [hbm4b:s23+s16], $0x1000, s17, s16, $0x38;
	[tilespmem:$0x1E700] =	vst v63  }
0x1d6: {  	s15 =	sadd.s32 s5, s25  }
0x1d7: {  	[hbm4b:s15+s16] =	stream.strided.scatter [tilespmem:s8], [sflag:$0x6], $0x1000, s17, s16, $0x38;
	[tilespmem:$0x1E700] =	vst v63  }
0x1d8: {  	_ =	swait.ge [sflag:s9], $0x1000  }
0x1d9: {  	[sflag:s9] =	ssyncset.done $0x0  }
0x1da: {  	[sflag:s9] =	ssyncadd.s32 $0xFFFFF000  }
0x1db: {  	_ =	swait.ge [sflag:s21], $0x1000  }
0x1dc: {  	[sflag:s21] =	ssyncset.done $0x0  }
0x1dd: {  	s26 =	simm.s32 $0x1A740;
	[sflag:s21] =	ssyncadd.s32 $0xFFFFF000  }
0x1de: {  	v1 =	vld [tilespmem:s26+$0x30]  }
0x1df: {  	v2 =	vld [tilespmem:s26+$0xFFFFFFD0]  }
0x1e0: {  	v3 =	vld [tilespmem:s26+$0xFFFFFFE0]  }
0x1e1: {  	v4 =	vld [tilespmem:s26+$0xFFFFFFF0]  }
0x1e2: {  	v7 =	vld [tilespmem:s26+$0x0]  }
0x1e3: {  	v8 =	vld [tilespmem:s26+$0x10]  }
0x1e4: {  	v9 =	vld [tilespmem:s26+$0x20]  }
0x1e5: {  	v10 =	vld [tilespmem:s26+$0xFFFFFFC0]  }
0x1e6: {  	v11 =	vld.idx.msk [tilespmem:v1+s6+$0x0], $0xffff  }
0x1e7: {  	v12 =	vld.idx.msk [tilespmem:v2+s6+$0x0], $0xffff  }
0x1e8: {  	v6 =	vld.idx.msk [tilespmem:v3+s6+$0x0], $0xffff  }
0x1e9: {  	v5 =	vld.idx.msk [tilespmem:v4+s6+$0x0], $0xffff  }
0x1ea: {  	v4 =	vld.idx.msk [tilespmem:v7+s6+$0x0], $0xffff  }
0x1eb: {  	s15 =	simm.s32 $0x1C740;
	v3 =	vld.idx.msk [tilespmem:v8+s6+$0x0], $0xffff  }
0x1ec: {  	v1 =	vld.idx.msk [tilespmem:v9+s6+$0x0], $0xffff;
	[tilespmem:s15+$0x30] =	vst v11  }
0x1ed: {  	s23 =	simm.s32 $0x0;
	s25 =	simm.s32 $0x1A7C0;
	v2 =	vld.idx.msk [tilespmem:v10+s6+$0x0], $0xffff;
	[tilespmem:s15+$0xFFFFFFD0] =	vst v12  }
.LBB2_51:
0x1ee: {  	v7 =	vld [tilespmem:s25+$0x30];
	s23 =	sadd.s32 $0x80, s23;
	[tilespmem:s15+$0xFFFFFFE0] =	vst v6  }
0x1ef: {  	v6 =	vld [tilespmem:s25+$0xFFFFFFD0];
	p1 =	slt.u32 s23, $0xF80;
	[tilespmem:s15+$0xFFFFFFF0] =	vst v5  }
0x1f0: {  	v5 =	vld [tilespmem:s25+$0xFFFFFFE0];
	[tilespmem:s15+$0x0] =	vst v4  }
0x1f1: {  	v4 =	vld [tilespmem:s25+$0xFFFFFFF0];
	[tilespmem:s15+$0x10] =	vst v3  }
0x1f2: {  	v3 =	vld [tilespmem:s25+$0x0];
	[tilespmem:s15+$0x20] =	vst v1  }
0x1f3: {  	v1 =	vld [tilespmem:s25+$0x10];
	[tilespmem:s15+$0xFFFFFFC0] =	vst v2  }
0x1f4: {  	v2 =	vld [tilespmem:s25+$0x20]  }
0x1f5: {  	v8 =	vld [tilespmem:s25+$0xFFFFFFC0]  }
0x1f6: {  	v7 =	vld.idx.msk [tilespmem:v7+s6+$0x0], $0xffff  }
0x1f7: {  	v9 =	vld.idx.msk [tilespmem:v6+s6+$0x0], $0xffff  }
0x1f8: {  	v6 =	vld.idx.msk [tilespmem:v5+s6+$0x0], $0xffff  }
.Ltmp12:
0x1f9: {  	v5 =	vld.idx.msk [tilespmem:v4+s6+$0x0], $0xffff;
	(pc) =	sbr.rel @p1 .LBB2_51-.Ltmp12, $4  }
0x1fa: {  	v4 =	vld.idx.msk [tilespmem:v3+s6+$0x0], $0xffff  }
0x1fb: {  	s15 =	sadd.s32 $0x80, s15;
	v3 =	vld.idx.msk [tilespmem:v1+s6+$0x0], $0xffff  }
0x1fc: {  	v1 =	vld.idx.msk [tilespmem:v2+s6+$0x0], $0xffff;
	[tilespmem:s15+$0x30] =	vst v7  }
0x1fd: {  	s25 =	sadd.s32 $0x80, s25;
	v2 =	vld.idx.msk [tilespmem:v8+s6+$0x0], $0xffff;
	[tilespmem:s15+$0xFFFFFFD0] =	vst v9  }
0x1fe: {  	p1 =	seq.s32 s30, $0xB;
	[tilespmem:s15+$0xFFFFFFE0] =	vst v6  }
0x1ff: {  	[tilespmem:s15+$0xFFFFFFF0] =	vst v5;
	s23 =	sadd.s32 @!p1 $0x6, s31  }
0x200: {  	[tilespmem:s15+$0x0] =	vst v4;
	s25 =	sshll.u32 @!p1 s23, $0x4  }
0x201: {  	s23 =	sshll.u32 @!p1 s23, $0x9;
	[tilespmem:s15+$0x10] =	vst v3;
	s25 =	sand.u32 @!p1 $0x60, s25  }
0x202: {  	s26 =	simm.s32 @!p1 $0x1A700;
	s23 =	sand.u32 @!p1 $0xF000, s23;
	[tilespmem:s15+$0x20] =	vst v1;
	s25 =	sadd.s32 @!p1 s2, s25  }
0x203: {  	[tilespmem:s15+$0xFFFFFFC0] =	vst v2;
	s15 =	simm.s32 @!p1 $0x80;
	s23 =	sadd.s32 @!p1 s23, s25;
	s25 =	simm.s32 @!p1 $0x400  }
0x204: {  	[tilespmem:s26], [sflag:$0x3] =	stream.strided.gather @!p1 [hbm4b:s23+s15], $0x1000, s25, s15, $0x38;
	[tilespmem:$0x1E700] =	vst v63  }
0x205: {  	s25 =	sor.u32 $0x8000, s1  }
0x206: {  	s15 =	sadd.s32 s5, s25  }
0x207: {  	[hbm4b:s15+s16] =	stream.strided.scatter [tilespmem:s14], [sflag:$0x5], $0x1000, s17, s16, $0x38;
	[tilespmem:$0x1E700] =	vst v63  }
0x208: {  	_ =	swait.ge [sflag:s10], $0x1000  }
0x209: {  	[sflag:s10] =	ssyncset.done $0x0  }
0x20a: {  	[sflag:s10] =	ssyncadd.s32 $0xFFFFF000  }
0x20b: {  	_ =	swait.ge [sflag:s22], $0x1000  }
0x20c: {  	[sflag:s22] =	ssyncset.done $0x0  }
0x20d: {  	s26 =	simm.s32 $0x1B740;
	[sflag:s22] =	ssyncadd.s32 $0xFFFFF000  }
0x20e: {  	v1 =	vld [tilespmem:s26+$0x30]  }
0x20f: {  	v2 =	vld [tilespmem:s26+$0xFFFFFFD0]  }
0x210: {  	v3 =	vld [tilespmem:s26+$0xFFFFFFE0]  }
0x211: {  	v4 =	vld [tilespmem:s26+$0xFFFFFFF0]  }
0x212: {  	v7 =	vld [tilespmem:s26+$0x0]  }
0x213: {  	v8 =	vld [tilespmem:s26+$0x10]  }
0x214: {  	v9 =	vld [tilespmem:s26+$0x20]  }
0x215: {  	v10 =	vld [tilespmem:s26+$0xFFFFFFC0]  }
0x216: {  	v11 =	vld.idx.msk [tilespmem:v1+s6+$0x0], $0xffff  }
0x217: {  	v12 =	vld.idx.msk [tilespmem:v2+s6+$0x0], $0xffff  }
0x218: {  	v6 =	vld.idx.msk [tilespmem:v3+s6+$0x0], $0xffff  }
0x219: {  	v5 =	vld.idx.msk [tilespmem:v4+s6+$0x0], $0xffff  }
0x21a: {  	v4 =	vld.idx.msk [tilespmem:v7+s6+$0x0], $0xffff  }
0x21b: {  	s15 =	simm.s32 $0x1D740;
	v3 =	vld.idx.msk [tilespmem:v8+s6+$0x0], $0xffff  }
0x21c: {  	v1 =	vld.idx.msk [tilespmem:v9+s6+$0x0], $0xffff;
	[tilespmem:s15+$0x30] =	vst v11  }
0x21d: {  	s23 =	simm.s32 $0x0;
	s25 =	simm.s32 $0x1B7C0;
	v2 =	vld.idx.msk [tilespmem:v10+s6+$0x0], $0xffff;
	[tilespmem:s15+$0xFFFFFFD0] =	vst v12  }
.LBB2_53:
0x21e: {  	v7 =	vld [tilespmem:s25+$0x30];
	s23 =	sadd.s32 $0x80, s23;
	[tilespmem:s15+$0xFFFFFFE0] =	vst v6  }
0x21f: {  	v6 =	vld [tilespmem:s25+$0xFFFFFFD0];
	p2 =	slt.u32 s23, $0xF80;
	[tilespmem:s15+$0xFFFFFFF0] =	vst v5  }
0x220: {  	v5 =	vld [tilespmem:s25+$0xFFFFFFE0];
	[tilespmem:s15+$0x0] =	vst v4  }
0x221: {  	v4 =	vld [tilespmem:s25+$0xFFFFFFF0];
	[tilespmem:s15+$0x10] =	vst v3  }
0x222: {  	v3 =	vld [tilespmem:s25+$0x0];
	[tilespmem:s15+$0x20] =	vst v1  }
0x223: {  	v1 =	vld [tilespmem:s25+$0x10];
	[tilespmem:s15+$0xFFFFFFC0] =	vst v2  }
0x224: {  	v2 =	vld [tilespmem:s25+$0x20]  }
0x225: {  	v8 =	vld [tilespmem:s25+$0xFFFFFFC0]  }
0x226: {  	v7 =	vld.idx.msk [tilespmem:v7+s6+$0x0], $0xffff  }
0x227: {  	v9 =	vld.idx.msk [tilespmem:v6+s6+$0x0], $0xffff  }
0x228: {  	v6 =	vld.idx.msk [tilespmem:v5+s6+$0x0], $0xffff  }
.Ltmp13:
0x229: {  	v5 =	vld.idx.msk [tilespmem:v4+s6+$0x0], $0xffff;
	(pc) =	sbr.rel @p2 .LBB2_53-.Ltmp13, $4  }
0x22a: {  	v4 =	vld.idx.msk [tilespmem:v3+s6+$0x0], $0xffff  }
0x22b: {  	s15 =	sadd.s32 $0x80, s15;
	v3 =	vld.idx.msk [tilespmem:v1+s6+$0x0], $0xffff  }
0x22c: {  	v1 =	vld.idx.msk [tilespmem:v2+s6+$0x0], $0xffff;
	[tilespmem:s15+$0x30] =	vst v7  }
0x22d: {  	s25 =	sadd.s32 $0x80, s25;
	v2 =	vld.idx.msk [tilespmem:v8+s6+$0x0], $0xffff;
	[tilespmem:s15+$0xFFFFFFD0] =	vst v9  }
0x22e: {  	[tilespmem:s15+$0xFFFFFFE0] =	vst v6  }
0x22f: {  	s23 =	sadd.s32 @!p1 $0x7, s31;
	[tilespmem:s15+$0xFFFFFFF0] =	vst v5  }
0x230: {  	s25 =	sshll.u32 @!p1 s23, $0x4;
	[tilespmem:s15+$0x0] =	vst v4  }
0x231: {  	s26 =	simm.s32 @!p1 $0x1B700;
	s23 =	sshll.u32 @!p1 s23, $0x9;
	s25 =	sand.u32 @!p1 $0x70, s25;
	[tilespmem:s15+$0x10] =	vst v3  }
0x232: {  	s30 =	sadd.s32 $0x1, s30;
	s23 =	sand.u32 @!p1 $0xF000, s23;
	s25 =	sadd.s32 @!p1 s2, s25;
	[tilespmem:s15+$0x20] =	vst v1  }
0x233: {  	s23 =	sadd.s32 @!p1 s23, s25;
	[tilespmem:s15+$0xFFFFFFC0] =	vst v2;
	s15 =	simm.s32 @!p1 $0x80;
	s25 =	simm.s32 @!p1 $0x400  }
0x234: {  	[tilespmem:s26], [sflag:$0x4] =	stream.strided.gather @!p1 [hbm4b:s23+s15], $0x1000, s25, s15, $0x38;
	[tilespmem:$0x1E700] =	vst v63  }
0x235: {  	p1 =	sne.s32 s30, $0xC  }
.Ltmp14:
0x236: {  	_ = 	snop;
	(pc) =	sbr.rel @p1 .LBB2_46-.Ltmp14, $4  }
0x237: {  	_ = 	snop  }
0x238: {  	s1 =	sor.u32 $0xC000, s1  }
0x239: {  	s1 =	sadd.s32 s5, s1  }
0x23a: {  	[hbm4b:s1+s16] =	stream.strided.scatter [tilespmem:s8], [sflag:$0x6], $0x1000, s17, s16, $0x38;
	[tilespmem:$0x1E700] =	vst v63  }
0x23b: {  	_ =	swait.ge [sflag:s24], $0x1000  }
0x23c: {  	[sflag:s24] =	ssyncset.done $0x0  }
0x23d: {  	[sflag:s24] =	ssyncadd.s32 $0xFFFFF000  }
0x23e: {  	_ =	swait.ge [sflag:s21], $0x1000  }
0x23f: {  	[sflag:s21] =	ssyncset.done $0x0  }
0x240: {  	s1 =	simm.s32 $0x18740;
	[sflag:s21] =	ssyncadd.s32 $0xFFFFF000  }
0x241: {  	v1 =	vld [tilespmem:s1+$0x30]  }
0x242: {  	v2 =	vld [tilespmem:s1+$0xFFFFFFD0]  }
0x243: {  	v3 =	vld [tilespmem:s1+$0xFFFFFFE0]  }
0x244: {  	v4 =	vld [tilespmem:s1+$0xFFFFFFF0]  }
0x245: {  	v5 =	vld [tilespmem:s1+$0x0]  }
0x246: {  	v7 =	vld [tilespmem:s1+$0x10]  }
0x247: {  	v8 =	vld [tilespmem:s1+$0x20]  }
0x248: {  	v9 =	vld [tilespmem:s1+$0xFFFFFFC0]  }
0x249: {  	v10 =	vld.idx.msk [tilespmem:v1+s6+$0x0], $0xffff  }
0x24a: {  	v11 =	vld.idx.msk [tilespmem:v2+s6+$0x0], $0xffff  }
0x24b: {  	v6 =	vld.idx.msk [tilespmem:v3+s6+$0x0], $0xffff  }
0x24c: {  	v4 =	vld.idx.msk [tilespmem:v4+s6+$0x0], $0xffff  }
0x24d: {  	v1 =	vld.idx.msk [tilespmem:v5+s6+$0x0], $0xffff  }
0x24e: {  	s1 =	simm.s32 $0x1C740;
	v2 =	vld.idx.msk [tilespmem:v7+s6+$0x0], $0xffff  }
0x24f: {  	v3 =	vld.idx.msk [tilespmem:v8+s6+$0x0], $0xffff;
	[tilespmem:s1+$0x30] =	vst v10  }
0x250: {  	s15 =	simm.s32 $0x0;
	s23 =	simm.s32 $0x187C0;
	v5 =	vld.idx.msk [tilespmem:v9+s6+$0x0], $0xffff;
	[tilespmem:s1+$0xFFFFFFD0] =	vst v11  }
.LBB2_56:
0x251: {  	v7 =	vld [tilespmem:s23+$0x30];
	s15 =	sadd.s32 $0x80, s15;
	[tilespmem:s1+$0xFFFFFFE0] =	vst v6  }
0x252: {  	v6 =	vld [tilespmem:s23+$0xFFFFFFD0];
	p1 =	slt.u32 s15, $0xF80;
	[tilespmem:s1+$0xFFFFFFF0] =	vst v4  }
0x253: {  	v4 =	vld [tilespmem:s23+$0xFFFFFFE0];
	[tilespmem:s1+$0x0] =	vst v1  }
0x254: {  	v1 =	vld [tilespmem:s23+$0xFFFFFFF0];
	[tilespmem:s1+$0x10] =	vst v2  }
0x255: {  	v2 =	vld [tilespmem:s23+$0x0];
	[tilespmem:s1+$0x20] =	vst v3  }
0x256: {  	v3 =	vld [tilespmem:s23+$0x10];
	[tilespmem:s1+$0xFFFFFFC0] =	vst v5  }
0x257: {  	v5 =	vld [tilespmem:s23+$0x20]  }
0x258: {  	v8 =	vld [tilespmem:s23+$0xFFFFFFC0]  }
0x259: {  	v7 =	vld.idx.msk [tilespmem:v7+s6+$0x0], $0xffff  }
0x25a: {  	v9 =	vld.idx.msk [tilespmem:v6+s6+$0x0], $0xffff  }
0x25b: {  	v6 =	vld.idx.msk [tilespmem:v4+s6+$0x0], $0xffff  }
.Ltmp15:
0x25c: {  	v4 =	vld.idx.msk [tilespmem:v1+s6+$0x0], $0xffff;
	(pc) =	sbr.rel @p1 .LBB2_56-.Ltmp15, $4  }
0x25d: {  	v1 =	vld.idx.msk [tilespmem:v2+s6+$0x0], $0xffff  }
0x25e: {  	s1 =	sadd.s32 $0x80, s1;
	v2 =	vld.idx.msk [tilespmem:v3+s6+$0x0], $0xffff  }
0x25f: {  	v3 =	vld.idx.msk [tilespmem:v5+s6+$0x0], $0xffff;
	[tilespmem:s1+$0x30] =	vst v7  }
0x260: {  	s23 =	sadd.s32 $0x80, s23;
	v5 =	vld.idx.msk [tilespmem:v8+s6+$0x0], $0xffff;
	[tilespmem:s1+$0xFFFFFFD0] =	vst v9  }
0x261: {  	[tilespmem:s1+$0xFFFFFFE0] =	vst v6  }
0x262: {  	[tilespmem:s1+$0xFFFFFFF0] =	vst v4  }
0x263: {  	[tilespmem:s1+$0x0] =	vst v1  }
0x264: {  	[tilespmem:s1+$0x10] =	vst v2  }
0x265: {  	[tilespmem:s1+$0x20] =	vst v3  }
0x266: {  	[tilespmem:s1+$0xFFFFFFC0] =	vst v5  }
0x267: {  	s1 =	rddreg [dreg:$0x16]  }
0x268: {  	[hbm4b:s1+s16] =	stream.strided.scatter [tilespmem:s14], [sflag:$0x5], $0x1000, s17, s16, $0x38;
	[tilespmem:$0x1E700] =	vst v63  }
0x269: {  	_ =	swait.ge [sflag:s20], $0x1000  }
0x26a: {  	[sflag:s20] =	ssyncset.done $0x0  }
0x26b: {  	[sflag:s20] =	ssyncadd.s32 $0xFFFFF000  }
0x26c: {  	_ =	swait.ge [sflag:s22], $0x1000  }
0x26d: {  	[sflag:s22] =	ssyncset.done $0x0  }
0x26e: {  	s31 =	simm.s32 $0x19740;
	[sflag:s22] =	ssyncadd.s32 $0xFFFFF000  }
0x26f: {  	v1 =	vld [tilespmem:s31+$0x30]  }
0x270: {  	v2 =	vld [tilespmem:s31+$0xFFFFFFD0]  }
0x271: {  	v3 =	vld [tilespmem:s31+$0xFFFFFFE0]  }
0x272: {  	v4 =	vld [tilespmem:s31+$0xFFFFFFF0]  }
0x273: {  	v5 =	vld [tilespmem:s31+$0x0]  }
0x274: {  	v7 =	vld [tilespmem:s31+$0x10]  }
0x275: {  	v8 =	vld [tilespmem:s31+$0x20]  }
0x276: {  	v9 =	vld [tilespmem:s31+$0xFFFFFFC0]  }
0x277: {  	v10 =	vld.idx.msk [tilespmem:v1+s6+$0x0], $0xffff  }
0x278: {  	v11 =	vld.idx.msk [tilespmem:v2+s6+$0x0], $0xffff  }
0x279: {  	v6 =	vld.idx.msk [tilespmem:v3+s6+$0x0], $0xffff  }
0x27a: {  	v4 =	vld.idx.msk [tilespmem:v4+s6+$0x0], $0xffff  }
0x27b: {  	v1 =	vld.idx.msk [tilespmem:v5+s6+$0x0], $0xffff  }
0x27c: {  	s1 =	simm.s32 $0x1D740;
	v2 =	vld.idx.msk [tilespmem:v7+s6+$0x0], $0xffff  }
0x27d: {  	v3 =	vld.idx.msk [tilespmem:v8+s6+$0x0], $0xffff;
	[tilespmem:s1+$0x30] =	vst v10  }
0x27e: {  	s15 =	simm.s32 $0x0;
	s23 =	simm.s32 $0x197C0;
	v5 =	vld.idx.msk [tilespmem:v9+s6+$0x0], $0xffff;
	[tilespmem:s1+$0xFFFFFFD0] =	vst v11  }
.LBB2_58:
0x27f: {  	v7 =	vld [tilespmem:s23+$0x30];
	s15 =	sadd.s32 $0x80, s15;
	[tilespmem:s1+$0xFFFFFFE0] =	vst v6  }
0x280: {  	v6 =	vld [tilespmem:s23+$0xFFFFFFD0];
	p1 =	slt.u32 s15, $0xF80;
	[tilespmem:s1+$0xFFFFFFF0] =	vst v4  }
0x281: {  	v4 =	vld [tilespmem:s23+$0xFFFFFFE0];
	[tilespmem:s1+$0x0] =	vst v1  }
0x282: {  	v1 =	vld [tilespmem:s23+$0xFFFFFFF0];
	[tilespmem:s1+$0x10] =	vst v2  }
0x283: {  	v2 =	vld [tilespmem:s23+$0x0];
	[tilespmem:s1+$0x20] =	vst v3  }
0x284: {  	v3 =	vld [tilespmem:s23+$0x10];
	[tilespmem:s1+$0xFFFFFFC0] =	vst v5  }
0x285: {  	v5 =	vld [tilespmem:s23+$0x20]  }
0x286: {  	v8 =	vld [tilespmem:s23+$0xFFFFFFC0]  }
0x287: {  	v7 =	vld.idx.msk [tilespmem:v7+s6+$0x0], $0xffff  }
0x288: {  	v9 =	vld.idx.msk [tilespmem:v6+s6+$0x0], $0xffff  }
0x289: {  	v6 =	vld.idx.msk [tilespmem:v4+s6+$0x0], $0xffff  }
.Ltmp16:
0x28a: {  	v4 =	vld.idx.msk [tilespmem:v1+s6+$0x0], $0xffff;
	(pc) =	sbr.rel @p1 .LBB2_58-.Ltmp16, $4  }
0x28b: {  	v1 =	vld.idx.msk [tilespmem:v2+s6+$0x0], $0xffff  }
0x28c: {  	s1 =	sadd.s32 $0x80, s1;
	v2 =	vld.idx.msk [tilespmem:v3+s6+$0x0], $0xffff  }
0x28d: {  	v3 =	vld.idx.msk [tilespmem:v5+s6+$0x0], $0xffff;
	[tilespmem:s1+$0x30] =	vst v7  }
0x28e: {  	s23 =	sadd.s32 $0x80, s23;
	v5 =	vld.idx.msk [tilespmem:v8+s6+$0x0], $0xffff;
	[tilespmem:s1+$0xFFFFFFD0] =	vst v9  }
0x28f: {  	[tilespmem:s1+$0xFFFFFFE0] =	vst v6  }
0x290: {  	[tilespmem:s1+$0xFFFFFFF0] =	vst v4  }
0x291: {  	[tilespmem:s1+$0x0] =	vst v1  }
.Ltmp17:
0x292: {  	[tilespmem:s1+$0x10] =	vst v2;
	(pc) =	sbr.rel .LBB2_60-.Ltmp17, $4  }
0x293: {  	[tilespmem:s1+$0x20] =	vst v3  }
0x294: {  	[tilespmem:s1+$0xFFFFFFC0] =	vst v5  }
0x295: {  	s1 =	rddreg [dreg:$0x12]  }
0x296: {  	s23 =	rddreg [dreg:$0x1c]  }
.LBB2_2:
0x297: {  	s1 =	rddreg [dreg:$0x7]  }
0x298: {  	[tilespmem:s30], [sflag:$0x7] =	stream.strided.gather [hbm4b:s1+s16], $0x18700, s17, s16, $0x38;
	[tilespmem:$0x1E700] =	vst v63  }
0x299: {  	_ = 	snop  }
0x29a: {  	[tilespmem:s18], [sflag:$0x1] =	stream.strided.gather [hbm4b:s0+s16], $0x1000, s17, s16, $0x38;
	[tilespmem:$0x1E700] =	vst v63  }
0x29b: {  	s15 =	rddreg [dreg:$0x8]  }
0x29c: {  	[tilespmem:s19], [sflag:$0x2] =	stream.strided.gather [hbm4b:s15+s16], $0x1000, s17, s16, $0x38;
	[tilespmem:$0x1E700] =	vst v63  }
0x29d: {  	s23 =	rddreg [dreg:$0x9];
	s15 =	simm.s32 $0x1A700  }
0x29e: {  	[tilespmem:s15], [sflag:$0x3] =	stream.strided.gather [hbm4b:s23+s16], $0x1000, s17, s16, $0x38;
	[tilespmem:$0x1E700] =	vst v63  }
0x29f: {  	s25 =	rddreg [dreg:$0xa];
	s26 =	simm.s32 $0x1B700;
	s31 =	simm.s32 $0x7  }
0x2a0: {  	[tilespmem:s26], [sflag:$0x4] =	stream.strided.gather [hbm4b:s25+s16], $0x1000, s17, s16, $0x38;
	[tilespmem:$0x1E700] =	vst v63  }
0x2a1: {  	_ =	swait.ge [sflag:s31], $0x18700  }
0x2a2: {  	[sflag:s31] =	ssyncset.done $0x0  }
0x2a3: {  	[sflag:s31] =	ssyncadd.s32 $0xFFFE7900  }
0x2a4: {  	v1 =	vld [tilespmem:$0x0];
	_ =	sdelay $0x3  }
0x2a5: {  	vm0 =	veq.s32 v0, $0x0  }
0x2a6: {  	v1 =	vsel vm0, $0x0, v1  }
0x2a7: {  	[tilespmem:$0x0] =	vst v1  }
.LBB2_3:
0x2a8: {  	_ =	swait.ge [sflag:s24], $0x1000  }
0x2a9: {  	p1 =	seq.s32 s30, $0x0;
	[sflag:s24] =	ssyncset.done $0x0  }
0x2aa: {  	s1 =	simm.s32 @!p1 $0x5;
	[sflag:s24] =	ssyncadd.s32 $0xFFFFF000  }
0x2ab: {  	_ =	swait.ge @!p1 [sflag:s1], $0x1000  }
0x2ac: {  	[sflag:s1] =	ssyncset.done @!p1 $0x0  }
0x2ad: {  	s26 =	simm.s32 $0x18740;
	[sflag:s1] =	ssyncadd.s32 @!p1 $0xFFFFF000  }
0x2ae: {  	v1 =	vld [tilespmem:s26+$0x30]  }
0x2af: {  	v2 =	vld [tilespmem:s26+$0xFFFFFFD0]  }
0x2b0: {  	v3 =	vld [tilespmem:s26+$0xFFFFFFE0]  }
0x2b1: {  	v4 =	vld [tilespmem:s26+$0xFFFFFFF0]  }
0x2b2: {  	v7 =	vld [tilespmem:s26+$0x0]  }
0x2b3: {  	v8 =	vld [tilespmem:s26+$0x10]  }
0x2b4: {  	v9 =	vld [tilespmem:s26+$0x20]  }
0x2b5: {  	v10 =	vld [tilespmem:s26+$0xFFFFFFC0]  }
0x2b6: {  	v11 =	vld.idx.msk [tilespmem:v1+s6+$0x0], $0xffff  }
0x2b7: {  	v12 =	vld.idx.msk [tilespmem:v2+s6+$0x0], $0xffff  }
0x2b8: {  	v6 =	vld.idx.msk [tilespmem:v3+s6+$0x0], $0xffff  }
0x2b9: {  	v5 =	vld.idx.msk [tilespmem:v4+s6+$0x0], $0xffff  }
0x2ba: {  	v4 =	vld.idx.msk [tilespmem:v7+s6+$0x0], $0xffff  }
0x2bb: {  	s1 =	simm.s32 $0x1C740;
	v3 =	vld.idx.msk [tilespmem:v8+s6+$0x0], $0xffff  }
0x2bc: {  	v1 =	vld.idx.msk [tilespmem:v9+s6+$0x0], $0xffff;
	[tilespmem:s1+$0x30] =	vst v11  }
0x2bd: {  	s31 =	sshll.u32 s30, $0x2;
	s15 =	simm.s32 $0x0;
	s23 =	simm.s32 $0x187C0;
	v2 =	vld.idx.msk [tilespmem:v10+s6+$0x0], $0xffff;
	[tilespmem:s1+$0xFFFFFFD0] =	vst v12  }
.LBB2_4:
0x2be: {  	v7 =	vld [tilespmem:s23+$0x30];
	s15 =	sadd.s32 $0x80, s15;
	[tilespmem:s1+$0xFFFFFFE0] =	vst v6  }
0x2bf: {  	v6 =	vld [tilespmem:s23+$0xFFFFFFD0];
	p2 =	slt.u32 s15, $0xF80;
	[tilespmem:s1+$0xFFFFFFF0] =	vst v5  }
0x2c0: {  	v5 =	vld [tilespmem:s23+$0xFFFFFFE0];
	[tilespmem:s1+$0x0] =	vst v4  }
0x2c1: {  	v4 =	vld [tilespmem:s23+$0xFFFFFFF0];
	[tilespmem:s1+$0x10] =	vst v3  }
0x2c2: {  	v3 =	vld [tilespmem:s23+$0x0];
	[tilespmem:s1+$0x20] =	vst v1  }
0x2c3: {  	v1 =	vld [tilespmem:s23+$0x10];
	[tilespmem:s1+$0xFFFFFFC0] =	vst v2  }
0x2c4: {  	v2 =	vld [tilespmem:s23+$0x20]  }
0x2c5: {  	v8 =	vld [tilespmem:s23+$0xFFFFFFC0]  }
0x2c6: {  	v7 =	vld.idx.msk [tilespmem:v7+s6+$0x0], $0xffff  }
0x2c7: {  	v9 =	vld.idx.msk [tilespmem:v6+s6+$0x0], $0xffff  }
0x2c8: {  	v6 =	vld.idx.msk [tilespmem:v5+s6+$0x0], $0xffff  }
.Ltmp18:
0x2c9: {  	v5 =	vld.idx.msk [tilespmem:v4+s6+$0x0], $0xffff;
	(pc) =	sbr.rel @p2 .LBB2_4-.Ltmp18, $4  }
0x2ca: {  	v4 =	vld.idx.msk [tilespmem:v3+s6+$0x0], $0xffff  }
0x2cb: {  	s1 =	sadd.s32 $0x80, s1;
	v3 =	vld.idx.msk [tilespmem:v1+s6+$0x0], $0xffff  }
0x2cc: {  	v1 =	vld.idx.msk [tilespmem:v2+s6+$0x0], $0xffff;
	[tilespmem:s1+$0x30] =	vst v7  }
0x2cd: {  	s23 =	sadd.s32 $0x80, s23;
	v2 =	vld.idx.msk [tilespmem:v8+s6+$0x0], $0xffff;
	[tilespmem:s1+$0xFFFFFFD0] =	vst v9  }
0x2ce: {  	[tilespmem:s1+$0xFFFFFFE0] =	vst v6  }
0x2cf: {  	[tilespmem:s1+$0xFFFFFFF0] =	vst v5;
	s15 =	sadd.s32 $0x4, s31  }
0x2d0: {  	[tilespmem:s1+$0x0] =	vst v4;
	s23 =	sshll.u32 s15, $0x4  }
0x2d1: {  	s15 =	sshll.u32 s15, $0x9;
	[tilespmem:s1+$0x10] =	vst v3;
	s23 =	sand.u32 $0x40, s23  }
0x2d2: {  	s15 =	sand.u32 $0xF000, s15;
	[tilespmem:s1+$0x20] =	vst v1;
	s23 =	sadd.s32 s0, s23  }
0x2d3: {  	[tilespmem:s1+$0xFFFFFFC0] =	vst v2;
	s15 =	sadd.s32 s15, s23;
	s23 =	sshll.u32 s30, $0x13  }
0x2d4: {  	[tilespmem:s18], [sflag:$0x1] =	stream.strided.gather [hbm4b:s15+s16], $0x1000, s17, s16, $0x38;
	[tilespmem:$0x1E700] =	vst v63  }
0x2d5: {  	s1 =	sor.u32 s11, s23  }
0x2d6: {  	s1 =	sshrl.u32 s1, $0x3  }
0x2d7: {  	s25 =	sadd.s32 s4, s1  }
0x2d8: {  	[hbm4b:s25+s16] =	stream.strided.scatter [tilespmem:s14], [sflag:$0x5], $0x1000, s17, s16, $0x38;
	[tilespmem:$0x1E700] =	vst v63  }
0x2d9: {  	_ =	swait.ge [sflag:s20], $0x1000  }
0x2da: {  	[sflag:s20] =	ssyncset.done $0x0  }
0x2db: {  	s15 =	simm.s32 @!p1 $0x6;
	[sflag:s20] =	ssyncadd.s32 $0xFFFFF000  }
0x2dc: {  	_ =	swait.ge @!p1 [sflag:s15], $0x1000  }
0x2dd: {  	[sflag:s15] =	ssyncset.done @!p1 $0x0  }
0x2de: {  	s26 =	simm.s32 $0x19740;
	[sflag:s15] =	ssyncadd.s32 @!p1 $0xFFFFF000  }
0x2df: {  	v1 =	vld [tilespmem:s26+$0x30]  }
0x2e0: {  	v2 =	vld [tilespmem:s26+$0xFFFFFFD0]  }
0x2e1: {  	v3 =	vld [tilespmem:s26+$0xFFFFFFE0]  }
0x2e2: {  	v4 =	vld [tilespmem:s26+$0xFFFFFFF0]  }
0x2e3: {  	v7 =	vld [tilespmem:s26+$0x0]  }
0x2e4: {  	v8 =	vld [tilespmem:s26+$0x10]  }
0x2e5: {  	v9 =	vld [tilespmem:s26+$0x20]  }
0x2e6: {  	v10 =	vld [tilespmem:s26+$0xFFFFFFC0]  }
0x2e7: {  	v11 =	vld.idx.msk [tilespmem:v1+s6+$0x0], $0xffff  }
0x2e8: {  	v12 =	vld.idx.msk [tilespmem:v2+s6+$0x0], $0xffff  }
0x2e9: {  	v6 =	vld.idx.msk [tilespmem:v3+s6+$0x0], $0xffff  }
0x2ea: {  	v5 =	vld.idx.msk [tilespmem:v4+s6+$0x0], $0xffff  }
0x2eb: {  	v4 =	vld.idx.msk [tilespmem:v7+s6+$0x0], $0xffff  }
0x2ec: {  	s15 =	simm.s32 $0x1D740;
	v3 =	vld.idx.msk [tilespmem:v8+s6+$0x0], $0xffff  }
0x2ed: {  	v1 =	vld.idx.msk [tilespmem:v9+s6+$0x0], $0xffff;
	[tilespmem:s15+$0x30] =	vst v11  }
0x2ee: {  	s23 =	simm.s32 $0x0;
	s25 =	simm.s32 $0x197C0;
	v2 =	vld.idx.msk [tilespmem:v10+s6+$0x0], $0xffff;
	[tilespmem:s15+$0xFFFFFFD0] =	vst v12  }
.LBB2_6:
0x2ef: {  	v7 =	vld [tilespmem:s25+$0x30];
	s23 =	sadd.s32 $0x80, s23;
	[tilespmem:s15+$0xFFFFFFE0] =	vst v6  }
0x2f0: {  	v6 =	vld [tilespmem:s25+$0xFFFFFFD0];
	p1 =	slt.u32 s23, $0xF80;
	[tilespmem:s15+$0xFFFFFFF0] =	vst v5  }
0x2f1: {  	v5 =	vld [tilespmem:s25+$0xFFFFFFE0];
	[tilespmem:s15+$0x0] =	vst v4  }
0x2f2: {  	v4 =	vld [tilespmem:s25+$0xFFFFFFF0];
	[tilespmem:s15+$0x10] =	vst v3  }
0x2f3: {  	v3 =	vld [tilespmem:s25+$0x0];
	[tilespmem:s15+$0x20] =	vst v1  }
0x2f4: {  	v1 =	vld [tilespmem:s25+$0x10];
	[tilespmem:s15+$0xFFFFFFC0] =	vst v2  }
0x2f5: {  	v2 =	vld [tilespmem:s25+$0x20]  }
0x2f6: {  	v8 =	vld [tilespmem:s25+$0xFFFFFFC0]  }
0x2f7: {  	v7 =	vld.idx.msk [tilespmem:v7+s6+$0x0], $0xffff  }
0x2f8: {  	v9 =	vld.idx.msk [tilespmem:v6+s6+$0x0], $0xffff  }
0x2f9: {  	v6 =	vld.idx.msk [tilespmem:v5+s6+$0x0], $0xffff  }
.Ltmp19:
0x2fa: {  	v5 =	vld.idx.msk [tilespmem:v4+s6+$0x0], $0xffff;
	(pc) =	sbr.rel @p1 .LBB2_6-.Ltmp19, $4  }
0x2fb: {  	v4 =	vld.idx.msk [tilespmem:v3+s6+$0x0], $0xffff  }
0x2fc: {  	s15 =	sadd.s32 $0x80, s15;
	v3 =	vld.idx.msk [tilespmem:v1+s6+$0x0], $0xffff  }
0x2fd: {  	v1 =	vld.idx.msk [tilespmem:v2+s6+$0x0], $0xffff;
	[tilespmem:s15+$0x30] =	vst v7  }
0x2fe: {  	s25 =	sadd.s32 $0x80, s25;
	v2 =	vld.idx.msk [tilespmem:v8+s6+$0x0], $0xffff;
	[tilespmem:s15+$0xFFFFFFD0] =	vst v9  }
0x2ff: {  	[tilespmem:s15+$0xFFFFFFE0] =	vst v6  }
0x300: {  	[tilespmem:s15+$0xFFFFFFF0] =	vst v5;
	s23 =	sadd.s32 $0x5, s31  }
0x301: {  	[tilespmem:s15+$0x0] =	vst v4;
	s25 =	sshll.u32 s23, $0x4  }
0x302: {  	s23 =	sshll.u32 s23, $0x9;
	[tilespmem:s15+$0x10] =	vst v3;
	s25 =	sand.u32 $0x50, s25  }
0x303: {  	s23 =	sand.u32 $0xF000, s23;
	[tilespmem:s15+$0x20] =	vst v1;
	s25 =	sadd.s32 s0, s25  }
0x304: {  	[tilespmem:s15+$0xFFFFFFC0] =	vst v2;
	s23 =	sadd.s32 s23, s25  }
0x305: {  	[tilespmem:s19], [sflag:$0x2] =	stream.strided.gather [hbm4b:s23+s16], $0x1000, s17, s16, $0x38;
	[tilespmem:$0x1E700] =	vst v63  }
0x306: {  	s25 =	rddreg [dreg:$0x18]  }
0x307: {  	s15 =	sadd.s32 s1, s25  }
0x308: {  	[hbm4b:s15+s16] =	stream.strided.scatter [tilespmem:s8], [sflag:$0x6], $0x1000, s17, s16, $0x38;
	[tilespmem:$0x1E700] =	vst v63  }
0x309: {  	_ =	swait.ge [sflag:s9], $0x1000  }
0x30a: {  	[sflag:s9] =	ssyncset.done $0x0  }
0x30b: {  	[sflag:s9] =	ssyncadd.s32 $0xFFFFF000  }
0x30c: {  	_ =	swait.ge [sflag:s21], $0x1000  }
0x30d: {  	[sflag:s21] =	ssyncset.done $0x0  }
0x30e: {  	s26 =	simm.s32 $0x1A740;
	[sflag:s21] =	ssyncadd.s32 $0xFFFFF000  }
0x30f: {  	v1 =	vld [tilespmem:s26+$0x30]  }
0x310: {  	v2 =	vld [tilespmem:s26+$0xFFFFFFD0]  }
0x311: {  	v3 =	vld [tilespmem:s26+$0xFFFFFFE0]  }
0x312: {  	v4 =	vld [tilespmem:s26+$0xFFFFFFF0]  }
0x313: {  	v7 =	vld [tilespmem:s26+$0x0]  }
0x314: {  	v8 =	vld [tilespmem:s26+$0x10]  }
0x315: {  	v9 =	vld [tilespmem:s26+$0x20]  }
0x316: {  	v10 =	vld [tilespmem:s26+$0xFFFFFFC0]  }
0x317: {  	v11 =	vld.idx.msk [tilespmem:v1+s6+$0x0], $0xffff  }
0x318: {  	v12 =	vld.idx.msk [tilespmem:v2+s6+$0x0], $0xffff  }
0x319: {  	v6 =	vld.idx.msk [tilespmem:v3+s6+$0x0], $0xffff  }
0x31a: {  	v5 =	vld.idx.msk [tilespmem:v4+s6+$0x0], $0xffff  }
0x31b: {  	v4 =	vld.idx.msk [tilespmem:v7+s6+$0x0], $0xffff  }
0x31c: {  	s15 =	simm.s32 $0x1C740;
	v3 =	vld.idx.msk [tilespmem:v8+s6+$0x0], $0xffff  }
0x31d: {  	v1 =	vld.idx.msk [tilespmem:v9+s6+$0x0], $0xffff;
	[tilespmem:s15+$0x30] =	vst v11  }
0x31e: {  	s23 =	simm.s32 $0x0;
	s25 =	simm.s32 $0x1A7C0;
	v2 =	vld.idx.msk [tilespmem:v10+s6+$0x0], $0xffff;
	[tilespmem:s15+$0xFFFFFFD0] =	vst v12  }
.LBB2_8:
0x31f: {  	v7 =	vld [tilespmem:s25+$0x30];
	s23 =	sadd.s32 $0x80, s23;
	[tilespmem:s15+$0xFFFFFFE0] =	vst v6  }
0x320: {  	v6 =	vld [tilespmem:s25+$0xFFFFFFD0];
	p1 =	slt.u32 s23, $0xF80;
	[tilespmem:s15+$0xFFFFFFF0] =	vst v5  }
0x321: {  	v5 =	vld [tilespmem:s25+$0xFFFFFFE0];
	[tilespmem:s15+$0x0] =	vst v4  }
0x322: {  	v4 =	vld [tilespmem:s25+$0xFFFFFFF0];
	[tilespmem:s15+$0x10] =	vst v3  }
0x323: {  	v3 =	vld [tilespmem:s25+$0x0];
	[tilespmem:s15+$0x20] =	vst v1  }
0x324: {  	v1 =	vld [tilespmem:s25+$0x10];
	[tilespmem:s15+$0xFFFFFFC0] =	vst v2  }
0x325: {  	v2 =	vld [tilespmem:s25+$0x20]  }
0x326: {  	v8 =	vld [tilespmem:s25+$0xFFFFFFC0]  }
0x327: {  	v7 =	vld.idx.msk [tilespmem:v7+s6+$0x0], $0xffff  }
0x328: {  	v9 =	vld.idx.msk [tilespmem:v6+s6+$0x0], $0xffff  }
0x329: {  	v6 =	vld.idx.msk [tilespmem:v5+s6+$0x0], $0xffff  }
.Ltmp20:
0x32a: {  	v5 =	vld.idx.msk [tilespmem:v4+s6+$0x0], $0xffff;
	(pc) =	sbr.rel @p1 .LBB2_8-.Ltmp20, $4  }
0x32b: {  	v4 =	vld.idx.msk [tilespmem:v3+s6+$0x0], $0xffff  }
0x32c: {  	s15 =	sadd.s32 $0x80, s15;
	v3 =	vld.idx.msk [tilespmem:v1+s6+$0x0], $0xffff  }
0x32d: {  	v1 =	vld.idx.msk [tilespmem:v2+s6+$0x0], $0xffff;
	[tilespmem:s15+$0x30] =	vst v7  }
0x32e: {  	s25 =	sadd.s32 $0x80, s25;
	v2 =	vld.idx.msk [tilespmem:v8+s6+$0x0], $0xffff;
	[tilespmem:s15+$0xFFFFFFD0] =	vst v9  }
0x32f: {  	p1 =	seq.s32 s30, $0xB;
	[tilespmem:s15+$0xFFFFFFE0] =	vst v6  }
0x330: {  	[tilespmem:s15+$0xFFFFFFF0] =	vst v5;
	s23 =	sadd.s32 @!p1 $0x6, s31  }
0x331: {  	[tilespmem:s15+$0x0] =	vst v4;
	s25 =	sshll.u32 @!p1 s23, $0x4  }
0x332: {  	s23 =	sshll.u32 @!p1 s23, $0x9;
	[tilespmem:s15+$0x10] =	vst v3;
	s25 =	sand.u32 @!p1 $0x60, s25  }
0x333: {  	s26 =	simm.s32 @!p1 $0x1A700;
	s23 =	sand.u32 @!p1 $0xF000, s23;
	[tilespmem:s15+$0x20] =	vst v1;
	s25 =	sadd.s32 @!p1 s0, s25  }
0x334: {  	[tilespmem:s15+$0xFFFFFFC0] =	vst v2;
	s15 =	simm.s32 @!p1 $0x80;
	s23 =	sadd.s32 @!p1 s23, s25;
	s25 =	simm.s32 @!p1 $0x400  }
0x335: {  	[tilespmem:s26], [sflag:$0x3] =	stream.strided.gather @!p1 [hbm4b:s23+s15], $0x1000, s25, s15, $0x38;
	[tilespmem:$0x1E700] =	vst v63  }
0x336: {  	s25 =	sadd.s32 s1, s28  }
0x337: {  	[hbm4b:s25+s16] =	stream.strided.scatter [tilespmem:s14], [sflag:$0x5], $0x1000, s17, s16, $0x38;
	[tilespmem:$0x1E700] =	vst v63  }
0x338: {  	_ =	swait.ge [sflag:s10], $0x1000  }
0x339: {  	[sflag:s10] =	ssyncset.done $0x0  }
0x33a: {  	[sflag:s10] =	ssyncadd.s32 $0xFFFFF000  }
0x33b: {  	_ =	swait.ge [sflag:s22], $0x1000  }
0x33c: {  	[sflag:s22] =	ssyncset.done $0x0  }
0x33d: {  	s26 =	simm.s32 $0x1B740;
	[sflag:s22] =	ssyncadd.s32 $0xFFFFF000  }
0x33e: {  	v1 =	vld [tilespmem:s26+$0x30]  }
0x33f: {  	v2 =	vld [tilespmem:s26+$0xFFFFFFD0]  }
0x340: {  	v3 =	vld [tilespmem:s26+$0xFFFFFFE0]  }
0x341: {  	v4 =	vld [tilespmem:s26+$0xFFFFFFF0]  }
0x342: {  	v7 =	vld [tilespmem:s26+$0x0]  }
0x343: {  	v8 =	vld [tilespmem:s26+$0x10]  }
0x344: {  	v9 =	vld [tilespmem:s26+$0x20]  }
0x345: {  	v10 =	vld [tilespmem:s26+$0xFFFFFFC0]  }
0x346: {  	v11 =	vld.idx.msk [tilespmem:v1+s6+$0x0], $0xffff  }
0x347: {  	v12 =	vld.idx.msk [tilespmem:v2+s6+$0x0], $0xffff  }
0x348: {  	v6 =	vld.idx.msk [tilespmem:v3+s6+$0x0], $0xffff  }
0x349: {  	v5 =	vld.idx.msk [tilespmem:v4+s6+$0x0], $0xffff  }
0x34a: {  	v4 =	vld.idx.msk [tilespmem:v7+s6+$0x0], $0xffff  }
0x34b: {  	s15 =	simm.s32 $0x1D740;
	v3 =	vld.idx.msk [tilespmem:v8+s6+$0x0], $0xffff  }
0x34c: {  	v1 =	vld.idx.msk [tilespmem:v9+s6+$0x0], $0xffff;
	[tilespmem:s15+$0x30] =	vst v11  }
0x34d: {  	s23 =	simm.s32 $0x0;
	s25 =	simm.s32 $0x1B7C0;
	v2 =	vld.idx.msk [tilespmem:v10+s6+$0x0], $0xffff;
	[tilespmem:s15+$0xFFFFFFD0] =	vst v12  }
.LBB2_10:
0x34e: {  	v7 =	vld [tilespmem:s25+$0x30];
	s23 =	sadd.s32 $0x80, s23;
	[tilespmem:s15+$0xFFFFFFE0] =	vst v6  }
0x34f: {  	v6 =	vld [tilespmem:s25+$0xFFFFFFD0];
	p2 =	slt.u32 s23, $0xF80;
	[tilespmem:s15+$0xFFFFFFF0] =	vst v5  }
0x350: {  	v5 =	vld [tilespmem:s25+$0xFFFFFFE0];
	[tilespmem:s15+$0x0] =	vst v4  }
0x351: {  	v4 =	vld [tilespmem:s25+$0xFFFFFFF0];
	[tilespmem:s15+$0x10] =	vst v3  }
0x352: {  	v3 =	vld [tilespmem:s25+$0x0];
	[tilespmem:s15+$0x20] =	vst v1  }
0x353: {  	v1 =	vld [tilespmem:s25+$0x10];
	[tilespmem:s15+$0xFFFFFFC0] =	vst v2  }
0x354: {  	v2 =	vld [tilespmem:s25+$0x20]  }
0x355: {  	v8 =	vld [tilespmem:s25+$0xFFFFFFC0]  }
0x356: {  	v7 =	vld.idx.msk [tilespmem:v7+s6+$0x0], $0xffff  }
0x357: {  	v9 =	vld.idx.msk [tilespmem:v6+s6+$0x0], $0xffff  }
0x358: {  	v6 =	vld.idx.msk [tilespmem:v5+s6+$0x0], $0xffff  }
.Ltmp21:
0x359: {  	v5 =	vld.idx.msk [tilespmem:v4+s6+$0x0], $0xffff;
	(pc) =	sbr.rel @p2 .LBB2_10-.Ltmp21, $4  }
0x35a: {  	v4 =	vld.idx.msk [tilespmem:v3+s6+$0x0], $0xffff  }
0x35b: {  	s15 =	sadd.s32 $0x80, s15;
	v3 =	vld.idx.msk [tilespmem:v1+s6+$0x0], $0xffff  }
0x35c: {  	v1 =	vld.idx.msk [tilespmem:v2+s6+$0x0], $0xffff;
	[tilespmem:s15+$0x30] =	vst v7  }
0x35d: {  	s25 =	sadd.s32 $0x80, s25;
	v2 =	vld.idx.msk [tilespmem:v8+s6+$0x0], $0xffff;
	[tilespmem:s15+$0xFFFFFFD0] =	vst v9  }
0x35e: {  	[tilespmem:s15+$0xFFFFFFE0] =	vst v6  }
0x35f: {  	s23 =	sadd.s32 @!p1 $0x7, s31;
	[tilespmem:s15+$0xFFFFFFF0] =	vst v5  }
0x360: {  	s25 =	sshll.u32 @!p1 s23, $0x4;
	[tilespmem:s15+$0x0] =	vst v4  }
0x361: {  	s26 =	simm.s32 @!p1 $0x1B700;
	s23 =	sshll.u32 @!p1 s23, $0x9;
	s25 =	sand.u32 @!p1 $0x70, s25;
	[tilespmem:s15+$0x10] =	vst v3  }
0x362: {  	s30 =	sadd.s32 $0x1, s30;
	s23 =	sand.u32 @!p1 $0xF000, s23;
	s25 =	sadd.s32 @!p1 s0, s25;
	[tilespmem:s15+$0x20] =	vst v1  }
0x363: {  	s23 =	sadd.s32 @!p1 s23, s25;
	[tilespmem:s15+$0xFFFFFFC0] =	vst v2;
	s15 =	simm.s32 @!p1 $0x80;
	s25 =	simm.s32 @!p1 $0x400  }
0x364: {  	[tilespmem:s26], [sflag:$0x4] =	stream.strided.gather @!p1 [hbm4b:s23+s15], $0x1000, s25, s15, $0x38;
	[tilespmem:$0x1E700] =	vst v63  }
0x365: {  	p1 =	sne.s32 s30, $0xC  }
.Ltmp22:
0x366: {  	_ = 	snop;
	(pc) =	sbr.rel @p1 .LBB2_3-.Ltmp22, $3  }
0x367: {  	_ =	sdelay $0x1  }
0x368: {  	s1 =	sadd.s32 s1, s29  }
0x369: {  	[hbm4b:s1+s16] =	stream.strided.scatter [tilespmem:s8], [sflag:$0x6], $0x1000, s17, s16, $0x38;
	[tilespmem:$0x1E700] =	vst v63  }
0x36a: {  	_ =	swait.ge [sflag:s24], $0x1000  }
0x36b: {  	[sflag:s24] =	ssyncset.done $0x0  }
0x36c: {  	[sflag:s24] =	ssyncadd.s32 $0xFFFFF000  }
0x36d: {  	_ =	swait.ge [sflag:s21], $0x1000  }
0x36e: {  	[sflag:s21] =	ssyncset.done $0x0  }
0x36f: {  	s1 =	simm.s32 $0x18740;
	[sflag:s21] =	ssyncadd.s32 $0xFFFFF000  }
0x370: {  	v1 =	vld [tilespmem:s1+$0x30]  }
0x371: {  	v2 =	vld [tilespmem:s1+$0xFFFFFFD0]  }
0x372: {  	v3 =	vld [tilespmem:s1+$0xFFFFFFE0]  }
0x373: {  	v4 =	vld [tilespmem:s1+$0xFFFFFFF0]  }
0x374: {  	v5 =	vld [tilespmem:s1+$0x0]  }
0x375: {  	v7 =	vld [tilespmem:s1+$0x10]  }
0x376: {  	v8 =	vld [tilespmem:s1+$0x20]  }
0x377: {  	v9 =	vld [tilespmem:s1+$0xFFFFFFC0]  }
0x378: {  	v10 =	vld.idx.msk [tilespmem:v1+s6+$0x0], $0xffff  }
0x379: {  	v11 =	vld.idx.msk [tilespmem:v2+s6+$0x0], $0xffff  }
0x37a: {  	v6 =	vld.idx.msk [tilespmem:v3+s6+$0x0], $0xffff  }
0x37b: {  	v4 =	vld.idx.msk [tilespmem:v4+s6+$0x0], $0xffff  }
0x37c: {  	v1 =	vld.idx.msk [tilespmem:v5+s6+$0x0], $0xffff  }
0x37d: {  	s1 =	simm.s32 $0x1C740;
	v2 =	vld.idx.msk [tilespmem:v7+s6+$0x0], $0xffff  }
0x37e: {  	v3 =	vld.idx.msk [tilespmem:v8+s6+$0x0], $0xffff;
	[tilespmem:s1+$0x30] =	vst v10  }
0x37f: {  	s15 =	simm.s32 $0x0;
	s23 =	simm.s32 $0x187C0;
	v5 =	vld.idx.msk [tilespmem:v9+s6+$0x0], $0xffff;
	[tilespmem:s1+$0xFFFFFFD0] =	vst v11  }
.LBB2_13:
0x380: {  	v7 =	vld [tilespmem:s23+$0x30];
	s15 =	sadd.s32 $0x80, s15;
	[tilespmem:s1+$0xFFFFFFE0] =	vst v6  }
0x381: {  	v6 =	vld [tilespmem:s23+$0xFFFFFFD0];
	p1 =	slt.u32 s15, $0xF80;
	[tilespmem:s1+$0xFFFFFFF0] =	vst v4  }
0x382: {  	v4 =	vld [tilespmem:s23+$0xFFFFFFE0];
	[tilespmem:s1+$0x0] =	vst v1  }
0x383: {  	v1 =	vld [tilespmem:s23+$0xFFFFFFF0];
	[tilespmem:s1+$0x10] =	vst v2  }
0x384: {  	v2 =	vld [tilespmem:s23+$0x0];
	[tilespmem:s1+$0x20] =	vst v3  }
0x385: {  	v3 =	vld [tilespmem:s23+$0x10];
	[tilespmem:s1+$0xFFFFFFC0] =	vst v5  }
0x386: {  	v5 =	vld [tilespmem:s23+$0x20]  }
0x387: {  	v8 =	vld [tilespmem:s23+$0xFFFFFFC0]  }
0x388: {  	v7 =	vld.idx.msk [tilespmem:v7+s6+$0x0], $0xffff  }
0x389: {  	v9 =	vld.idx.msk [tilespmem:v6+s6+$0x0], $0xffff  }
0x38a: {  	v6 =	vld.idx.msk [tilespmem:v4+s6+$0x0], $0xffff  }
.Ltmp23:
0x38b: {  	v4 =	vld.idx.msk [tilespmem:v1+s6+$0x0], $0xffff;
	(pc) =	sbr.rel @p1 .LBB2_13-.Ltmp23, $4  }
0x38c: {  	v1 =	vld.idx.msk [tilespmem:v2+s6+$0x0], $0xffff  }
0x38d: {  	s1 =	sadd.s32 $0x80, s1;
	v2 =	vld.idx.msk [tilespmem:v3+s6+$0x0], $0xffff  }
0x38e: {  	v3 =	vld.idx.msk [tilespmem:v5+s6+$0x0], $0xffff;
	[tilespmem:s1+$0x30] =	vst v7  }
0x38f: {  	s23 =	sadd.s32 $0x80, s23;
	v5 =	vld.idx.msk [tilespmem:v8+s6+$0x0], $0xffff;
	[tilespmem:s1+$0xFFFFFFD0] =	vst v9  }
0x390: {  	[tilespmem:s1+$0xFFFFFFE0] =	vst v6  }
0x391: {  	[tilespmem:s1+$0xFFFFFFF0] =	vst v4  }
0x392: {  	[tilespmem:s1+$0x0] =	vst v1  }
0x393: {  	[tilespmem:s1+$0x10] =	vst v2  }
0x394: {  	[tilespmem:s1+$0x20] =	vst v3  }
0x395: {  	[tilespmem:s1+$0xFFFFFFC0] =	vst v5  }
0x396: {  	s1 =	rddreg [dreg:$0xb]  }
0x397: {  	[hbm4b:s1+s16] =	stream.strided.scatter [tilespmem:s14], [sflag:$0x5], $0x1000, s17, s16, $0x38;
	[tilespmem:$0x1E700] =	vst v63  }
0x398: {  	_ =	swait.ge [sflag:s20], $0x1000  }
0x399: {  	[sflag:s20] =	ssyncset.done $0x0  }
0x39a: {  	[sflag:s20] =	ssyncadd.s32 $0xFFFFF000  }
0x39b: {  	_ =	swait.ge [sflag:s22], $0x1000  }
0x39c: {  	[sflag:s22] =	ssyncset.done $0x0  }
0x39d: {  	s31 =	simm.s32 $0x19740;
	[sflag:s22] =	ssyncadd.s32 $0xFFFFF000  }
0x39e: {  	v1 =	vld [tilespmem:s31+$0x30]  }
0x39f: {  	v2 =	vld [tilespmem:s31+$0xFFFFFFD0]  }
0x3a0: {  	v3 =	vld [tilespmem:s31+$0xFFFFFFE0]  }
0x3a1: {  	v4 =	vld [tilespmem:s31+$0xFFFFFFF0]  }
0x3a2: {  	v5 =	vld [tilespmem:s31+$0x0]  }
0x3a3: {  	v7 =	vld [tilespmem:s31+$0x10]  }
0x3a4: {  	v8 =	vld [tilespmem:s31+$0x20]  }
0x3a5: {  	v9 =	vld [tilespmem:s31+$0xFFFFFFC0]  }
0x3a6: {  	v10 =	vld.idx.msk [tilespmem:v1+s6+$0x0], $0xffff  }
0x3a7: {  	v11 =	vld.idx.msk [tilespmem:v2+s6+$0x0], $0xffff  }
0x3a8: {  	v6 =	vld.idx.msk [tilespmem:v3+s6+$0x0], $0xffff  }
0x3a9: {  	v4 =	vld.idx.msk [tilespmem:v4+s6+$0x0], $0xffff  }
0x3aa: {  	v1 =	vld.idx.msk [tilespmem:v5+s6+$0x0], $0xffff  }
0x3ab: {  	s1 =	simm.s32 $0x1D740;
	v2 =	vld.idx.msk [tilespmem:v7+s6+$0x0], $0xffff  }
0x3ac: {  	v3 =	vld.idx.msk [tilespmem:v8+s6+$0x0], $0xffff;
	[tilespmem:s1+$0x30] =	vst v10  }
0x3ad: {  	s15 =	simm.s32 $0x0;
	s23 =	simm.s32 $0x197C0;
	v5 =	vld.idx.msk [tilespmem:v9+s6+$0x0], $0xffff;
	[tilespmem:s1+$0xFFFFFFD0] =	vst v11  }
.LBB2_15:
0x3ae: {  	v7 =	vld [tilespmem:s23+$0x30];
	s15 =	sadd.s32 $0x80, s15;
	[tilespmem:s1+$0xFFFFFFE0] =	vst v6  }
0x3af: {  	v6 =	vld [tilespmem:s23+$0xFFFFFFD0];
	p1 =	slt.u32 s15, $0xF80;
	[tilespmem:s1+$0xFFFFFFF0] =	vst v4  }
0x3b0: {  	v4 =	vld [tilespmem:s23+$0xFFFFFFE0];
	[tilespmem:s1+$0x0] =	vst v1  }
0x3b1: {  	v1 =	vld [tilespmem:s23+$0xFFFFFFF0];
	[tilespmem:s1+$0x10] =	vst v2  }
0x3b2: {  	v2 =	vld [tilespmem:s23+$0x0];
	[tilespmem:s1+$0x20] =	vst v3  }
0x3b3: {  	v3 =	vld [tilespmem:s23+$0x10];
	[tilespmem:s1+$0xFFFFFFC0] =	vst v5  }
0x3b4: {  	v5 =	vld [tilespmem:s23+$0x20]  }
0x3b5: {  	v8 =	vld [tilespmem:s23+$0xFFFFFFC0]  }
0x3b6: {  	v7 =	vld.idx.msk [tilespmem:v7+s6+$0x0], $0xffff  }
0x3b7: {  	v9 =	vld.idx.msk [tilespmem:v6+s6+$0x0], $0xffff  }
0x3b8: {  	v6 =	vld.idx.msk [tilespmem:v4+s6+$0x0], $0xffff  }
.Ltmp24:
0x3b9: {  	v4 =	vld.idx.msk [tilespmem:v1+s6+$0x0], $0xffff;
	(pc) =	sbr.rel @p1 .LBB2_15-.Ltmp24, $4  }
0x3ba: {  	v1 =	vld.idx.msk [tilespmem:v2+s6+$0x0], $0xffff  }
0x3bb: {  	s1 =	sadd.s32 $0x80, s1;
	v2 =	vld.idx.msk [tilespmem:v3+s6+$0x0], $0xffff  }
0x3bc: {  	v3 =	vld.idx.msk [tilespmem:v5+s6+$0x0], $0xffff;
	[tilespmem:s1+$0x30] =	vst v7  }
0x3bd: {  	s23 =	sadd.s32 $0x80, s23;
	v5 =	vld.idx.msk [tilespmem:v8+s6+$0x0], $0xffff;
	[tilespmem:s1+$0xFFFFFFD0] =	vst v9  }
0x3be: {  	[tilespmem:s1+$0xFFFFFFE0] =	vst v6  }
0x3bf: {  	[tilespmem:s1+$0xFFFFFFF0] =	vst v4  }
0x3c0: {  	[tilespmem:s1+$0x0] =	vst v1  }
0x3c1: {  	[tilespmem:s1+$0x10] =	vst v2  }
0x3c2: {  	[tilespmem:s1+$0x20] =	vst v3  }
0x3c3: {  	[tilespmem:s1+$0xFFFFFFC0] =	vst v5  }
0x3c4: {  	s1 =	rddreg [dreg:$0xe]  }
0x3c5: {  	[hbm4b:s1+s16] =	stream.strided.scatter [tilespmem:s8], [sflag:$0x6], $0x1000, s17, s16, $0x38;
	[tilespmem:$0x1E700] =	vst v63  }
0x3c6: {  	_ =	swait.ge [sflag:s21], $0x1000  }
0x3c7: {  	[sflag:s21] =	ssyncset.done $0x0  }
0x3c8: {  	[sflag:s21] =	ssyncadd.s32 $0xFFFFF000  }
0x3c9: {  	_ =	swait.ge [sflag:s22], $0x1000  }
0x3ca: {  	[sflag:s22] =	ssyncset.done $0x0  }
0x3cb: {  	s30 =	simm.s32 $0x0;
	s31 =	rddreg [dreg:$0xf];
	[sflag:s22] =	ssyncadd.s32 $0xFFFFF000  }
0x3cc: {  	[tilespmem:s30], [sflag:$0x7] =	stream.strided.gather [hbm4b:s31+s16], $0x18700, s17, s16, $0x38;
	[tilespmem:$0x1E700] =	vst v63  }
0x3cd: {  	_ = 	snop  }
0x3ce: {  	[tilespmem:s18], [sflag:$0x1] =	stream.strided.gather [hbm4b:s0+s16], $0x1000, s17, s16, $0x38;
	[tilespmem:$0x1E700] =	vst v63  }
0x3cf: {  	s15 =	rddreg [dreg:$0x8]  }
0x3d0: {  	[tilespmem:s19], [sflag:$0x2] =	stream.strided.gather [hbm4b:s15+s16], $0x1000, s17, s16, $0x38;
	[tilespmem:$0x1E700] =	vst v63  }
0x3d1: {  	s23 =	rddreg [dreg:$0x9];
	s15 =	simm.s32 $0x1A700  }
0x3d2: {  	[tilespmem:s15], [sflag:$0x3] =	stream.strided.gather [hbm4b:s23+s16], $0x1000, s17, s16, $0x38;
	[tilespmem:$0x1E700] =	vst v63  }
0x3d3: {  	s26 =	simm.s32 $0x1B700;
	s25 =	rddreg [dreg:$0xa];
	s31 =	simm.s32 $0x7  }
0x3d4: {  	[tilespmem:s26], [sflag:$0x4] =	stream.strided.gather [hbm4b:s25+s16], $0x1000, s17, s16, $0x38;
	[tilespmem:$0x1E700] =	vst v63  }
0x3d5: {  	_ =	swait.ge [sflag:s31], $0x18700  }
0x3d6: {  	[sflag:s31] =	ssyncset.done $0x0  }
0x3d7: {  	[sflag:s31] =	ssyncadd.s32 $0xFFFE7900  }
0x3d8: {  	v1 =	vld [tilespmem:$0x0];
	_ =	sdelay $0x3  }
0x3d9: {  	vm0 =	veq.s32 v0, $0x0  }
0x3da: {  	v1 =	vsel vm0, $0x0, v1  }
0x3db: {  	[tilespmem:$0x0] =	vst v1  }
.LBB2_17:
0x3dc: {  	_ =	swait.ge [sflag:s24], $0x1000  }
0x3dd: {  	p1 =	seq.s32 s30, $0x0;
	[sflag:s24] =	ssyncset.done $0x0  }
0x3de: {  	s1 =	simm.s32 @!p1 $0x5;
	[sflag:s24] =	ssyncadd.s32 $0xFFFFF000  }
0x3df: {  	_ =	swait.ge @!p1 [sflag:s1], $0x1000  }
0x3e0: {  	[sflag:s1] =	ssyncset.done @!p1 $0x0  }
0x3e1: {  	s26 =	simm.s32 $0x18740;
	[sflag:s1] =	ssyncadd.s32 @!p1 $0xFFFFF000  }
0x3e2: {  	v1 =	vld [tilespmem:s26+$0x30]  }
0x3e3: {  	v2 =	vld [tilespmem:s26+$0xFFFFFFD0]  }
0x3e4: {  	v3 =	vld [tilespmem:s26+$0xFFFFFFE0]  }
0x3e5: {  	v4 =	vld [tilespmem:s26+$0xFFFFFFF0]  }
0x3e6: {  	v7 =	vld [tilespmem:s26+$0x0]  }
0x3e7: {  	v8 =	vld [tilespmem:s26+$0x10]  }
0x3e8: {  	v9 =	vld [tilespmem:s26+$0x20]  }
0x3e9: {  	v10 =	vld [tilespmem:s26+$0xFFFFFFC0]  }
0x3ea: {  	v11 =	vld.idx.msk [tilespmem:v1+s6+$0x0], $0xffff  }
0x3eb: {  	v12 =	vld.idx.msk [tilespmem:v2+s6+$0x0], $0xffff  }
0x3ec: {  	v6 =	vld.idx.msk [tilespmem:v3+s6+$0x0], $0xffff  }
0x3ed: {  	v5 =	vld.idx.msk [tilespmem:v4+s6+$0x0], $0xffff  }
0x3ee: {  	v4 =	vld.idx.msk [tilespmem:v7+s6+$0x0], $0xffff  }
0x3ef: {  	s1 =	simm.s32 $0x1C740;
	v3 =	vld.idx.msk [tilespmem:v8+s6+$0x0], $0xffff  }
0x3f0: {  	v1 =	vld.idx.msk [tilespmem:v9+s6+$0x0], $0xffff;
	[tilespmem:s1+$0x30] =	vst v11  }
0x3f1: {  	s31 =	sshll.u32 s30, $0x2;
	s15 =	simm.s32 $0x0;
	s23 =	simm.s32 $0x187C0;
	v2 =	vld.idx.msk [tilespmem:v10+s6+$0x0], $0xffff;
	[tilespmem:s1+$0xFFFFFFD0] =	vst v12  }
.LBB2_18:
0x3f2: {  	v7 =	vld [tilespmem:s23+$0x30];
	s15 =	sadd.s32 $0x80, s15;
	[tilespmem:s1+$0xFFFFFFE0] =	vst v6  }
0x3f3: {  	v6 =	vld [tilespmem:s23+$0xFFFFFFD0];
	p2 =	slt.u32 s15, $0xF80;
	[tilespmem:s1+$0xFFFFFFF0] =	vst v5  }
0x3f4: {  	v5 =	vld [tilespmem:s23+$0xFFFFFFE0];
	[tilespmem:s1+$0x0] =	vst v4  }
0x3f5: {  	v4 =	vld [tilespmem:s23+$0xFFFFFFF0];
	[tilespmem:s1+$0x10] =	vst v3  }
0x3f6: {  	v3 =	vld [tilespmem:s23+$0x0];
	[tilespmem:s1+$0x20] =	vst v1  }
0x3f7: {  	v1 =	vld [tilespmem:s23+$0x10];
	[tilespmem:s1+$0xFFFFFFC0] =	vst v2  }
0x3f8: {  	v2 =	vld [tilespmem:s23+$0x20]  }
0x3f9: {  	v8 =	vld [tilespmem:s23+$0xFFFFFFC0]  }
0x3fa: {  	v7 =	vld.idx.msk [tilespmem:v7+s6+$0x0], $0xffff  }
0x3fb: {  	v9 =	vld.idx.msk [tilespmem:v6+s6+$0x0], $0xffff  }
0x3fc: {  	v6 =	vld.idx.msk [tilespmem:v5+s6+$0x0], $0xffff  }
.Ltmp25:
0x3fd: {  	v5 =	vld.idx.msk [tilespmem:v4+s6+$0x0], $0xffff;
	(pc) =	sbr.rel @p2 .LBB2_18-.Ltmp25, $4  }
0x3fe: {  	v4 =	vld.idx.msk [tilespmem:v3+s6+$0x0], $0xffff  }
0x3ff: {  	s1 =	sadd.s32 $0x80, s1;
	v3 =	vld.idx.msk [tilespmem:v1+s6+$0x0], $0xffff  }
0x400: {  	v1 =	vld.idx.msk [tilespmem:v2+s6+$0x0], $0xffff;
	[tilespmem:s1+$0x30] =	vst v7  }
0x401: {  	s23 =	sadd.s32 $0x80, s23;
	v2 =	vld.idx.msk [tilespmem:v8+s6+$0x0], $0xffff;
	[tilespmem:s1+$0xFFFFFFD0] =	vst v9  }
0x402: {  	[tilespmem:s1+$0xFFFFFFE0] =	vst v6  }
0x403: {  	[tilespmem:s1+$0xFFFFFFF0] =	vst v5;
	s15 =	sadd.s32 $0x4, s31  }
0x404: {  	[tilespmem:s1+$0x0] =	vst v4;
	s23 =	sshll.u32 s15, $0x4  }
0x405: {  	s15 =	sshll.u32 s15, $0x9;
	[tilespmem:s1+$0x10] =	vst v3;
	s23 =	sand.u32 $0x40, s23  }
0x406: {  	s15 =	sand.u32 $0xF000, s15;
	[tilespmem:s1+$0x20] =	vst v1;
	s23 =	sadd.s32 s0, s23  }
0x407: {  	[tilespmem:s1+$0xFFFFFFC0] =	vst v2;
	s15 =	sadd.s32 s15, s23;
	s23 =	sshll.u32 s30, $0x13  }
0x408: {  	[tilespmem:s18], [sflag:$0x1] =	stream.strided.gather [hbm4b:s15+s16], $0x1000, s17, s16, $0x38;
	[tilespmem:$0x1E700] =	vst v63  }
0x409: {  	s1 =	sor.u32 s13, s23  }
0x40a: {  	s1 =	sshrl.u32 s1, $0x3  }
0x40b: {  	s25 =	sadd.s32 s4, s1  }
0x40c: {  	[hbm4b:s25+s16] =	stream.strided.scatter [tilespmem:s14], [sflag:$0x5], $0x1000, s17, s16, $0x38;
	[tilespmem:$0x1E700] =	vst v63  }
0x40d: {  	_ =	swait.ge [sflag:s20], $0x1000  }
0x40e: {  	[sflag:s20] =	ssyncset.done $0x0  }
0x40f: {  	s15 =	simm.s32 @!p1 $0x6;
	[sflag:s20] =	ssyncadd.s32 $0xFFFFF000  }
0x410: {  	_ =	swait.ge @!p1 [sflag:s15], $0x1000  }
0x411: {  	[sflag:s15] =	ssyncset.done @!p1 $0x0  }
0x412: {  	s26 =	simm.s32 $0x19740;
	[sflag:s15] =	ssyncadd.s32 @!p1 $0xFFFFF000  }
0x413: {  	v1 =	vld [tilespmem:s26+$0x30]  }
0x414: {  	v2 =	vld [tilespmem:s26+$0xFFFFFFD0]  }
0x415: {  	v3 =	vld [tilespmem:s26+$0xFFFFFFE0]  }
0x416: {  	v4 =	vld [tilespmem:s26+$0xFFFFFFF0]  }
0x417: {  	v7 =	vld [tilespmem:s26+$0x0]  }
0x418: {  	v8 =	vld [tilespmem:s26+$0x10]  }
0x419: {  	v9 =	vld [tilespmem:s26+$0x20]  }
0x41a: {  	v10 =	vld [tilespmem:s26+$0xFFFFFFC0]  }
0x41b: {  	v11 =	vld.idx.msk [tilespmem:v1+s6+$0x0], $0xffff  }
0x41c: {  	v12 =	vld.idx.msk [tilespmem:v2+s6+$0x0], $0xffff  }
0x41d: {  	v6 =	vld.idx.msk [tilespmem:v3+s6+$0x0], $0xffff  }
0x41e: {  	v5 =	vld.idx.msk [tilespmem:v4+s6+$0x0], $0xffff  }
0x41f: {  	v4 =	vld.idx.msk [tilespmem:v7+s6+$0x0], $0xffff  }
0x420: {  	s15 =	simm.s32 $0x1D740;
	v3 =	vld.idx.msk [tilespmem:v8+s6+$0x0], $0xffff  }
0x421: {  	v1 =	vld.idx.msk [tilespmem:v9+s6+$0x0], $0xffff;
	[tilespmem:s15+$0x30] =	vst v11  }
0x422: {  	s23 =	simm.s32 $0x0;
	s25 =	simm.s32 $0x197C0;
	v2 =	vld.idx.msk [tilespmem:v10+s6+$0x0], $0xffff;
	[tilespmem:s15+$0xFFFFFFD0] =	vst v12  }
.LBB2_20:
0x423: {  	v7 =	vld [tilespmem:s25+$0x30];
	s23 =	sadd.s32 $0x80, s23;
	[tilespmem:s15+$0xFFFFFFE0] =	vst v6  }
0x424: {  	v6 =	vld [tilespmem:s25+$0xFFFFFFD0];
	p1 =	slt.u32 s23, $0xF80;
	[tilespmem:s15+$0xFFFFFFF0] =	vst v5  }
0x425: {  	v5 =	vld [tilespmem:s25+$0xFFFFFFE0];
	[tilespmem:s15+$0x0] =	vst v4  }
0x426: {  	v4 =	vld [tilespmem:s25+$0xFFFFFFF0];
	[tilespmem:s15+$0x10] =	vst v3  }
0x427: {  	v3 =	vld [tilespmem:s25+$0x0];
	[tilespmem:s15+$0x20] =	vst v1  }
0x428: {  	v1 =	vld [tilespmem:s25+$0x10];
	[tilespmem:s15+$0xFFFFFFC0] =	vst v2  }
0x429: {  	v2 =	vld [tilespmem:s25+$0x20]  }
0x42a: {  	v8 =	vld [tilespmem:s25+$0xFFFFFFC0]  }
0x42b: {  	v7 =	vld.idx.msk [tilespmem:v7+s6+$0x0], $0xffff  }
0x42c: {  	v9 =	vld.idx.msk [tilespmem:v6+s6+$0x0], $0xffff  }
0x42d: {  	v6 =	vld.idx.msk [tilespmem:v5+s6+$0x0], $0xffff  }
.Ltmp26:
0x42e: {  	v5 =	vld.idx.msk [tilespmem:v4+s6+$0x0], $0xffff;
	(pc) =	sbr.rel @p1 .LBB2_20-.Ltmp26, $4  }
0x42f: {  	v4 =	vld.idx.msk [tilespmem:v3+s6+$0x0], $0xffff  }
0x430: {  	s15 =	sadd.s32 $0x80, s15;
	v3 =	vld.idx.msk [tilespmem:v1+s6+$0x0], $0xffff  }
0x431: {  	v1 =	vld.idx.msk [tilespmem:v2+s6+$0x0], $0xffff;
	[tilespmem:s15+$0x30] =	vst v7  }
0x432: {  	s25 =	sadd.s32 $0x80, s25;
	v2 =	vld.idx.msk [tilespmem:v8+s6+$0x0], $0xffff;
	[tilespmem:s15+$0xFFFFFFD0] =	vst v9  }
0x433: {  	[tilespmem:s15+$0xFFFFFFE0] =	vst v6  }
0x434: {  	[tilespmem:s15+$0xFFFFFFF0] =	vst v5;
	s23 =	sadd.s32 $0x5, s31  }
0x435: {  	[tilespmem:s15+$0x0] =	vst v4;
	s25 =	sshll.u32 s23, $0x4  }
0x436: {  	s23 =	sshll.u32 s23, $0x9;
	[tilespmem:s15+$0x10] =	vst v3;
	s25 =	sand.u32 $0x50, s25  }
0x437: {  	s23 =	sand.u32 $0xF000, s23;
	[tilespmem:s15+$0x20] =	vst v1;
	s25 =	sadd.s32 s0, s25  }
0x438: {  	[tilespmem:s15+$0xFFFFFFC0] =	vst v2;
	s23 =	sadd.s32 s23, s25;
	s25 =	sor.u32 $0x4000, s1  }
0x439: {  	[tilespmem:s19], [sflag:$0x2] =	stream.strided.gather [hbm4b:s23+s16], $0x1000, s17, s16, $0x38;
	[tilespmem:$0x1E700] =	vst v63  }
0x43a: {  	s15 =	sadd.s32 s4, s25  }
0x43b: {  	[hbm4b:s15+s16] =	stream.strided.scatter [tilespmem:s8], [sflag:$0x6], $0x1000, s17, s16, $0x38;
	[tilespmem:$0x1E700] =	vst v63  }
0x43c: {  	_ =	swait.ge [sflag:s9], $0x1000  }
0x43d: {  	[sflag:s9] =	ssyncset.done $0x0  }
0x43e: {  	[sflag:s9] =	ssyncadd.s32 $0xFFFFF000  }
0x43f: {  	_ =	swait.ge [sflag:s21], $0x1000  }
0x440: {  	[sflag:s21] =	ssyncset.done $0x0  }
0x441: {  	s26 =	simm.s32 $0x1A740;
	[sflag:s21] =	ssyncadd.s32 $0xFFFFF000  }
0x442: {  	v1 =	vld [tilespmem:s26+$0x30]  }
0x443: {  	v2 =	vld [tilespmem:s26+$0xFFFFFFD0]  }
0x444: {  	v3 =	vld [tilespmem:s26+$0xFFFFFFE0]  }
0x445: {  	v4 =	vld [tilespmem:s26+$0xFFFFFFF0]  }
0x446: {  	v7 =	vld [tilespmem:s26+$0x0]  }
0x447: {  	v8 =	vld [tilespmem:s26+$0x10]  }
0x448: {  	v9 =	vld [tilespmem:s26+$0x20]  }
0x449: {  	v10 =	vld [tilespmem:s26+$0xFFFFFFC0]  }
0x44a: {  	v11 =	vld.idx.msk [tilespmem:v1+s6+$0x0], $0xffff  }
0x44b: {  	v12 =	vld.idx.msk [tilespmem:v2+s6+$0x0], $0xffff  }
0x44c: {  	v6 =	vld.idx.msk [tilespmem:v3+s6+$0x0], $0xffff  }
0x44d: {  	v5 =	vld.idx.msk [tilespmem:v4+s6+$0x0], $0xffff  }
0x44e: {  	v4 =	vld.idx.msk [tilespmem:v7+s6+$0x0], $0xffff  }
0x44f: {  	s15 =	simm.s32 $0x1C740;
	v3 =	vld.idx.msk [tilespmem:v8+s6+$0x0], $0xffff  }
0x450: {  	v1 =	vld.idx.msk [tilespmem:v9+s6+$0x0], $0xffff;
	[tilespmem:s15+$0x30] =	vst v11  }
0x451: {  	s23 =	simm.s32 $0x0;
	s25 =	simm.s32 $0x1A7C0;
	v2 =	vld.idx.msk [tilespmem:v10+s6+$0x0], $0xffff;
	[tilespmem:s15+$0xFFFFFFD0] =	vst v12  }
.LBB2_22:
0x452: {  	v7 =	vld [tilespmem:s25+$0x30];
	s23 =	sadd.s32 $0x80, s23;
	[tilespmem:s15+$0xFFFFFFE0] =	vst v6  }
0x453: {  	v6 =	vld [tilespmem:s25+$0xFFFFFFD0];
	p1 =	slt.u32 s23, $0xF80;
	[tilespmem:s15+$0xFFFFFFF0] =	vst v5  }
0x454: {  	v5 =	vld [tilespmem:s25+$0xFFFFFFE0];
	[tilespmem:s15+$0x0] =	vst v4  }
0x455: {  	v4 =	vld [tilespmem:s25+$0xFFFFFFF0];
	[tilespmem:s15+$0x10] =	vst v3  }
0x456: {  	v3 =	vld [tilespmem:s25+$0x0];
	[tilespmem:s15+$0x20] =	vst v1  }
0x457: {  	v1 =	vld [tilespmem:s25+$0x10];
	[tilespmem:s15+$0xFFFFFFC0] =	vst v2  }
0x458: {  	v2 =	vld [tilespmem:s25+$0x20]  }
0x459: {  	v8 =	vld [tilespmem:s25+$0xFFFFFFC0]  }
0x45a: {  	v7 =	vld.idx.msk [tilespmem:v7+s6+$0x0], $0xffff  }
0x45b: {  	v9 =	vld.idx.msk [tilespmem:v6+s6+$0x0], $0xffff  }
0x45c: {  	v6 =	vld.idx.msk [tilespmem:v5+s6+$0x0], $0xffff  }
.Ltmp27:
0x45d: {  	v5 =	vld.idx.msk [tilespmem:v4+s6+$0x0], $0xffff;
	(pc) =	sbr.rel @p1 .LBB2_22-.Ltmp27, $4  }
0x45e: {  	v4 =	vld.idx.msk [tilespmem:v3+s6+$0x0], $0xffff  }
0x45f: {  	s15 =	sadd.s32 $0x80, s15;
	v3 =	vld.idx.msk [tilespmem:v1+s6+$0x0], $0xffff  }
0x460: {  	v1 =	vld.idx.msk [tilespmem:v2+s6+$0x0], $0xffff;
	[tilespmem:s15+$0x30] =	vst v7  }
0x461: {  	s25 =	sadd.s32 $0x80, s25;
	v2 =	vld.idx.msk [tilespmem:v8+s6+$0x0], $0xffff;
	[tilespmem:s15+$0xFFFFFFD0] =	vst v9  }
0x462: {  	p1 =	seq.s32 s30, $0xB;
	[tilespmem:s15+$0xFFFFFFE0] =	vst v6  }
0x463: {  	[tilespmem:s15+$0xFFFFFFF0] =	vst v5;
	s23 =	sadd.s32 @!p1 $0x6, s31  }
0x464: {  	[tilespmem:s15+$0x0] =	vst v4;
	s25 =	sshll.u32 @!p1 s23, $0x4  }
0x465: {  	s23 =	sshll.u32 @!p1 s23, $0x9;
	[tilespmem:s15+$0x10] =	vst v3;
	s25 =	sand.u32 @!p1 $0x60, s25  }
0x466: {  	s26 =	simm.s32 @!p1 $0x1A700;
	s23 =	sand.u32 @!p1 $0xF000, s23;
	[tilespmem:s15+$0x20] =	vst v1;
	s25 =	sadd.s32 @!p1 s0, s25  }
0x467: {  	[tilespmem:s15+$0xFFFFFFC0] =	vst v2;
	s15 =	simm.s32 @!p1 $0x80;
	s23 =	sadd.s32 @!p1 s23, s25;
	s25 =	simm.s32 @!p1 $0x400  }
0x468: {  	[tilespmem:s26], [sflag:$0x3] =	stream.strided.gather @!p1 [hbm4b:s23+s15], $0x1000, s25, s15, $0x38;
	[tilespmem:$0x1E700] =	vst v63  }
0x469: {  	s25 =	sor.u32 $0x8000, s1  }
0x46a: {  	s15 =	sadd.s32 s4, s25  }
0x46b: {  	[hbm4b:s15+s16] =	stream.strided.scatter [tilespmem:s14], [sflag:$0x5], $0x1000, s17, s16, $0x38;
	[tilespmem:$0x1E700] =	vst v63  }
0x46c: {  	_ =	swait.ge [sflag:s10], $0x1000  }
0x46d: {  	[sflag:s10] =	ssyncset.done $0x0  }
0x46e: {  	[sflag:s10] =	ssyncadd.s32 $0xFFFFF000  }
0x46f: {  	_ =	swait.ge [sflag:s22], $0x1000  }
0x470: {  	[sflag:s22] =	ssyncset.done $0x0  }
0x471: {  	s26 =	simm.s32 $0x1B740;
	[sflag:s22] =	ssyncadd.s32 $0xFFFFF000  }
0x472: {  	v1 =	vld [tilespmem:s26+$0x30]  }
0x473: {  	v2 =	vld [tilespmem:s26+$0xFFFFFFD0]  }
0x474: {  	v3 =	vld [tilespmem:s26+$0xFFFFFFE0]  }
0x475: {  	v4 =	vld [tilespmem:s26+$0xFFFFFFF0]  }
0x476: {  	v7 =	vld [tilespmem:s26+$0x0]  }
0x477: {  	v8 =	vld [tilespmem:s26+$0x10]  }
0x478: {  	v9 =	vld [tilespmem:s26+$0x20]  }
0x479: {  	v10 =	vld [tilespmem:s26+$0xFFFFFFC0]  }
0x47a: {  	v11 =	vld.idx.msk [tilespmem:v1+s6+$0x0], $0xffff  }
0x47b: {  	v12 =	vld.idx.msk [tilespmem:v2+s6+$0x0], $0xffff  }
0x47c: {  	v6 =	vld.idx.msk [tilespmem:v3+s6+$0x0], $0xffff  }
0x47d: {  	v5 =	vld.idx.msk [tilespmem:v4+s6+$0x0], $0xffff  }
0x47e: {  	v4 =	vld.idx.msk [tilespmem:v7+s6+$0x0], $0xffff  }
0x47f: {  	s15 =	simm.s32 $0x1D740;
	v3 =	vld.idx.msk [tilespmem:v8+s6+$0x0], $0xffff  }
0x480: {  	v1 =	vld.idx.msk [tilespmem:v9+s6+$0x0], $0xffff;
	[tilespmem:s15+$0x30] =	vst v11  }
0x481: {  	s23 =	simm.s32 $0x0;
	s25 =	simm.s32 $0x1B7C0;
	v2 =	vld.idx.msk [tilespmem:v10+s6+$0x0], $0xffff;
	[tilespmem:s15+$0xFFFFFFD0] =	vst v12  }
.LBB2_24:
0x482: {  	v7 =	vld [tilespmem:s25+$0x30];
	s23 =	sadd.s32 $0x80, s23;
	[tilespmem:s15+$0xFFFFFFE0] =	vst v6  }
0x483: {  	v6 =	vld [tilespmem:s25+$0xFFFFFFD0];
	p2 =	slt.u32 s23, $0xF80;
	[tilespmem:s15+$0xFFFFFFF0] =	vst v5  }
0x484: {  	v5 =	vld [tilespmem:s25+$0xFFFFFFE0];
	[tilespmem:s15+$0x0] =	vst v4  }
0x485: {  	v4 =	vld [tilespmem:s25+$0xFFFFFFF0];
	[tilespmem:s15+$0x10] =	vst v3  }
0x486: {  	v3 =	vld [tilespmem:s25+$0x0];
	[tilespmem:s15+$0x20] =	vst v1  }
0x487: {  	v1 =	vld [tilespmem:s25+$0x10];
	[tilespmem:s15+$0xFFFFFFC0] =	vst v2  }
0x488: {  	v2 =	vld [tilespmem:s25+$0x20]  }
0x489: {  	v8 =	vld [tilespmem:s25+$0xFFFFFFC0]  }
0x48a: {  	v7 =	vld.idx.msk [tilespmem:v7+s6+$0x0], $0xffff  }
0x48b: {  	v9 =	vld.idx.msk [tilespmem:v6+s6+$0x0], $0xffff  }
0x48c: {  	v6 =	vld.idx.msk [tilespmem:v5+s6+$0x0], $0xffff  }
.Ltmp28:
0x48d: {  	v5 =	vld.idx.msk [tilespmem:v4+s6+$0x0], $0xffff;
	(pc) =	sbr.rel @p2 .LBB2_24-.Ltmp28, $4  }
0x48e: {  	v4 =	vld.idx.msk [tilespmem:v3+s6+$0x0], $0xffff  }
0x48f: {  	s15 =	sadd.s32 $0x80, s15;
	v3 =	vld.idx.msk [tilespmem:v1+s6+$0x0], $0xffff  }
0x490: {  	v1 =	vld.idx.msk [tilespmem:v2+s6+$0x0], $0xffff;
	[tilespmem:s15+$0x30] =	vst v7  }
0x491: {  	s25 =	sadd.s32 $0x80, s25;
	v2 =	vld.idx.msk [tilespmem:v8+s6+$0x0], $0xffff;
	[tilespmem:s15+$0xFFFFFFD0] =	vst v9  }
0x492: {  	[tilespmem:s15+$0xFFFFFFE0] =	vst v6  }
0x493: {  	s23 =	sadd.s32 @!p1 $0x7, s31;
	[tilespmem:s15+$0xFFFFFFF0] =	vst v5  }
0x494: {  	s25 =	sshll.u32 @!p1 s23, $0x4;
	[tilespmem:s15+$0x0] =	vst v4  }
0x495: {  	s26 =	simm.s32 @!p1 $0x1B700;
	s23 =	sshll.u32 @!p1 s23, $0x9;
	s25 =	sand.u32 @!p1 $0x70, s25;
	[tilespmem:s15+$0x10] =	vst v3  }
0x496: {  	s30 =	sadd.s32 $0x1, s30;
	s23 =	sand.u32 @!p1 $0xF000, s23;
	s25 =	sadd.s32 @!p1 s0, s25;
	[tilespmem:s15+$0x20] =	vst v1  }
0x497: {  	s23 =	sadd.s32 @!p1 s23, s25;
	[tilespmem:s15+$0xFFFFFFC0] =	vst v2;
	s15 =	simm.s32 @!p1 $0x80;
	s25 =	simm.s32 @!p1 $0x400  }
0x498: {  	[tilespmem:s26], [sflag:$0x4] =	stream.strided.gather @!p1 [hbm4b:s23+s15], $0x1000, s25, s15, $0x38;
	[tilespmem:$0x1E700] =	vst v63  }
0x499: {  	p1 =	sne.s32 s30, $0xC  }
.Ltmp29:
0x49a: {  	_ = 	snop;
	(pc) =	sbr.rel @p1 .LBB2_17-.Ltmp29, $4  }
0x49b: {  	_ = 	snop  }
0x49c: {  	s1 =	sor.u32 $0xC000, s1  }
0x49d: {  	s1 =	sadd.s32 s4, s1  }
0x49e: {  	[hbm4b:s1+s16] =	stream.strided.scatter [tilespmem:s8], [sflag:$0x6], $0x1000, s17, s16, $0x38;
	[tilespmem:$0x1E700] =	vst v63  }
0x49f: {  	_ =	swait.ge [sflag:s24], $0x1000  }
0x4a0: {  	[sflag:s24] =	ssyncset.done $0x0  }
0x4a1: {  	[sflag:s24] =	ssyncadd.s32 $0xFFFFF000  }
0x4a2: {  	_ =	swait.ge [sflag:s21], $0x1000  }
0x4a3: {  	[sflag:s21] =	ssyncset.done $0x0  }
0x4a4: {  	s1 =	simm.s32 $0x18740;
	[sflag:s21] =	ssyncadd.s32 $0xFFFFF000  }
0x4a5: {  	v1 =	vld [tilespmem:s1+$0x30]  }
0x4a6: {  	v2 =	vld [tilespmem:s1+$0xFFFFFFD0]  }
0x4a7: {  	v3 =	vld [tilespmem:s1+$0xFFFFFFE0]  }
0x4a8: {  	v4 =	vld [tilespmem:s1+$0xFFFFFFF0]  }
0x4a9: {  	v5 =	vld [tilespmem:s1+$0x0]  }
0x4aa: {  	v7 =	vld [tilespmem:s1+$0x10]  }
0x4ab: {  	v8 =	vld [tilespmem:s1+$0x20]  }
0x4ac: {  	v9 =	vld [tilespmem:s1+$0xFFFFFFC0]  }
0x4ad: {  	v10 =	vld.idx.msk [tilespmem:v1+s6+$0x0], $0xffff  }
0x4ae: {  	v11 =	vld.idx.msk [tilespmem:v2+s6+$0x0], $0xffff  }
0x4af: {  	v6 =	vld.idx.msk [tilespmem:v3+s6+$0x0], $0xffff  }
0x4b0: {  	v4 =	vld.idx.msk [tilespmem:v4+s6+$0x0], $0xffff  }
0x4b1: {  	v1 =	vld.idx.msk [tilespmem:v5+s6+$0x0], $0xffff  }
0x4b2: {  	s1 =	simm.s32 $0x1C740;
	v2 =	vld.idx.msk [tilespmem:v7+s6+$0x0], $0xffff  }
0x4b3: {  	v3 =	vld.idx.msk [tilespmem:v8+s6+$0x0], $0xffff;
	[tilespmem:s1+$0x30] =	vst v10  }
0x4b4: {  	s15 =	simm.s32 $0x0;
	s23 =	simm.s32 $0x187C0;
	v5 =	vld.idx.msk [tilespmem:v9+s6+$0x0], $0xffff;
	[tilespmem:s1+$0xFFFFFFD0] =	vst v11  }
.LBB2_27:
0x4b5: {  	v7 =	vld [tilespmem:s23+$0x30];
	s15 =	sadd.s32 $0x80, s15;
	[tilespmem:s1+$0xFFFFFFE0] =	vst v6  }
0x4b6: {  	v6 =	vld [tilespmem:s23+$0xFFFFFFD0];
	p1 =	slt.u32 s15, $0xF80;
	[tilespmem:s1+$0xFFFFFFF0] =	vst v4  }
0x4b7: {  	v4 =	vld [tilespmem:s23+$0xFFFFFFE0];
	[tilespmem:s1+$0x0] =	vst v1  }
0x4b8: {  	v1 =	vld [tilespmem:s23+$0xFFFFFFF0];
	[tilespmem:s1+$0x10] =	vst v2  }
0x4b9: {  	v2 =	vld [tilespmem:s23+$0x0];
	[tilespmem:s1+$0x20] =	vst v3  }
0x4ba: {  	v3 =	vld [tilespmem:s23+$0x10];
	[tilespmem:s1+$0xFFFFFFC0] =	vst v5  }
0x4bb: {  	v5 =	vld [tilespmem:s23+$0x20]  }
0x4bc: {  	v8 =	vld [tilespmem:s23+$0xFFFFFFC0]  }
0x4bd: {  	v7 =	vld.idx.msk [tilespmem:v7+s6+$0x0], $0xffff  }
0x4be: {  	v9 =	vld.idx.msk [tilespmem:v6+s6+$0x0], $0xffff  }
0x4bf: {  	v6 =	vld.idx.msk [tilespmem:v4+s6+$0x0], $0xffff  }
.Ltmp30:
0x4c0: {  	v4 =	vld.idx.msk [tilespmem:v1+s6+$0x0], $0xffff;
	(pc) =	sbr.rel @p1 .LBB2_27-.Ltmp30, $4  }
0x4c1: {  	v1 =	vld.idx.msk [tilespmem:v2+s6+$0x0], $0xffff  }
0x4c2: {  	s1 =	sadd.s32 $0x80, s1;
	v2 =	vld.idx.msk [tilespmem:v3+s6+$0x0], $0xffff  }
0x4c3: {  	v3 =	vld.idx.msk [tilespmem:v5+s6+$0x0], $0xffff;
	[tilespmem:s1+$0x30] =	vst v7  }
0x4c4: {  	s23 =	sadd.s32 $0x80, s23;
	v5 =	vld.idx.msk [tilespmem:v8+s6+$0x0], $0xffff;
	[tilespmem:s1+$0xFFFFFFD0] =	vst v9  }
0x4c5: {  	[tilespmem:s1+$0xFFFFFFE0] =	vst v6  }
0x4c6: {  	[tilespmem:s1+$0xFFFFFFF0] =	vst v4  }
0x4c7: {  	[tilespmem:s1+$0x0] =	vst v1  }
0x4c8: {  	[tilespmem:s1+$0x10] =	vst v2  }
0x4c9: {  	[tilespmem:s1+$0x20] =	vst v3  }
0x4ca: {  	[tilespmem:s1+$0xFFFFFFC0] =	vst v5  }
0x4cb: {  	s1 =	rddreg [dreg:$0x10]  }
0x4cc: {  	[hbm4b:s1+s16] =	stream.strided.scatter [tilespmem:s14], [sflag:$0x5], $0x1000, s17, s16, $0x38;
	[tilespmem:$0x1E700] =	vst v63  }
0x4cd: {  	_ =	swait.ge [sflag:s20], $0x1000  }
0x4ce: {  	[sflag:s20] =	ssyncset.done $0x0  }
0x4cf: {  	[sflag:s20] =	ssyncadd.s32 $0xFFFFF000  }
0x4d0: {  	_ =	swait.ge [sflag:s22], $0x1000  }
0x4d1: {  	[sflag:s22] =	ssyncset.done $0x0  }
0x4d2: {  	s31 =	simm.s32 $0x19740;
	[sflag:s22] =	ssyncadd.s32 $0xFFFFF000  }
0x4d3: {  	v1 =	vld [tilespmem:s31+$0x30]  }
0x4d4: {  	v2 =	vld [tilespmem:s31+$0xFFFFFFD0]  }
0x4d5: {  	v3 =	vld [tilespmem:s31+$0xFFFFFFE0]  }
0x4d6: {  	v4 =	vld [tilespmem:s31+$0xFFFFFFF0]  }
0x4d7: {  	v5 =	vld [tilespmem:s31+$0x0]  }
0x4d8: {  	v7 =	vld [tilespmem:s31+$0x10]  }
0x4d9: {  	v8 =	vld [tilespmem:s31+$0x20]  }
0x4da: {  	v9 =	vld [tilespmem:s31+$0xFFFFFFC0]  }
0x4db: {  	v10 =	vld.idx.msk [tilespmem:v1+s6+$0x0], $0xffff  }
0x4dc: {  	v11 =	vld.idx.msk [tilespmem:v2+s6+$0x0], $0xffff  }
0x4dd: {  	v6 =	vld.idx.msk [tilespmem:v3+s6+$0x0], $0xffff  }
0x4de: {  	v4 =	vld.idx.msk [tilespmem:v4+s6+$0x0], $0xffff  }
0x4df: {  	v1 =	vld.idx.msk [tilespmem:v5+s6+$0x0], $0xffff  }
0x4e0: {  	s1 =	simm.s32 $0x1D740;
	v2 =	vld.idx.msk [tilespmem:v7+s6+$0x0], $0xffff  }
0x4e1: {  	v3 =	vld.idx.msk [tilespmem:v8+s6+$0x0], $0xffff;
	[tilespmem:s1+$0x30] =	vst v10  }
0x4e2: {  	s15 =	simm.s32 $0x0;
	s23 =	simm.s32 $0x197C0;
	v5 =	vld.idx.msk [tilespmem:v9+s6+$0x0], $0xffff;
	[tilespmem:s1+$0xFFFFFFD0] =	vst v11  }
.LBB2_29:
0x4e3: {  	v7 =	vld [tilespmem:s23+$0x30];
	s15 =	sadd.s32 $0x80, s15;
	[tilespmem:s1+$0xFFFFFFE0] =	vst v6  }
0x4e4: {  	v6 =	vld [tilespmem:s23+$0xFFFFFFD0];
	p1 =	slt.u32 s15, $0xF80;
	[tilespmem:s1+$0xFFFFFFF0] =	vst v4  }
0x4e5: {  	v4 =	vld [tilespmem:s23+$0xFFFFFFE0];
	[tilespmem:s1+$0x0] =	vst v1  }
0x4e6: {  	v1 =	vld [tilespmem:s23+$0xFFFFFFF0];
	[tilespmem:s1+$0x10] =	vst v2  }
0x4e7: {  	v2 =	vld [tilespmem:s23+$0x0];
	[tilespmem:s1+$0x20] =	vst v3  }
0x4e8: {  	v3 =	vld [tilespmem:s23+$0x10];
	[tilespmem:s1+$0xFFFFFFC0] =	vst v5  }
0x4e9: {  	v5 =	vld [tilespmem:s23+$0x20]  }
0x4ea: {  	v8 =	vld [tilespmem:s23+$0xFFFFFFC0]  }
0x4eb: {  	v7 =	vld.idx.msk [tilespmem:v7+s6+$0x0], $0xffff  }
0x4ec: {  	v9 =	vld.idx.msk [tilespmem:v6+s6+$0x0], $0xffff  }
0x4ed: {  	v6 =	vld.idx.msk [tilespmem:v4+s6+$0x0], $0xffff  }
.Ltmp31:
0x4ee: {  	v4 =	vld.idx.msk [tilespmem:v1+s6+$0x0], $0xffff;
	(pc) =	sbr.rel @p1 .LBB2_29-.Ltmp31, $4  }
0x4ef: {  	v1 =	vld.idx.msk [tilespmem:v2+s6+$0x0], $0xffff  }
0x4f0: {  	s1 =	sadd.s32 $0x80, s1;
	v2 =	vld.idx.msk [tilespmem:v3+s6+$0x0], $0xffff  }
0x4f1: {  	v3 =	vld.idx.msk [tilespmem:v5+s6+$0x0], $0xffff;
	[tilespmem:s1+$0x30] =	vst v7  }
0x4f2: {  	s23 =	sadd.s32 $0x80, s23;
	v5 =	vld.idx.msk [tilespmem:v8+s6+$0x0], $0xffff;
	[tilespmem:s1+$0xFFFFFFD0] =	vst v9  }
0x4f3: {  	[tilespmem:s1+$0xFFFFFFE0] =	vst v6  }
0x4f4: {  	[tilespmem:s1+$0xFFFFFFF0] =	vst v4  }
0x4f5: {  	[tilespmem:s1+$0x0] =	vst v1  }
.Ltmp32:
0x4f6: {  	[tilespmem:s1+$0x10] =	vst v2;
	(pc) =	sbr.rel .LBB2_60-.Ltmp32, $4  }
0x4f7: {  	[tilespmem:s1+$0x20] =	vst v3  }
0x4f8: {  	[tilespmem:s1+$0xFFFFFFC0] =	vst v5  }
0x4f9: {  	s1 =	rddreg [dreg:$0xc]  }
0x4fa: {  	s23 =	rddreg [dreg:$0x1c]  }
.LBB2_61:
0x4fb: {  	_ =	sfence.sel $0x180000  }
0x4fc: {  	[bflag:$0x0] =	sbarrier.arrive $0xFFFF  }
0x4fd: {  	_ =	strace $0x90000047  }
0x4fe: {  	s0 =	stileid.u32;
	[bflag:$0x2] =	sbarrier.arrive $0xFFFF  }
0x4ff: {  	p0 =	sne.s32 s0, $0x0;
	s0 =	rddreg [dreg:$0x6]  }
0x500: {  	s0 =	sadd.s32 @!p0 $0x100000, s0  }
0x501: {  	[sflag:s0] =	ssyncadd.tile.s32 @!p0 $0x1;
	_ =	shalt  }
.Lfunc_end2:
_tile_overlayer_lowered:
.L_overlay_start_2:
0x502: {  	(tag) =	ssettag $0x2  }
0x503: {  	s0 =	rddreg [dreg:$0x0];
	s2 =	stileid.u32  }
0x504: {  	s1 =	rddreg [dreg:$0x1];
	p0 =	sne.s32 s2, $0x0  }
0x505: {  	s3 =	rddreg [dreg:$0x2];
	[bflag:$0x3] =	sbarrier.arrive $0xFFFF;
	s2 =	simm.s32 @!p0 $0x1C08  }
0x506: {  	[timem:s3], [sflag:s2] =	dma.local @!p0 [hbm:s0], s1  }
0x507: {  	s0 =	simm.s32 @!p0 $0x8  }
0x508: {  	_ =	swait.ge @!p0 [sflag:s0], s1  }
0x509: {  	s1 =	ssub.s32 @!p0 $0x0, s1;
	[sflag:s0] =	ssyncset.done @!p0 $0x0  }
0x50a: {  	[sflag:s0] =	ssyncadd.s32 @!p0 s1  }
0x50b: {  	[bflag:$0x3] =	sbarrier.arrive $0xFFFF  }
0x50c: {  	_ =	shalt  }

</sc_bundles>
